<compile_context>
chip_gen: v7x
topology: tpu7x:2x2x1
jax: 0.10.2.dev20260603
libtpu: 0.0.44.dev20260713+nightly
codegen_flags: <defaults>
</compile_context>

<pallas_src>
import functools

import jax
import jax.numpy as jnp
from jax import lax
from jax.experimental import pallas as pl
from jax.experimental.pallas import tpu as pltpu
from jax.experimental.pallas import tpu_sc as plsc

N_NODES = 10000
D_POS = 64
D_H = 128
D_MSG = 128
D_OUT = 64

NC = 2
NS = 16
NW = NC * NS

N_PAD = 10112
SINK = 10008
CHUNK = 56
NSLOT = 3

ROW_BLK = 1264


def _pre_body(pos_ref, vel_ref, w1a_ref, w1b_ref, b1_ref, a_ref, b_ref):
    h = jnp.concatenate([pos_ref[...], vel_ref[...]], axis=1)
    a_ref[...] = (
        jnp.dot(h, w1a_ref[...], preferred_element_type=jnp.float32) + b1_ref[...]
    )
    b_ref[...] = jnp.dot(h, w1b_ref[...], preferred_element_type=jnp.float32)


def _post_body(s0_ref, s1_ref, pos_ref, vel_ref, wm2_ref,
               wu1a_ref, wu1b_ref, bu1_ref, wu2_ref, bu2_ref, out_ref):
    s = s0_ref[...] + s1_ref[...]
    aggr = jnp.dot(s, wm2_ref[...], preferred_element_type=jnp.float32)
    h = jnp.concatenate([pos_ref[...], vel_ref[...]], axis=1)
    u = jnp.maximum(
        jnp.dot(h, wu1a_ref[...], preferred_element_type=jnp.float32)
        + jnp.dot(aggr, wu1b_ref[...], preferred_element_type=jnp.float32)
        + bu1_ref[...],
        0.0,
    )
    out_ref[...] = (
        jnp.dot(u, wu2_ref[...], preferred_element_type=jnp.float32) + bu2_ref[...]
    )


def _edge_kernel_body(n_chunks,
                      a_hbm, b_hbm, idx_hbm, z_hbm,
                      s0_hbm, s1_hbm,
                      idx0, idx1, idx2, sidx0, sidx1, sidx2,
                      a0, b0, a1, b1, a2, b2,
                      acc,
                      isem0, isem1, isem2, gsem0, gsem1, gsem2,
                      ssem0, ssem1, ssem2):
    c = lax.axis_index("c")
    s = lax.axis_index("s")
    wid = s * NC + c
    rows_per_tile = N_PAD // NS
    lo = s * rows_per_tile

    slots = (
        dict(idx=idx0, sidx=sidx0, a=a0, b=b0, isem=isem0, gsem=gsem0,
             ssem=ssem0),
        dict(idx=idx1, sidx=sidx1, a=a1, b=b1, isem=isem1, gsem=gsem1,
             ssem=ssem1),
        dict(idx=idx2, sidx=sidx2, a=a2, b=b2, isem=isem2, gsem=gsem2,
             ssem=ssem2),
    )

    def issue_idx(g, sl):
        pltpu.async_copy(idx_hbm.at[wid, g], sl["idx"], sl["isem"])

    def wait_idx(sl):
        pltpu.make_async_copy(idx_hbm.at[wid, 0], sl["idx"], sl["isem"]).wait()

    def issue_gather(sl):
        pltpu.async_copy(a_hbm.at[sl["idx"].at[0, pl.ds(0, CHUNK)]],
                         sl["a"], sl["gsem"])
        pltpu.async_copy(b_hbm.at[sl["idx"].at[0, pl.ds(128, CHUNK)]],
                         sl["b"], sl["gsem"])

    def wait_gather(sl):
        pltpu.make_async_copy(a_hbm.at[sl["idx"].at[0, pl.ds(0, CHUNK)]],
                              sl["a"], sl["gsem"]).wait()
        pltpu.make_async_copy(b_hbm.at[sl["idx"].at[0, pl.ds(128, CHUNK)]],
                              sl["b"], sl["gsem"]).wait()

    def issue_scatter(sl):
        pltpu.async_copy(sl["a"], acc.at[sl["sidx"].at[0]], sl["ssem"], add=True)

    def wait_scatter(sl):
        pltpu.make_async_copy(sl["a"], acc.at[sl["sidx"].at[0]], sl["ssem"]).wait()

    def copy_sidx(sl):
        for o in (0, 16, 32, CHUNK - 16):
            sl["sidx"][0, pl.ds(o, 16)] = sl["idx"][0, pl.ds(o, 16)]

    def compute(sl):
        a_buf, b_buf = sl["a"], sl["b"]

        def edge(e4, carry):
            for u in range(4):
                e = e4 * 4 + u
                for d in range(D_MSG // 16):
                    dsl = pl.ds(d * 16, 16)
                    a_buf[e, dsl] = jnp.maximum(
                        a_buf[e, dsl] + b_buf[e, dsl], 0.0)
            return carry

        lax.fori_loop(0, CHUNK // 4, edge, 0)

    pltpu.sync_copy(z_hbm.at[pl.ds(lo, rows_per_tile)],
                    acc.at[pl.ds(lo, rows_per_tile)])
    plsc.subcore_barrier()

    issue_idx(0, slots[0])
    issue_idx(1, slots[1])
    issue_idx(2, slots[2])
    wait_idx(slots[0])
    issue_gather(slots[0])
    wait_idx(slots[1])
    issue_gather(slots[1])

    def triple(t, carry):
        for k in (0, 1, 2):
            sl = slots[k]
            nxt = slots[(k + 2) % NSLOT]
            g = NSLOT * t + k

            wait_gather(sl)
            copy_sidx(sl)

            @pl.when(g + 3 < n_chunks)
            def _():
                issue_idx(g + 3, sl)

            @pl.when(g + 2 < n_chunks)
            def _():
                wait_idx(nxt)

                @pl.when(g >= 1)
                def _():
                    wait_scatter(nxt)

                issue_gather(nxt)

            compute(sl)
            issue_scatter(sl)
        return carry

    lax.fori_loop(0, n_chunks // NSLOT, triple, 0)
    wait_scatter(slots[0])
    wait_scatter(slots[1])
    wait_scatter(slots[2])

    plsc.subcore_barrier()

    @pl.when(c == 0)
    def _():
        pltpu.sync_copy(acc.at[pl.ds(lo, rows_per_tile)],
                        s0_hbm.at[pl.ds(lo, rows_per_tile)])

    @pl.when(c == 1)
    def _():
        pltpu.sync_copy(acc.at[pl.ds(lo, rows_per_tile)],
                        s1_hbm.at[pl.ds(lo, rows_per_tile)])


def _run_edges(a_tab, b_tab, idx_w, zeros, n_chunks):
    mesh = plsc.VectorSubcoreMesh(core_axis_name="c", subcore_axis_name="s")
    f32 = jnp.float32
    i32 = jnp.int32
    kern = functools.partial(
        pl.kernel,
        mesh=mesh,
        out_type=[
            jax.ShapeDtypeStruct((N_PAD, D_MSG), f32),
            jax.ShapeDtypeStruct((N_PAD, D_MSG), f32),
        ],
        scratch_types=[
            pltpu.VMEM((1, 192), i32), pltpu.VMEM((1, 192), i32),
            pltpu.VMEM((1, 192), i32),
            pltpu.VMEM((1, CHUNK), i32), pltpu.VMEM((1, CHUNK), i32),
            pltpu.VMEM((1, CHUNK), i32),
            pltpu.VMEM((CHUNK, D_MSG), f32), pltpu.VMEM((CHUNK, D_MSG), f32),
            pltpu.VMEM((CHUNK, D_MSG), f32), pltpu.VMEM((CHUNK, D_MSG), f32),
            pltpu.VMEM((CHUNK, D_MSG), f32), pltpu.VMEM((CHUNK, D_MSG), f32),
            pltpu.VMEM_SHARED((N_PAD, D_MSG), f32),
            pltpu.SemaphoreType.DMA, pltpu.SemaphoreType.DMA,
            pltpu.SemaphoreType.DMA, pltpu.SemaphoreType.DMA,
            pltpu.SemaphoreType.DMA, pltpu.SemaphoreType.DMA,
            pltpu.SemaphoreType.DMA, pltpu.SemaphoreType.DMA,
            pltpu.SemaphoreType.DMA,
        ],
    )(functools.partial(_edge_kernel_body, n_chunks))
    return kern(a_tab, b_tab, idx_w, zeros)


@jax.jit
def kernel(pos, vel, edge_index, W_msg1, b_msg1, W_msg2, b_msg2,
           W_upd1, b_upd1, W_upd2, b_upd2):
    f32 = jnp.float32
    n_nodes = pos.shape[0]
    n_edges = edge_index.shape[1]

    pos_p = jnp.pad(pos.astype(f32), ((0, N_PAD - n_nodes), (0, 0)))
    vel_p = jnp.pad(vel.astype(f32), ((0, N_PAD - n_nodes), (0, 0)))

    w1a = W_msg1[:D_H]
    w1b = W_msg1[D_H:]
    grid = (N_PAD // ROW_BLK,)
    row_spec = lambda w: pl.BlockSpec((ROW_BLK, w), lambda i: (i, 0))
    full_spec = lambda r, w: pl.BlockSpec((r, w), lambda i: (0, 0))

    a_tab, b_tab = pl.pallas_call(
        _pre_body,
        grid=grid,
        in_specs=[
            row_spec(D_POS), row_spec(D_POS),
            full_spec(D_H, D_H), full_spec(D_H, D_H), full_spec(1, D_H),
        ],
        out_specs=[row_spec(D_H), row_spec(D_H)],
        out_shape=[jax.ShapeDtypeStruct((N_PAD, D_H), f32)] * 2,
    )(pos_p, vel_p, w1a, w1b, b_msg1.reshape(1, D_H))

    e_per_chunkset = NW * CHUNK
    n_chunks = -(-n_edges // e_per_chunkset)
    n_chunks += (-n_chunks) % NSLOT
    e_pad = n_chunks * e_per_chunkset
    dst = edge_index[1].astype(jnp.int32)
    src = edge_index[0].astype(jnp.int32)
    sink_ids = N_NODES + (jnp.arange(e_pad - n_edges, dtype=jnp.int32)
                          % (N_PAD - N_NODES))
    dst_w = jnp.concatenate([dst, sink_ids])
    src_w = jnp.concatenate([src, sink_ids])
    dst_w = jnp.pad(dst_w.reshape(NW, n_chunks, 1, CHUNK),
                    ((0, 0), (0, 0), (0, 0), (0, 128 - CHUNK)))
    src_w = jnp.pad(src_w.reshape(NW, n_chunks, 1, CHUNK),
                    ((0, 0), (0, 0), (0, 0), (0, 64 - CHUNK)))
    idx_w = jnp.concatenate([dst_w, src_w], axis=3)

    zeros = jnp.zeros((N_PAD, D_MSG), dtype=f32)
    s0, s1 = _run_edges(a_tab, b_tab, idx_w, zeros, n_chunks)

    out = pl.pallas_call(
        _post_body,
        grid=grid,
        in_specs=[
            row_spec(D_MSG), row_spec(D_MSG), row_spec(D_POS), row_spec(D_POS),
            full_spec(D_MSG, D_H),
            full_spec(D_H, D_H), full_spec(D_H, D_H), full_spec(1, D_H),
            full_spec(D_H, D_OUT), full_spec(1, D_OUT),
        ],
        out_specs=[row_spec(D_OUT)],
        out_shape=[jax.ShapeDtypeStruct((N_PAD, D_OUT), f32)],
    )(s0, s1, pos_p, vel_p,
      W_msg2,
      W_upd1[:D_H], W_upd1[D_H:], b_upd1.reshape(1, D_H),
      W_upd2, b_upd2.reshape(1, D_OUT))[0]

    return out[:n_nodes]

# --- scband reference (transcript-rebuilt; emitter-appended) ---
"""Pipeline reference for scband-regression-model-53644141527375 (READ-ONLY COPY).

The authoritative reference and input builder live on the scoring server;
editing this copy changes nothing except your own understanding.
"""

import jax, jax.numpy as jnp
import numpy as np

N_NODES = 10000
N_EDGES = 320000
D_POS = 64
D_VEL = 64
D_H = D_POS + D_VEL  # 128
D_HIDDEN = 128
D_MSG = 128
D_OUT = 64


def setup_inputs(seed: int = 0) -> dict:
    key = jax.random.key(seed)
    ks = jax.random.split(key, 12)
    pos = jax.random.normal(ks[0], (N_NODES, D_POS), dtype=jnp.float32)
    vel = jax.random.normal(ks[1], (N_NODES, D_VEL), dtype=jnp.float32)
    edge_index = jax.random.randint(ks[2], (2, N_EDGES), 0, N_NODES, dtype=jnp.int64)
    # msg MLP: cat(h_i, h_j) [2*D_H] -> D_HIDDEN -> D_MSG
    W_msg1 = jax.random.normal(ks[3], (2 * D_H, D_HIDDEN), dtype=jnp.float32) * (1.0 / np.sqrt(2 * D_H))
    b_msg1 = jnp.zeros((D_HIDDEN,), dtype=jnp.float32)
    W_msg2 = jax.random.normal(ks[4], (D_HIDDEN, D_MSG), dtype=jnp.float32) * (1.0 / np.sqrt(D_HIDDEN))
    b_msg2 = jnp.zeros((D_MSG,), dtype=jnp.float32)
    # upd MLP: cat(h, aggr) [D_H + D_MSG] -> D_HIDDEN -> D_OUT
    W_upd1 = jax.random.normal(ks[5], (D_H + D_MSG, D_HIDDEN), dtype=jnp.float32) * (1.0 / np.sqrt(D_H + D_MSG))
    b_upd1 = jnp.zeros((D_HIDDEN,), dtype=jnp.float32)
    W_upd2 = jax.random.normal(ks[6], (D_HIDDEN, D_OUT), dtype=jnp.float32) * (1.0 / np.sqrt(D_HIDDEN))
    b_upd2 = jnp.zeros((D_OUT,), dtype=jnp.float32)
    return {
        "pos": pos,
        "vel": vel,
        "edge_index": edge_index,
        "W_msg1": W_msg1, "b_msg1": b_msg1,
        "W_msg2": W_msg2, "b_msg2": b_msg2,
        "W_upd1": W_upd1, "b_upd1": b_upd1,
        "W_upd2": W_upd2, "b_upd2": b_upd2,
    }


def reference(pos, vel, edge_index, W_msg1, b_msg1, W_msg2, b_msg2, W_upd1, b_upd1, W_upd2, b_upd2):
    # RegressionModel.forward: h = cat(pos, vel)
    h = jnp.concatenate([pos, vel], axis=-1)  # [N, D_H]
    # PyG convention: edge_index = [src(j), dst(i)]; propagate gathers h_i (dst) and h_j (src)
    src = edge_index[0]
    dst = edge_index[1]
    h_i = jnp.take(h, dst, axis=0)  # [E, D_H] gather
    h_j = jnp.take(h, src, axis=0)  # [E, D_H] gather
    # message: full_layer.message(h_i, h_j) modeled as MLP over cat(h_i, h_j)
    msg_in = jnp.concatenate([h_i, h_j], axis=-1)  # [E, 2*D_H]
    msg = jnp.maximum(msg_in @ W_msg1 + b_msg1, 0.0) @ W_msg2 + b_msg2  # [E, D_MSG]
    # aggregate: scatter-add by dst node (reduce='add', the MessagePassing default)
    aggr_out = jax.ops.segment_sum(msg, dst, num_segments=N_NODES)  # [N, D_MSG]
    # update: full_layer.update(aggr_out, h) modeled as MLP over cat(h, aggr_out)
    upd_in = jnp.concatenate([h, aggr_out], axis=-1)  # [N, D_H + D_MSG]
    acc_new = jnp.maximum(upd_in @ W_upd1 + b_upd1, 0.0) @ W_upd2 + b_upd2  # [N, D_OUT]
    # lin_pred_regression_model is None -> acc_out = acc_new
    return acc_new

if __name__ == "__main__":
    import jax
    _d = setup_inputs()
    print(jax.jit(kernel)(*tuple(_d.values())))

</pallas_src>

<mosaic_0001>
#map = affine_map<(d0, d1) -> (0, 0)>
#map1 = affine_map<(d0, d1) -> (0, 0, 0, 0)>
module attributes {stable_mosaic.version = 14 : i64} {
  func.func @_edge_kernel_body(%arg0: i32, %arg1: i32, %arg2: memref<10112x128xf32, #tpu.memory_space<hbm>>, %arg3: memref<10112x128xf32, #tpu.memory_space<hbm>>, %arg4: memref<32x180x1x192xi32, #tpu.memory_space<hbm>>, %arg5: memref<10112x128xf32, #tpu.memory_space<hbm>>, %arg6: memref<10112x128xf32, #tpu.memory_space<hbm>>, %arg7: memref<10112x128xf32, #tpu.memory_space<hbm>>, %arg8: memref<1x192xi32, #tpu.memory_space<vmem>>, %arg9: memref<1x192xi32, #tpu.memory_space<vmem>>, %arg10: memref<1x192xi32, #tpu.memory_space<vmem>>, %arg11: memref<1x56xi32, #tpu.memory_space<vmem>>, %arg12: memref<1x56xi32, #tpu.memory_space<vmem>>, %arg13: memref<1x56xi32, #tpu.memory_space<vmem>>, %arg14: memref<56x128xf32, #tpu.memory_space<vmem>>, %arg15: memref<56x128xf32, #tpu.memory_space<vmem>>, %arg16: memref<56x128xf32, #tpu.memory_space<vmem>>, %arg17: memref<56x128xf32, #tpu.memory_space<vmem>>, %arg18: memref<56x128xf32, #tpu.memory_space<vmem>>, %arg19: memref<56x128xf32, #tpu.memory_space<vmem>>, %arg20: memref<10112x128xf32, #tpu.memory_space<vmem_shared>>, %arg21: memref<!tpu.dma_semaphore, #tpu.memory_space<semaphore_mem>>, %arg22: memref<!tpu.dma_semaphore, #tpu.memory_space<semaphore_mem>>, %arg23: memref<!tpu.dma_semaphore, #tpu.memory_space<semaphore_mem>>, %arg24: memref<!tpu.dma_semaphore, #tpu.memory_space<semaphore_mem>>, %arg25: memref<!tpu.dma_semaphore, #tpu.memory_space<semaphore_mem>>, %arg26: memref<!tpu.dma_semaphore, #tpu.memory_space<semaphore_mem>>, %arg27: memref<!tpu.dma_semaphore, #tpu.memory_space<semaphore_mem>>, %arg28: memref<!tpu.dma_semaphore, #tpu.memory_space<semaphore_mem>>, %arg29: memref<!tpu.dma_semaphore, #tpu.memory_space<semaphore_mem>>) attributes {dimension_semantics = [#tpu.dimension_semantics<core_parallel>, #tpu.dimension_semantics<subcore_parallel>], iteration_bounds = array<i64: 2, 16>, scalar_prefetch = 0 : i64, scratch_operands = 22 : i64, tpu.core_type = #tpu.core_type<sc_vector_subcore>, window_params = [{transform_indices = #map}, {transform_indices = #map}, {transform_indices = #map1}, {transform_indices = #map}, {transform_indices = #map}, {transform_indices = #map}]} {
    %mul3A = arith.constant 2 : i32
    %mul3A_0 = arith.muli %arg1, %mul3A : i32
    %add3A = arith.addi %mul3A_0, %arg0 : i32
    %mul3A_1 = arith.constant 632 : i32
    %mul3A_2 = arith.muli %arg1, %mul3A_1 : i32
    "tpu.region"() ({
      %run_scoped3A = tpu.sem_alloc : memref<!tpu.dma_semaphore, #tpu.memory_space<semaphore_mem>>
      %dma_start3A_108 = arith.constant 0 : i32
      %dma_start3A_109 = tpu.memref_slice %arg20[%mul3A_2, %dma_start3A_108] : memref<10112x128xf32, #tpu.memory_space<vmem_shared>> -> memref<632x128xf32, #tpu.memory_space<vmem_shared>>
      %dma_start3A_110 = arith.constant 0 : i32
      %dma_start3A_111 = tpu.memref_slice %arg5[%mul3A_2, %dma_start3A_110] : memref<10112x128xf32, #tpu.memory_space<hbm>> -> memref<632x128xf32, #tpu.memory_space<hbm>>
      tpu.enqueue_dma source(%dma_start3A_111 : memref<632x128xf32, #tpu.memory_space<hbm>>) target(%dma_start3A_109 : memref<632x128xf32, #tpu.memory_space<vmem_shared>>) target_semaphore(%run_scoped3A : memref<!tpu.dma_semaphore, #tpu.memory_space<semaphore_mem>>)
      %dma_wait3A_112 = arith.constant 0 : i32
      %dma_wait3A_113 = tpu.memref_slice %arg20[%mul3A_2, %dma_wait3A_112] : memref<10112x128xf32, #tpu.memory_space<vmem_shared>> -> memref<632x128xf32, #tpu.memory_space<vmem_shared>>
      %dma_wait3A_114 = arith.constant 0 : i32
      %dma_wait3A_115 = tpu.memref_slice %arg5[%mul3A_2, %dma_wait3A_114] : memref<10112x128xf32, #tpu.memory_space<hbm>> -> memref<632x128xf32, #tpu.memory_space<hbm>>
      tpu.wait_dma2 semaphore(%run_scoped3A : memref<!tpu.dma_semaphore, #tpu.memory_space<semaphore_mem>>) src(%dma_wait3A_115 : memref<632x128xf32, #tpu.memory_space<hbm>>) dst(%dma_wait3A_113 : memref<632x128xf32, #tpu.memory_space<vmem_shared>>)
      tpu.yield
    }) : () -> ()
    %barrier3A = arith.constant 0 : index
    tpu.barrier barrier_id(%barrier3A)
    %dma_start3A = arith.constant 0 : i32
    %dma_start3A_3 = arith.constant 0 : i32
    %dma_start3A_4 = arith.constant 0 : i32
    %dma_start3A_5 = tpu.memref_slice %arg4[%add3A, %dma_start3A, %dma_start3A_3, %dma_start3A_4] : memref<32x180x1x192xi32, #tpu.memory_space<hbm>> -> memref<1x1x1x192xi32, #tpu.memory_space<hbm>>
    %dma_start3A_6 = tpu.memref_squeeze %dma_start3A_5 : memref<1x1x1x192xi32, #tpu.memory_space<hbm>> -> memref<1x192xi32, #tpu.memory_space<hbm>>
    %dma_start3A_7 = arith.constant 0 : i32
    %dma_start3A_8 = arith.constant 0 : i32
    %dma_start3A_9 = tpu.memref_slice %arg4[%add3A, %dma_start3A, %dma_start3A_7, %dma_start3A_8] : memref<32x180x1x192xi32, #tpu.memory_space<hbm>> -> memref<1x1x1x192xi32, #tpu.memory_space<hbm>>
    %dma_start3A_10 = tpu.memref_squeeze %dma_start3A_9 : memref<1x1x1x192xi32, #tpu.memory_space<hbm>> -> memref<1x192xi32, #tpu.memory_space<hbm>>
    tpu.enqueue_dma source(%dma_start3A_10 : memref<1x192xi32, #tpu.memory_space<hbm>>) target(%arg8 : memref<1x192xi32, #tpu.memory_space<vmem>>) target_semaphore(%arg21 : memref<!tpu.dma_semaphore, #tpu.memory_space<semaphore_mem>>)
    %dma_start3A_11 = arith.constant 1 : i32
    %dma_start3A_12 = arith.constant 0 : i32
    %dma_start3A_13 = arith.constant 0 : i32
    %dma_start3A_14 = tpu.memref_slice %arg4[%add3A, %dma_start3A_11, %dma_start3A_12, %dma_start3A_13] : memref<32x180x1x192xi32, #tpu.memory_space<hbm>> -> memref<1x1x1x192xi32, #tpu.memory_space<hbm>>
    %dma_start3A_15 = tpu.memref_squeeze %dma_start3A_14 : memref<1x1x1x192xi32, #tpu.memory_space<hbm>> -> memref<1x192xi32, #tpu.memory_space<hbm>>
    %dma_start3A_16 = arith.constant 0 : i32
    %dma_start3A_17 = arith.constant 0 : i32
    %dma_start3A_18 = tpu.memref_slice %arg4[%add3A, %dma_start3A_11, %dma_start3A_16, %dma_start3A_17] : memref<32x180x1x192xi32, #tpu.memory_space<hbm>> -> memref<1x1x1x192xi32, #tpu.memory_space<hbm>>
    %dma_start3A_19 = tpu.memref_squeeze %dma_start3A_18 : memref<1x1x1x192xi32, #tpu.memory_space<hbm>> -> memref<1x192xi32, #tpu.memory_space<hbm>>
    tpu.enqueue_dma source(%dma_start3A_19 : memref<1x192xi32, #tpu.memory_space<hbm>>) target(%arg9 : memref<1x192xi32, #tpu.memory_space<vmem>>) target_semaphore(%arg22 : memref<!tpu.dma_semaphore, #tpu.memory_space<semaphore_mem>>)
    %dma_start3A_20 = arith.constant 2 : i32
    %dma_start3A_21 = arith.constant 0 : i32
    %dma_start3A_22 = arith.constant 0 : i32
    %dma_start3A_23 = tpu.memref_slice %arg4[%add3A, %dma_start3A_20, %dma_start3A_21, %dma_start3A_22] : memref<32x180x1x192xi32, #tpu.memory_space<hbm>> -> memref<1x1x1x192xi32, #tpu.memory_space<hbm>>
    %dma_start3A_24 = tpu.memref_squeeze %dma_start3A_23 : memref<1x1x1x192xi32, #tpu.memory_space<hbm>> -> memref<1x192xi32, #tpu.memory_space<hbm>>
    %dma_start3A_25 = arith.constant 0 : i32
    %dma_start3A_26 = arith.constant 0 : i32
    %dma_start3A_27 = tpu.memref_slice %arg4[%add3A, %dma_start3A_20, %dma_start3A_25, %dma_start3A_26] : memref<32x180x1x192xi32, #tpu.memory_space<hbm>> -> memref<1x1x1x192xi32, #tpu.memory_space<hbm>>
    %dma_start3A_28 = tpu.memref_squeeze %dma_start3A_27 : memref<1x1x1x192xi32, #tpu.memory_space<hbm>> -> memref<1x192xi32, #tpu.memory_space<hbm>>
    tpu.enqueue_dma source(%dma_start3A_28 : memref<1x192xi32, #tpu.memory_space<hbm>>) target(%arg10 : memref<1x192xi32, #tpu.memory_space<vmem>>) target_semaphore(%arg23 : memref<!tpu.dma_semaphore, #tpu.memory_space<semaphore_mem>>)
    %dma_wait3A = arith.constant 0 : i32
    %dma_wait3A_29 = arith.constant 0 : i32
    %dma_wait3A_30 = arith.constant 0 : i32
    %dma_wait3A_31 = tpu.memref_slice %arg4[%add3A, %dma_wait3A, %dma_wait3A_29, %dma_wait3A_30] : memref<32x180x1x192xi32, #tpu.memory_space<hbm>> -> memref<1x1x1x192xi32, #tpu.memory_space<hbm>>
    %dma_wait3A_32 = tpu.memref_squeeze %dma_wait3A_31 : memref<1x1x1x192xi32, #tpu.memory_space<hbm>> -> memref<1x192xi32, #tpu.memory_space<hbm>>
    %dma_wait3A_33 = arith.constant 0 : i32
    %dma_wait3A_34 = arith.constant 0 : i32
    %dma_wait3A_35 = tpu.memref_slice %arg4[%add3A, %dma_wait3A, %dma_wait3A_33, %dma_wait3A_34] : memref<32x180x1x192xi32, #tpu.memory_space<hbm>> -> memref<1x1x1x192xi32, #tpu.memory_space<hbm>>
    %dma_wait3A_36 = tpu.memref_squeeze %dma_wait3A_35 : memref<1x1x1x192xi32, #tpu.memory_space<hbm>> -> memref<1x192xi32, #tpu.memory_space<hbm>>
    tpu.wait_dma2 semaphore(%arg21 : memref<!tpu.dma_semaphore, #tpu.memory_space<semaphore_mem>>) src(%dma_wait3A_36 : memref<1x192xi32, #tpu.memory_space<hbm>>) dst(%arg8 : memref<1x192xi32, #tpu.memory_space<vmem>>)
    %dma_start3A_37 = arith.constant 0 : i32
    %dma_start3A_38 = arith.constant 0 : i32
    %dma_start3A_39 = tpu.memref_slice %arg8[%dma_start3A_37, %dma_start3A_38] : memref<1x192xi32, #tpu.memory_space<vmem>> -> memref<1x56xi32, #tpu.memory_space<vmem>>
    %dma_start3A_40 = tpu.memref_squeeze %dma_start3A_39 : memref<1x56xi32, #tpu.memory_space<vmem>> -> memref<56xi32, #tpu.memory_space<vmem>>
    %dma_start3A_41 = arith.constant 0 : i32
    %dma_start3A_42 = arith.constant 0 : i32
    %dma_start3A_43 = tpu.memref_slice %arg2[%dma_start3A_41, %dma_start3A_42] : memref<10112x128xf32, #tpu.memory_space<hbm>> -> memref<10112x128xf32, #tpu.memory_space<hbm>>
    tpu.enqueue_indirect_dma source(%dma_start3A_43 : memref<10112x128xf32, #tpu.memory_space<hbm>>) target(%arg14 : memref<56x128xf32, #tpu.memory_space<vmem>>) offsets(%dma_start3A_40 : memref<56xi32, #tpu.memory_space<vmem>>) semaphore(%arg24 : memref<!tpu.dma_semaphore, #tpu.memory_space<semaphore_mem>>)
    %dma_start3A_44 = arith.constant 0 : i32
    %dma_start3A_45 = arith.constant 128 : i32
    %dma_start3A_46 = tpu.memref_slice %arg8[%dma_start3A_44, %dma_start3A_45] : memref<1x192xi32, #tpu.memory_space<vmem>> -> memref<1x56xi32, #tpu.memory_space<vmem>>
    %dma_start3A_47 = tpu.memref_squeeze %dma_start3A_46 : memref<1x56xi32, #tpu.memory_space<vmem>> -> memref<56xi32, #tpu.memory_space<vmem>>
    %dma_start3A_48 = arith.constant 0 : i32
    %dma_start3A_49 = arith.constant 0 : i32
    %dma_start3A_50 = tpu.memref_slice %arg3[%dma_start3A_48, %dma_start3A_49] : memref<10112x128xf32, #tpu.memory_space<hbm>> -> memref<10112x128xf32, #tpu.memory_space<hbm>>
    tpu.enqueue_indirect_dma source(%dma_start3A_50 : memref<10112x128xf32, #tpu.memory_space<hbm>>) target(%arg15 : memref<56x128xf32, #tpu.memory_space<vmem>>) offsets(%dma_start3A_47 : memref<56xi32, #tpu.memory_space<vmem>>) semaphore(%arg24 : memref<!tpu.dma_semaphore, #tpu.memory_space<semaphore_mem>>)
    %dma_wait3A_51 = arith.constant 0 : i32
    %dma_wait3A_52 = arith.constant 0 : i32
    %dma_wait3A_53 = arith.constant 0 : i32
    %dma_wait3A_54 = tpu.memref_slice %arg4[%add3A, %dma_wait3A_51, %dma_wait3A_52, %dma_wait3A_53] : memref<32x180x1x192xi32, #tpu.memory_space<hbm>> -> memref<1x1x1x192xi32, #tpu.memory_space<hbm>>
    %dma_wait3A_55 = tpu.memref_squeeze %dma_wait3A_54 : memref<1x1x1x192xi32, #tpu.memory_space<hbm>> -> memref<1x192xi32, #tpu.memory_space<hbm>>
    %dma_wait3A_56 = arith.constant 0 : i32
    %dma_wait3A_57 = arith.constant 0 : i32
    %dma_wait3A_58 = tpu.memref_slice %arg4[%add3A, %dma_wait3A_51, %dma_wait3A_56, %dma_wait3A_57] : memref<32x180x1x192xi32, #tpu.memory_space<hbm>> -> memref<1x1x1x192xi32, #tpu.memory_space<hbm>>
    %dma_wait3A_59 = tpu.memref_squeeze %dma_wait3A_58 : memref<1x1x1x192xi32, #tpu.memory_space<hbm>> -> memref<1x192xi32, #tpu.memory_space<hbm>>
    tpu.wait_dma2 semaphore(%arg22 : memref<!tpu.dma_semaphore, #tpu.memory_space<semaphore_mem>>) src(%dma_wait3A_59 : memref<1x192xi32, #tpu.memory_space<hbm>>) dst(%arg9 : memref<1x192xi32, #tpu.memory_space<vmem>>)
    %dma_start3A_60 = arith.constant 0 : i32
    %dma_start3A_61 = arith.constant 0 : i32
    %dma_start3A_62 = tpu.memref_slice %arg9[%dma_start3A_60, %dma_start3A_61] : memref<1x192xi32, #tpu.memory_space<vmem>> -> memref<1x56xi32, #tpu.memory_space<vmem>>
    %dma_start3A_63 = tpu.memref_squeeze %dma_start3A_62 : memref<1x56xi32, #tpu.memory_space<vmem>> -> memref<56xi32, #tpu.memory_space<vmem>>
    %dma_start3A_64 = arith.constant 0 : i32
    %dma_start3A_65 = arith.constant 0 : i32
    %dma_start3A_66 = tpu.memref_slice %arg2[%dma_start3A_64, %dma_start3A_65] : memref<10112x128xf32, #tpu.memory_space<hbm>> -> memref<10112x128xf32, #tpu.memory_space<hbm>>
    tpu.enqueue_indirect_dma source(%dma_start3A_66 : memref<10112x128xf32, #tpu.memory_space<hbm>>) target(%arg16 : memref<56x128xf32, #tpu.memory_space<vmem>>) offsets(%dma_start3A_63 : memref<56xi32, #tpu.memory_space<vmem>>) semaphore(%arg25 : memref<!tpu.dma_semaphore, #tpu.memory_space<semaphore_mem>>)
    %dma_start3A_67 = arith.constant 0 : i32
    %dma_start3A_68 = arith.constant 128 : i32
    %dma_start3A_69 = tpu.memref_slice %arg9[%dma_start3A_67, %dma_start3A_68] : memref<1x192xi32, #tpu.memory_space<vmem>> -> memref<1x56xi32, #tpu.memory_space<vmem>>
    %dma_start3A_70 = tpu.memref_squeeze %dma_start3A_69 : memref<1x56xi32, #tpu.memory_space<vmem>> -> memref<56xi32, #tpu.memory_space<vmem>>
    %dma_start3A_71 = arith.constant 0 : i32
    %dma_start3A_72 = arith.constant 0 : i32
    %dma_start3A_73 = tpu.memref_slice %arg3[%dma_start3A_71, %dma_start3A_72] : memref<10112x128xf32, #tpu.memory_space<hbm>> -> memref<10112x128xf32, #tpu.memory_space<hbm>>
    tpu.enqueue_indirect_dma source(%dma_start3A_73 : memref<10112x128xf32, #tpu.memory_space<hbm>>) target(%arg17 : memref<56x128xf32, #tpu.memory_space<vmem>>) offsets(%dma_start3A_70 : memref<56xi32, #tpu.memory_space<vmem>>) semaphore(%arg25 : memref<!tpu.dma_semaphore, #tpu.memory_space<semaphore_mem>>)
    %scan3A = arith.constant 0 : i32
    %scan3A_74 = arith.constant 0 : i32
    %scan3A_75 = arith.constant 60 : i32
    %scan3A_76 = arith.addi %scan3A_74, %scan3A_75 : i32
    %scan3A_77 = arith.constant 1 : i32
    scf.for %scan3A_108 = %scan3A_74 to %scan3A_76 step %scan3A_77  : i32 {
      %mul3A_109 = arith.constant 3 : i32
      %mul3A_110 = arith.muli %mul3A_109, %scan3A_108 : i32
      %add3A_111 = arith.constant 0 : i32
      %add3A_112 = arith.addi %mul3A_110, %add3A_111 : i32
      %dma_wait3A_113 = arith.constant 0 : i32
      %dma_wait3A_114 = arith.constant 0 : i32
      %dma_wait3A_115 = tpu.memref_slice %arg8[%dma_wait3A_113, %dma_wait3A_114] : memref<1x192xi32, #tpu.memory_space<vmem>> -> memref<1x56xi32, #tpu.memory_space<vmem>>
      %dma_wait3A_116 = tpu.memref_squeeze %dma_wait3A_115 : memref<1x56xi32, #tpu.memory_space<vmem>> -> memref<56xi32, #tpu.memory_space<vmem>>
      %dma_wait3A_117 = arith.constant 0 : i32
      %dma_wait3A_118 = arith.constant 0 : i32
      %dma_wait3A_119 = tpu.memref_slice %arg2[%dma_wait3A_117, %dma_wait3A_118] : memref<10112x128xf32, #tpu.memory_space<hbm>> -> memref<10112x128xf32, #tpu.memory_space<hbm>>
      tpu.wait_indirect_dma semaphore(%arg24 : memref<!tpu.dma_semaphore, #tpu.memory_space<semaphore_mem>>) src(%dma_wait3A_119 : memref<10112x128xf32, #tpu.memory_space<hbm>>) dst(%arg14 : memref<56x128xf32, #tpu.memory_space<vmem>>)
      %dma_wait3A_120 = arith.constant 0 : i32
      %dma_wait3A_121 = arith.constant 128 : i32
      %dma_wait3A_122 = tpu.memref_slice %arg8[%dma_wait3A_120, %dma_wait3A_121] : memref<1x192xi32, #tpu.memory_space<vmem>> -> memref<1x56xi32, #tpu.memory_space<vmem>>
      %dma_wait3A_123 = tpu.memref_squeeze %dma_wait3A_122 : memref<1x56xi32, #tpu.memory_space<vmem>> -> memref<56xi32, #tpu.memory_space<vmem>>
      %dma_wait3A_124 = arith.constant 0 : i32
      %dma_wait3A_125 = arith.constant 0 : i32
      %dma_wait3A_126 = tpu.memref_slice %arg3[%dma_wait3A_124, %dma_wait3A_125] : memref<10112x128xf32, #tpu.memory_space<hbm>> -> memref<10112x128xf32, #tpu.memory_space<hbm>>
      tpu.wait_indirect_dma semaphore(%arg24 : memref<!tpu.dma_semaphore, #tpu.memory_space<semaphore_mem>>) src(%dma_wait3A_126 : memref<10112x128xf32, #tpu.memory_space<hbm>>) dst(%arg15 : memref<56x128xf32, #tpu.memory_space<vmem>>)
      %get3A = arith.constant 0 : i32
      %get3A_127 = arith.index_cast %get3A : i32 to index
      %get3A_128 = arith.constant 0 : index
      %get3A_129 = tpu.vector_load %arg8[%get3A_127, %get3A_128] {strides = array<i32>} : memref<1x192xi32, #tpu.memory_space<vmem>>, vector<1x16xi32>,
      %get3A_130 = vector.shape_cast %get3A_129 : vector<1x16xi32> to vector<16xi32>
      %swap3A = arith.constant 0 : i32
      %swap3A_131 = arith.index_cast %swap3A : i32 to index
      %swap3A_132 = arith.constant 0 : index
      %swap3A_133 = tpu.vector_load %arg11[%swap3A_131, %swap3A_132] {strides = array<i32>} : memref<1x56xi32, #tpu.memory_space<vmem>>, vector<1x16xi32>,
      %swap3A_134 = vector.shape_cast %swap3A_133 : vector<1x16xi32> to vector<16xi32>
      %swap3A_135 = vector.shape_cast %get3A_130 : vector<16xi32> to vector<1x16xi32>
      tpu.vector_store %arg11[%swap3A_131, %swap3A_132], %swap3A_135 {strides = array<i32>} : memref<1x56xi32, #tpu.memory_space<vmem>>, vector<1x16xi32>,
      %get3A_136 = arith.constant 0 : i32
      %get3A_137 = arith.index_cast %get3A_136 : i32 to index
      %get3A_138 = arith.constant 16 : index
      %get3A_139 = tpu.vector_load %arg8[%get3A_137, %get3A_138] {strides = array<i32>} : memref<1x192xi32, #tpu.memory_space<vmem>>, vector<1x16xi32>,
      %get3A_140 = vector.shape_cast %get3A_139 : vector<1x16xi32> to vector<16xi32>
      %swap3A_141 = arith.constant 0 : i32
      %swap3A_142 = arith.index_cast %swap3A_141 : i32 to index
      %swap3A_143 = arith.constant 16 : index
      %swap3A_144 = tpu.vector_load %arg11[%swap3A_142, %swap3A_143] {strides = array<i32>} : memref<1x56xi32, #tpu.memory_space<vmem>>, vector<1x16xi32>,
      %swap3A_145 = vector.shape_cast %swap3A_144 : vector<1x16xi32> to vector<16xi32>
      %swap3A_146 = vector.shape_cast %get3A_140 : vector<16xi32> to vector<1x16xi32>
      tpu.vector_store %arg11[%swap3A_142, %swap3A_143], %swap3A_146 {strides = array<i32>} : memref<1x56xi32, #tpu.memory_space<vmem>>, vector<1x16xi32>,
      %get3A_147 = arith.constant 0 : i32
      %get3A_148 = arith.index_cast %get3A_147 : i32 to index
      %get3A_149 = arith.constant 32 : index
      %get3A_150 = tpu.vector_load %arg8[%get3A_148, %get3A_149] {strides = array<i32>} : memref<1x192xi32, #tpu.memory_space<vmem>>, vector<1x16xi32>,
      %get3A_151 = vector.shape_cast %get3A_150 : vector<1x16xi32> to vector<16xi32>
      %swap3A_152 = arith.constant 0 : i32
      %swap3A_153 = arith.index_cast %swap3A_152 : i32 to index
      %swap3A_154 = arith.constant 32 : index
      %swap3A_155 = tpu.vector_load %arg11[%swap3A_153, %swap3A_154] {strides = array<i32>} : memref<1x56xi32, #tpu.memory_space<vmem>>, vector<1x16xi32>,
      %swap3A_156 = vector.shape_cast %swap3A_155 : vector<1x16xi32> to vector<16xi32>
      %swap3A_157 = vector.shape_cast %get3A_151 : vector<16xi32> to vector<1x16xi32>
      tpu.vector_store %arg11[%swap3A_153, %swap3A_154], %swap3A_157 {strides = array<i32>} : memref<1x56xi32, #tpu.memory_space<vmem>>, vector<1x16xi32>,
      %get3A_158 = arith.constant 0 : i32
      %get3A_159 = arith.index_cast %get3A_158 : i32 to index
      %get3A_160 = arith.constant 40 : index
      %get3A_161 = tpu.vector_load %arg8[%get3A_159, %get3A_160] {strides = array<i32>} : memref<1x192xi32, #tpu.memory_space<vmem>>, vector<1x16xi32>,
      %get3A_162 = vector.shape_cast %get3A_161 : vector<1x16xi32> to vector<16xi32>
      %swap3A_163 = arith.constant 0 : i32
      %swap3A_164 = arith.index_cast %swap3A_163 : i32 to index
      %swap3A_165 = arith.constant 40 : index
      %swap3A_166 = tpu.vector_load %arg11[%swap3A_164, %swap3A_165] {strides = array<i32>} : memref<1x56xi32, #tpu.memory_space<vmem>>, vector<1x16xi32>,
      %swap3A_167 = vector.shape_cast %swap3A_166 : vector<1x16xi32> to vector<16xi32>
      %swap3A_168 = vector.shape_cast %get3A_162 : vector<16xi32> to vector<1x16xi32>
      tpu.vector_store %arg11[%swap3A_164, %swap3A_165], %swap3A_168 {strides = array<i32>} : memref<1x56xi32, #tpu.memory_space<vmem>>, vector<1x16xi32>,
      %add3A_169 = arith.constant 3 : i32
      %add3A_170 = arith.addi %add3A_112, %add3A_169 : i32
      %lt3A = arith.constant 180 : i32
      %lt3A_171 = arith.cmpi slt, %add3A_170, %lt3A : i32
      %convert_element_type3A_172 = arith.extui %lt3A_171 : i1 to i32
      %cond3A_173 = arith.constant 0 : i32
      %cond3A_174 = arith.cmpi ne, %convert_element_type3A_172, %cond3A_173 : i32
      scf.if %cond3A_174 {
        %add3A_373 = arith.constant 3 : i32
        %add3A_374 = arith.addi %add3A_112, %add3A_373 : i32
        %dma_start3A_375 = arith.constant 0 : i32
        %dma_start3A_376 = arith.constant 0 : i32
        %dma_start3A_377 = tpu.memref_slice %arg4[%add3A, %add3A_374, %dma_start3A_375, %dma_start3A_376] : memref<32x180x1x192xi32, #tpu.memory_space<hbm>> -> memref<1x1x1x192xi32, #tpu.memory_space<hbm>>
        %dma_start3A_378 = tpu.memref_squeeze %dma_start3A_377 : memref<1x1x1x192xi32, #tpu.memory_space<hbm>> -> memref<1x192xi32, #tpu.memory_space<hbm>>
        %dma_start3A_379 = arith.constant 0 : i32
        %dma_start3A_380 = arith.constant 0 : i32
        %dma_start3A_381 = tpu.memref_slice %arg4[%add3A, %add3A_374, %dma_start3A_379, %dma_start3A_380] : memref<32x180x1x192xi32, #tpu.memory_space<hbm>> -> memref<1x1x1x192xi32, #tpu.memory_space<hbm>>
        %dma_start3A_382 = tpu.memref_squeeze %dma_start3A_381 : memref<1x1x1x192xi32, #tpu.memory_space<hbm>> -> memref<1x192xi32, #tpu.memory_space<hbm>>
        tpu.enqueue_dma source(%dma_start3A_382 : memref<1x192xi32, #tpu.memory_space<hbm>>) target(%arg8 : memref<1x192xi32, #tpu.memory_space<vmem>>) target_semaphore(%arg21 : memref<!tpu.dma_semaphore, #tpu.memory_space<semaphore_mem>>)
      } else {
      }
      %add3A_175 = arith.constant 2 : i32
      %add3A_176 = arith.addi %add3A_112, %add3A_175 : i32
      %lt3A_177 = arith.constant 180 : i32
      %lt3A_178 = arith.cmpi slt, %add3A_176, %lt3A_177 : i32
      %convert_element_type3A_179 = arith.extui %lt3A_178 : i1 to i32
      %cond3A_180 = arith.constant 0 : i32
      %cond3A_181 = arith.cmpi ne, %convert_element_type3A_179, %cond3A_180 : i32
      scf.if %cond3A_181 {
        %dma_wait3A_373 = arith.constant 0 : i32
        %dma_wait3A_374 = arith.constant 0 : i32
        %dma_wait3A_375 = arith.constant 0 : i32
        %dma_wait3A_376 = tpu.memref_slice %arg4[%add3A, %dma_wait3A_373, %dma_wait3A_374, %dma_wait3A_375] : memref<32x180x1x192xi32, #tpu.memory_space<hbm>> -> memref<1x1x1x192xi32, #tpu.memory_space<hbm>>
        %dma_wait3A_377 = tpu.memref_squeeze %dma_wait3A_376 : memref<1x1x1x192xi32, #tpu.memory_space<hbm>> -> memref<1x192xi32, #tpu.memory_space<hbm>>
        %dma_wait3A_378 = arith.constant 0 : i32
        %dma_wait3A_379 = arith.constant 0 : i32
        %dma_wait3A_380 = tpu.memref_slice %arg4[%add3A, %dma_wait3A_373, %dma_wait3A_378, %dma_wait3A_379] : memref<32x180x1x192xi32, #tpu.memory_space<hbm>> -> memref<1x1x1x192xi32, #tpu.memory_space<hbm>>
        %dma_wait3A_381 = tpu.memref_squeeze %dma_wait3A_380 : memref<1x1x1x192xi32, #tpu.memory_space<hbm>> -> memref<1x192xi32, #tpu.memory_space<hbm>>
        tpu.wait_dma2 semaphore(%arg23 : memref<!tpu.dma_semaphore, #tpu.memory_space<semaphore_mem>>) src(%dma_wait3A_381 : memref<1x192xi32, #tpu.memory_space<hbm>>) dst(%arg10 : memref<1x192xi32, #tpu.memory_space<vmem>>)
        %ge3A = arith.constant 1 : i32
        %ge3A_382 = arith.cmpi sge, %add3A_112, %ge3A : i32
        %convert_element_type3A_383 = arith.extui %ge3A_382 : i1 to i32
        %cond3A_384 = arith.constant 0 : i32
        %cond3A_385 = arith.cmpi ne, %convert_element_type3A_383, %cond3A_384 : i32
        scf.if %cond3A_385 {
          %dma_wait3A_400 = arith.constant 0 : i32
          %dma_wait3A_401 = arith.constant 0 : i32
          %dma_wait3A_402 = tpu.memref_slice %arg13[%dma_wait3A_400, %dma_wait3A_401] : memref<1x56xi32, #tpu.memory_space<vmem>> -> memref<1x56xi32, #tpu.memory_space<vmem>>
          %dma_wait3A_403 = tpu.memref_squeeze %dma_wait3A_402 : memref<1x56xi32, #tpu.memory_space<vmem>> -> memref<56xi32, #tpu.memory_space<vmem>>
          %dma_wait3A_404 = arith.constant 0 : i32
          %dma_wait3A_405 = arith.constant 0 : i32
          %dma_wait3A_406 = tpu.memref_slice %arg20[%dma_wait3A_404, %dma_wait3A_405] : memref<10112x128xf32, #tpu.memory_space<vmem_shared>> -> memref<10112x128xf32, #tpu.memory_space<vmem_shared>>
          tpu.wait_indirect_dma semaphore(%arg29 : memref<!tpu.dma_semaphore, #tpu.memory_space<semaphore_mem>>) src(%arg18 : memref<56x128xf32, #tpu.memory_space<vmem>>) dst(%dma_wait3A_406 : memref<10112x128xf32, #tpu.memory_space<vmem_shared>>)
        } else {
        }
        %dma_start3A_386 = arith.constant 0 : i32
        %dma_start3A_387 = arith.constant 0 : i32
        %dma_start3A_388 = tpu.memref_slice %arg10[%dma_start3A_386, %dma_start3A_387] : memref<1x192xi32, #tpu.memory_space<vmem>> -> memref<1x56xi32, #tpu.memory_space<vmem>>
        %dma_start3A_389 = tpu.memref_squeeze %dma_start3A_388 : memref<1x56xi32, #tpu.memory_space<vmem>> -> memref<56xi32, #tpu.memory_space<vmem>>
        %dma_start3A_390 = arith.constant 0 : i32
        %dma_start3A_391 = arith.constant 0 : i32
        %dma_start3A_392 = tpu.memref_slice %arg2[%dma_start3A_390, %dma_start3A_391] : memref<10112x128xf32, #tpu.memory_space<hbm>> -> memref<10112x128xf32, #tpu.memory_space<hbm>>
        tpu.enqueue_indirect_dma source(%dma_start3A_392 : memref<10112x128xf32, #tpu.memory_space<hbm>>) target(%arg18 : memref<56x128xf32, #tpu.memory_space<vmem>>) offsets(%dma_start3A_389 : memref<56xi32, #tpu.memory_space<vmem>>) semaphore(%arg26 : memref<!tpu.dma_semaphore, #tpu.memory_space<semaphore_mem>>)
        %dma_start3A_393 = arith.constant 0 : i32
        %dma_start3A_394 = arith.constant 128 : i32
        %dma_start3A_395 = tpu.memref_slice %arg10[%dma_start3A_393, %dma_start3A_394] : memref<1x192xi32, #tpu.memory_space<vmem>> -> memref<1x56xi32, #tpu.memory_space<vmem>>
        %dma_start3A_396 = tpu.memref_squeeze %dma_start3A_395 : memref<1x56xi32, #tpu.memory_space<vmem>> -> memref<56xi32, #tpu.memory_space<vmem>>
        %dma_start3A_397 = arith.constant 0 : i32
        %dma_start3A_398 = arith.constant 0 : i32
        %dma_start3A_399 = tpu.memref_slice %arg3[%dma_start3A_397, %dma_start3A_398] : memref<10112x128xf32, #tpu.memory_space<hbm>> -> memref<10112x128xf32, #tpu.memory_space<hbm>>
        tpu.enqueue_indirect_dma source(%dma_start3A_399 : memref<10112x128xf32, #tpu.memory_space<hbm>>) target(%arg19 : memref<56x128xf32, #tpu.memory_space<vmem>>) offsets(%dma_start3A_396 : memref<56xi32, #tpu.memory_space<vmem>>) semaphore(%arg26 : memref<!tpu.dma_semaphore, #tpu.memory_space<semaphore_mem>>)
      } else {
      }
      %scan3A_182 = arith.constant 0 : i32
      %scan3A_183 = arith.constant 0 : i32
      %scan3A_184 = arith.constant 14 : i32
      %scan3A_185 = arith.addi %scan3A_183, %scan3A_184 : i32
      %scan3A_186 = arith.constant 1 : i32
      scf.for %scan3A_373 = %scan3A_183 to %scan3A_185 step %scan3A_186  : i32 {
        %mul3A_374 = arith.constant 4 : i32
        %mul3A_375 = arith.muli %scan3A_373, %mul3A_374 : i32
        %add3A_376 = arith.constant 0 : i32
        %add3A_377 = arith.addi %mul3A_375, %add3A_376 : i32
        %get3A_378 = arith.index_cast %add3A_377 : i32 to index
        %get3A_379 = arith.constant 0 : index
        %get3A_380 = tpu.vector_load %arg14[%get3A_378, %get3A_379] {strides = array<i32>} : memref<56x128xf32, #tpu.memory_space<vmem>>, vector<1x16xf32>,
        %get3A_381 = vector.shape_cast %get3A_380 : vector<1x16xf32> to vector<16xf32>
        %get3A_382 = arith.index_cast %add3A_377 : i32 to index
        %get3A_383 = arith.constant 0 : index
        %get3A_384 = tpu.vector_load %arg15[%get3A_382, %get3A_383] {strides = array<i32>} : memref<56x128xf32, #tpu.memory_space<vmem>>, vector<1x16xf32>,
        %get3A_385 = vector.shape_cast %get3A_384 : vector<1x16xf32> to vector<16xf32>
        %add3A_386 = arith.addf %get3A_381, %get3A_385 : vector<16xf32>
        %max3A = arith.constant 0.000000e+00 : f32
        %max3A_387 = vector.broadcast %max3A : f32 to vector<16xf32>
        %max3A_388 = arith.maximumf %add3A_386, %max3A_387 : vector<16xf32>
        %swap3A_389 = arith.index_cast %add3A_377 : i32 to index
        %swap3A_390 = arith.constant 0 : index
        %swap3A_391 = tpu.vector_load %arg14[%swap3A_389, %swap3A_390] {strides = array<i32>} : memref<56x128xf32, #tpu.memory_space<vmem>>, vector<1x16xf32>,
        %swap3A_392 = vector.shape_cast %swap3A_391 : vector<1x16xf32> to vector<16xf32>
        %swap3A_393 = vector.shape_cast %max3A_388 : vector<16xf32> to vector<1x16xf32>
        tpu.vector_store %arg14[%swap3A_389, %swap3A_390], %swap3A_393 {strides = array<i32>} : memref<56x128xf32, #tpu.memory_space<vmem>>, vector<1x16xf32>,
        %get3A_394 = arith.index_cast %add3A_377 : i32 to index
        %get3A_395 = arith.constant 16 : index
        %get3A_396 = tpu.vector_load %arg14[%get3A_394, %get3A_395] {strides = array<i32>} : memref<56x128xf32, #tpu.memory_space<vmem>>, vector<1x16xf32>,
        %get3A_397 = vector.shape_cast %get3A_396 : vector<1x16xf32> to vector<16xf32>
        %get3A_398 = arith.index_cast %add3A_377 : i32 to index
        %get3A_399 = arith.constant 16 : index
        %get3A_400 = tpu.vector_load %arg15[%get3A_398, %get3A_399] {strides = array<i32>} : memref<56x128xf32, #tpu.memory_space<vmem>>, vector<1x16xf32>,
        %get3A_401 = vector.shape_cast %get3A_400 : vector<1x16xf32> to vector<16xf32>
        %add3A_402 = arith.addf %get3A_397, %get3A_401 : vector<16xf32>
        %max3A_403 = arith.constant 0.000000e+00 : f32
        %max3A_404 = vector.broadcast %max3A_403 : f32 to vector<16xf32>
        %max3A_405 = arith.maximumf %add3A_402, %max3A_404 : vector<16xf32>
        %swap3A_406 = arith.index_cast %add3A_377 : i32 to index
        %swap3A_407 = arith.constant 16 : index
        %swap3A_408 = tpu.vector_load %arg14[%swap3A_406, %swap3A_407] {strides = array<i32>} : memref<56x128xf32, #tpu.memory_space<vmem>>, vector<1x16xf32>,
        %swap3A_409 = vector.shape_cast %swap3A_408 : vector<1x16xf32> to vector<16xf32>
        %swap3A_410 = vector.shape_cast %max3A_405 : vector<16xf32> to vector<1x16xf32>
        tpu.vector_store %arg14[%swap3A_406, %swap3A_407], %swap3A_410 {strides = array<i32>} : memref<56x128xf32, #tpu.memory_space<vmem>>, vector<1x16xf32>,
        %get3A_411 = arith.index_cast %add3A_377 : i32 to index
        %get3A_412 = arith.constant 32 : index
        %get3A_413 = tpu.vector_load %arg14[%get3A_411, %get3A_412] {strides = array<i32>} : memref<56x128xf32, #tpu.memory_space<vmem>>, vector<1x16xf32>,
        %get3A_414 = vector.shape_cast %get3A_413 : vector<1x16xf32> to vector<16xf32>
        %get3A_415 = arith.index_cast %add3A_377 : i32 to index
        %get3A_416 = arith.constant 32 : index
        %get3A_417 = tpu.vector_load %arg15[%get3A_415, %get3A_416] {strides = array<i32>} : memref<56x128xf32, #tpu.memory_space<vmem>>, vector<1x16xf32>,
        %get3A_418 = vector.shape_cast %get3A_417 : vector<1x16xf32> to vector<16xf32>
        %add3A_419 = arith.addf %get3A_414, %get3A_418 : vector<16xf32>
        %max3A_420 = arith.constant 0.000000e+00 : f32
        %max3A_421 = vector.broadcast %max3A_420 : f32 to vector<16xf32>
        %max3A_422 = arith.maximumf %add3A_419, %max3A_421 : vector<16xf32>
        %swap3A_423 = arith.index_cast %add3A_377 : i32 to index
        %swap3A_424 = arith.constant 32 : index
        %swap3A_425 = tpu.vector_load %arg14[%swap3A_423, %swap3A_424] {strides = array<i32>} : memref<56x128xf32, #tpu.memory_space<vmem>>, vector<1x16xf32>,
        %swap3A_426 = vector.shape_cast %swap3A_425 : vector<1x16xf32> to vector<16xf32>
        %swap3A_427 = vector.shape_cast %max3A_422 : vector<16xf32> to vector<1x16xf32>
        tpu.vector_store %arg14[%swap3A_423, %swap3A_424], %swap3A_427 {strides = array<i32>} : memref<56x128xf32, #tpu.memory_space<vmem>>, vector<1x16xf32>,
        %get3A_428 = arith.index_cast %add3A_377 : i32 to index
        %get3A_429 = arith.constant 48 : index
        %get3A_430 = tpu.vector_load %arg14[%get3A_428, %get3A_429] {strides = array<i32>} : memref<56x128xf32, #tpu.memory_space<vmem>>, vector<1x16xf32>,
        %get3A_431 = vector.shape_cast %get3A_430 : vector<1x16xf32> to vector<16xf32>
        %get3A_432 = arith.index_cast %add3A_377 : i32 to index
        %get3A_433 = arith.constant 48 : index
        %get3A_434 = tpu.vector_load %arg15[%get3A_432, %get3A_433] {strides = array<i32>} : memref<56x128xf32, #tpu.memory_space<vmem>>, vector<1x16xf32>,
        %get3A_435 = vector.shape_cast %get3A_434 : vector<1x16xf32> to vector<16xf32>
        %add3A_436 = arith.addf %get3A_431, %get3A_435 : vector<16xf32>
        %max3A_437 = arith.constant 0.000000e+00 : f32
        %max3A_438 = vector.broadcast %max3A_437 : f32 to vector<16xf32>
        %max3A_439 = arith.maximumf %add3A_436, %max3A_438 : vector<16xf32>
        %swap3A_440 = arith.index_cast %add3A_377 : i32 to index
        %swap3A_441 = arith.constant 48 : index
        %swap3A_442 = tpu.vector_load %arg14[%swap3A_440, %swap3A_441] {strides = array<i32>} : memref<56x128xf32, #tpu.memory_space<vmem>>, vector<1x16xf32>,
        %swap3A_443 = vector.shape_cast %swap3A_442 : vector<1x16xf32> to vector<16xf32>
        %swap3A_444 = vector.shape_cast %max3A_439 : vector<16xf32> to vector<1x16xf32>
        tpu.vector_store %arg14[%swap3A_440, %swap3A_441], %swap3A_444 {strides = array<i32>} : memref<56x128xf32, #tpu.memory_space<vmem>>, vector<1x16xf32>,
        %get3A_445 = arith.index_cast %add3A_377 : i32 to index
        %get3A_446 = arith.constant 64 : index
        %get3A_447 = tpu.vector_load %arg14[%get3A_445, %get3A_446] {strides = array<i32>} : memref<56x128xf32, #tpu.memory_space<vmem>>, vector<1x16xf32>,
        %get3A_448 = vector.shape_cast %get3A_447 : vector<1x16xf32> to vector<16xf32>
        %get3A_449 = arith.index_cast %add3A_377 : i32 to index
        %get3A_450 = arith.constant 64 : index
        %get3A_451 = tpu.vector_load %arg15[%get3A_449, %get3A_450] {strides = array<i32>} : memref<56x128xf32, #tpu.memory_space<vmem>>, vector<1x16xf32>,
        %get3A_452 = vector.shape_cast %get3A_451 : vector<1x16xf32> to vector<16xf32>
        %add3A_453 = arith.addf %get3A_448, %get3A_452 : vector<16xf32>
        %max3A_454 = arith.constant 0.000000e+00 : f32
        %max3A_455 = vector.broadcast %max3A_454 : f32 to vector<16xf32>
        %max3A_456 = arith.maximumf %add3A_453, %max3A_455 : vector<16xf32>
        %swap3A_457 = arith.index_cast %add3A_377 : i32 to index
        %swap3A_458 = arith.constant 64 : index
        %swap3A_459 = tpu.vector_load %arg14[%swap3A_457, %swap3A_458] {strides = array<i32>} : memref<56x128xf32, #tpu.memory_space<vmem>>, vector<1x16xf32>,
        %swap3A_460 = vector.shape_cast %swap3A_459 : vector<1x16xf32> to vector<16xf32>
        %swap3A_461 = vector.shape_cast %max3A_456 : vector<16xf32> to vector<1x16xf32>
        tpu.vector_store %arg14[%swap3A_457, %swap3A_458], %swap3A_461 {strides = array<i32>} : memref<56x128xf32, #tpu.memory_space<vmem>>, vector<1x16xf32>,
        %get3A_462 = arith.index_cast %add3A_377 : i32 to index
        %get3A_463 = arith.constant 80 : index
        %get3A_464 = tpu.vector_load %arg14[%get3A_462, %get3A_463] {strides = array<i32>} : memref<56x128xf32, #tpu.memory_space<vmem>>, vector<1x16xf32>,
        %get3A_465 = vector.shape_cast %get3A_464 : vector<1x16xf32> to vector<16xf32>
        %get3A_466 = arith.index_cast %add3A_377 : i32 to index
        %get3A_467 = arith.constant 80 : index
        %get3A_468 = tpu.vector_load %arg15[%get3A_466, %get3A_467] {strides = array<i32>} : memref<56x128xf32, #tpu.memory_space<vmem>>, vector<1x16xf32>,
        %get3A_469 = vector.shape_cast %get3A_468 : vector<1x16xf32> to vector<16xf32>
        %add3A_470 = arith.addf %get3A_465, %get3A_469 : vector<16xf32>
        %max3A_471 = arith.constant 0.000000e+00 : f32
        %max3A_472 = vector.broadcast %max3A_471 : f32 to vector<16xf32>
        %max3A_473 = arith.maximumf %add3A_470, %max3A_472 : vector<16xf32>
        %swap3A_474 = arith.index_cast %add3A_377 : i32 to index
        %swap3A_475 = arith.constant 80 : index
        %swap3A_476 = tpu.vector_load %arg14[%swap3A_474, %swap3A_475] {strides = array<i32>} : memref<56x128xf32, #tpu.memory_space<vmem>>, vector<1x16xf32>,
        %swap3A_477 = vector.shape_cast %swap3A_476 : vector<1x16xf32> to vector<16xf32>
        %swap3A_478 = vector.shape_cast %max3A_473 : vector<16xf32> to vector<1x16xf32>
        tpu.vector_store %arg14[%swap3A_474, %swap3A_475], %swap3A_478 {strides = array<i32>} : memref<56x128xf32, #tpu.memory_space<vmem>>, vector<1x16xf32>,
        %get3A_479 = arith.index_cast %add3A_377 : i32 to index
        %get3A_480 = arith.constant 96 : index
        %get3A_481 = tpu.vector_load %arg14[%get3A_479, %get3A_480] {strides = array<i32>} : memref<56x128xf32, #tpu.memory_space<vmem>>, vector<1x16xf32>,
        %get3A_482 = vector.shape_cast %get3A_481 : vector<1x16xf32> to vector<16xf32>
        %get3A_483 = arith.index_cast %add3A_377 : i32 to index
        %get3A_484 = arith.constant 96 : index
        %get3A_485 = tpu.vector_load %arg15[%get3A_483, %get3A_484] {strides = array<i32>} : memref<56x128xf32, #tpu.memory_space<vmem>>, vector<1x16xf32>,
        %get3A_486 = vector.shape_cast %get3A_485 : vector<1x16xf32> to vector<16xf32>
        %add3A_487 = arith.addf %get3A_482, %get3A_486 : vector<16xf32>
        %max3A_488 = arith.constant 0.000000e+00 : f32
        %max3A_489 = vector.broadcast %max3A_488 : f32 to vector<16xf32>
        %max3A_490 = arith.maximumf %add3A_487, %max3A_489 : vector<16xf32>
        %swap3A_491 = arith.index_cast %add3A_377 : i32 to index
        %swap3A_492 = arith.constant 96 : index
        %swap3A_493 = tpu.vector_load %arg14[%swap3A_491, %swap3A_492] {strides = array<i32>} : memref<56x128xf32, #tpu.memory_space<vmem>>, vector<1x16xf32>,
        %swap3A_494 = vector.shape_cast %swap3A_493 : vector<1x16xf32> to vector<16xf32>
        %swap3A_495 = vector.shape_cast %max3A_490 : vector<16xf32> to vector<1x16xf32>
        tpu.vector_store %arg14[%swap3A_491, %swap3A_492], %swap3A_495 {strides = array<i32>} : memref<56x128xf32, #tpu.memory_space<vmem>>, vector<1x16xf32>,
        %get3A_496 = arith.index_cast %add3A_377 : i32 to index
        %get3A_497 = arith.constant 112 : index
        %get3A_498 = tpu.vector_load %arg14[%get3A_496, %get3A_497] {strides = array<i32>} : memref<56x128xf32, #tpu.memory_space<vmem>>, vector<1x16xf32>,
        %get3A_499 = vector.shape_cast %get3A_498 : vector<1x16xf32> to vector<16xf32>
        %get3A_500 = arith.index_cast %add3A_377 : i32 to index
        %get3A_501 = arith.constant 112 : index
        %get3A_502 = tpu.vector_load %arg15[%get3A_500, %get3A_501] {strides = array<i32>} : memref<56x128xf32, #tpu.memory_space<vmem>>, vector<1x16xf32>,
        %get3A_503 = vector.shape_cast %get3A_502 : vector<1x16xf32> to vector<16xf32>
        %add3A_504 = arith.addf %get3A_499, %get3A_503 : vector<16xf32>
        %max3A_505 = arith.constant 0.000000e+00 : f32
        %max3A_506 = vector.broadcast %max3A_505 : f32 to vector<16xf32>
        %max3A_507 = arith.maximumf %add3A_504, %max3A_506 : vector<16xf32>
        %swap3A_508 = arith.index_cast %add3A_377 : i32 to index
        %swap3A_509 = arith.constant 112 : index
        %swap3A_510 = tpu.vector_load %arg14[%swap3A_508, %swap3A_509] {strides = array<i32>} : memref<56x128xf32, #tpu.memory_space<vmem>>, vector<1x16xf32>,
        %swap3A_511 = vector.shape_cast %swap3A_510 : vector<1x16xf32> to vector<16xf32>
        %swap3A_512 = vector.shape_cast %max3A_507 : vector<16xf32> to vector<1x16xf32>
        tpu.vector_store %arg14[%swap3A_508, %swap3A_509], %swap3A_512 {strides = array<i32>} : memref<56x128xf32, #tpu.memory_space<vmem>>, vector<1x16xf32>,
        %mul3A_513 = arith.constant 4 : i32
        %mul3A_514 = arith.muli %scan3A_373, %mul3A_513 : i32
        %add3A_515 = arith.constant 1 : i32
        %add3A_516 = arith.addi %mul3A_514, %add3A_515 : i32
        %get3A_517 = arith.index_cast %add3A_516 : i32 to index
        %get3A_518 = arith.constant 0 : index
        %get3A_519 = tpu.vector_load %arg14[%get3A_517, %get3A_518] {strides = array<i32>} : memref<56x128xf32, #tpu.memory_space<vmem>>, vector<1x16xf32>,
        %get3A_520 = vector.shape_cast %get3A_519 : vector<1x16xf32> to vector<16xf32>
        %get3A_521 = arith.index_cast %add3A_516 : i32 to index
        %get3A_522 = arith.constant 0 : index
        %get3A_523 = tpu.vector_load %arg15[%get3A_521, %get3A_522] {strides = array<i32>} : memref<56x128xf32, #tpu.memory_space<vmem>>, vector<1x16xf32>,
        %get3A_524 = vector.shape_cast %get3A_523 : vector<1x16xf32> to vector<16xf32>
        %add3A_525 = arith.addf %get3A_520, %get3A_524 : vector<16xf32>
        %max3A_526 = arith.constant 0.000000e+00 : f32
        %max3A_527 = vector.broadcast %max3A_526 : f32 to vector<16xf32>
        %max3A_528 = arith.maximumf %add3A_525, %max3A_527 : vector<16xf32>
        %swap3A_529 = arith.index_cast %add3A_516 : i32 to index
        %swap3A_530 = arith.constant 0 : index
        %swap3A_531 = tpu.vector_load %arg14[%swap3A_529, %swap3A_530] {strides = array<i32>} : memref<56x128xf32, #tpu.memory_space<vmem>>, vector<1x16xf32>,
        %swap3A_532 = vector.shape_cast %swap3A_531 : vector<1x16xf32> to vector<16xf32>
        %swap3A_533 = vector.shape_cast %max3A_528 : vector<16xf32> to vector<1x16xf32>
        tpu.vector_store %arg14[%swap3A_529, %swap3A_530], %swap3A_533 {strides = array<i32>} : memref<56x128xf32, #tpu.memory_space<vmem>>, vector<1x16xf32>,
        %get3A_534 = arith.index_cast %add3A_516 : i32 to index
        %get3A_535 = arith.constant 16 : index
        %get3A_536 = tpu.vector_load %arg14[%get3A_534, %get3A_535] {strides = array<i32>} : memref<56x128xf32, #tpu.memory_space<vmem>>, vector<1x16xf32>,
        %get3A_537 = vector.shape_cast %get3A_536 : vector<1x16xf32> to vector<16xf32>
        %get3A_538 = arith.index_cast %add3A_516 : i32 to index
        %get3A_539 = arith.constant 16 : index
        %get3A_540 = tpu.vector_load %arg15[%get3A_538, %get3A_539] {strides = array<i32>} : memref<56x128xf32, #tpu.memory_space<vmem>>, vector<1x16xf32>,
        %get3A_541 = vector.shape_cast %get3A_540 : vector<1x16xf32> to vector<16xf32>
        %add3A_542 = arith.addf %get3A_537, %get3A_541 : vector<16xf32>
        %max3A_543 = arith.constant 0.000000e+00 : f32
        %max3A_544 = vector.broadcast %max3A_543 : f32 to vector<16xf32>
        %max3A_545 = arith.maximumf %add3A_542, %max3A_544 : vector<16xf32>
        %swap3A_546 = arith.index_cast %add3A_516 : i32 to index
        %swap3A_547 = arith.constant 16 : index
        %swap3A_548 = tpu.vector_load %arg14[%swap3A_546, %swap3A_547] {strides = array<i32>} : memref<56x128xf32, #tpu.memory_space<vmem>>, vector<1x16xf32>,
        %swap3A_549 = vector.shape_cast %swap3A_548 : vector<1x16xf32> to vector<16xf32>
        %swap3A_550 = vector.shape_cast %max3A_545 : vector<16xf32> to vector<1x16xf32>
        tpu.vector_store %arg14[%swap3A_546, %swap3A_547], %swap3A_550 {strides = array<i32>} : memref<56x128xf32, #tpu.memory_space<vmem>>, vector<1x16xf32>,
        %get3A_551 = arith.index_cast %add3A_516 : i32 to index
        %get3A_552 = arith.constant 32 : index
        %get3A_553 = tpu.vector_load %arg14[%get3A_551, %get3A_552] {strides = array<i32>} : memref<56x128xf32, #tpu.memory_space<vmem>>, vector<1x16xf32>,
        %get3A_554 = vector.shape_cast %get3A_553 : vector<1x16xf32> to vector<16xf32>
        %get3A_555 = arith.index_cast %add3A_516 : i32 to index
        %get3A_556 = arith.constant 32 : index
        %get3A_557 = tpu.vector_load %arg15[%get3A_555, %get3A_556] {strides = array<i32>} : memref<56x128xf32, #tpu.memory_space<vmem>>, vector<1x16xf32>,
        %get3A_558 = vector.shape_cast %get3A_557 : vector<1x16xf32> to vector<16xf32>
        %add3A_559 = arith.addf %get3A_554, %get3A_558 : vector<16xf32>
        %max3A_560 = arith.constant 0.000000e+00 : f32
        %max3A_561 = vector.broadcast %max3A_560 : f32 to vector<16xf32>
        %max3A_562 = arith.maximumf %add3A_559, %max3A_561 : vector<16xf32>
        %swap3A_563 = arith.index_cast %add3A_516 : i32 to index
        %swap3A_564 = arith.constant 32 : index
        %swap3A_565 = tpu.vector_load %arg14[%swap3A_563, %swap3A_564] {strides = array<i32>} : memref<56x128xf32, #tpu.memory_space<vmem>>, vector<1x16xf32>,
        %swap3A_566 = vector.shape_cast %swap3A_565 : vector<1x16xf32> to vector<16xf32>
        %swap3A_567 = vector.shape_cast %max3A_562 : vector<16xf32> to vector<1x16xf32>
        tpu.vector_store %arg14[%swap3A_563, %swap3A_564], %swap3A_567 {strides = array<i32>} : memref<56x128xf32, #tpu.memory_space<vmem>>, vector<1x16xf32>,
        %get3A_568 = arith.index_cast %add3A_516 : i32 to index
        %get3A_569 = arith.constant 48 : index
        %get3A_570 = tpu.vector_load %arg14[%get3A_568, %get3A_569] {strides = array<i32>} : memref<56x128xf32, #tpu.memory_space<vmem>>, vector<1x16xf32>,
        %get3A_571 = vector.shape_cast %get3A_570 : vector<1x16xf32> to vector<16xf32>
        %get3A_572 = arith.index_cast %add3A_516 : i32 to index
        %get3A_573 = arith.constant 48 : index
        %get3A_574 = tpu.vector_load %arg15[%get3A_572, %get3A_573] {strides = array<i32>} : memref<56x128xf32, #tpu.memory_space<vmem>>, vector<1x16xf32>,
        %get3A_575 = vector.shape_cast %get3A_574 : vector<1x16xf32> to vector<16xf32>
        %add3A_576 = arith.addf %get3A_571, %get3A_575 : vector<16xf32>
        %max3A_577 = arith.constant 0.000000e+00 : f32
        %max3A_578 = vector.broadcast %max3A_577 : f32 to vector<16xf32>
        %max3A_579 = arith.maximumf %add3A_576, %max3A_578 : vector<16xf32>
        %swap3A_580 = arith.index_cast %add3A_516 : i32 to index
        %swap3A_581 = arith.constant 48 : index
        %swap3A_582 = tpu.vector_load %arg14[%swap3A_580, %swap3A_581] {strides = array<i32>} : memref<56x128xf32, #tpu.memory_space<vmem>>, vector<1x16xf32>,
        %swap3A_583 = vector.shape_cast %swap3A_582 : vector<1x16xf32> to vector<16xf32>
        %swap3A_584 = vector.shape_cast %max3A_579 : vector<16xf32> to vector<1x16xf32>
        tpu.vector_store %arg14[%swap3A_580, %swap3A_581], %swap3A_584 {strides = array<i32>} : memref<56x128xf32, #tpu.memory_space<vmem>>, vector<1x16xf32>,
        %get3A_585 = arith.index_cast %add3A_516 : i32 to index
        %get3A_586 = arith.constant 64 : index
        %get3A_587 = tpu.vector_load %arg14[%get3A_585, %get3A_586] {strides = array<i32>} : memref<56x128xf32, #tpu.memory_space<vmem>>, vector<1x16xf32>,
        %get3A_588 = vector.shape_cast %get3A_587 : vector<1x16xf32> to vector<16xf32>
        %get3A_589 = arith.index_cast %add3A_516 : i32 to index
        %get3A_590 = arith.constant 64 : index
        %get3A_591 = tpu.vector_load %arg15[%get3A_589, %get3A_590] {strides = array<i32>} : memref<56x128xf32, #tpu.memory_space<vmem>>, vector<1x16xf32>,
        %get3A_592 = vector.shape_cast %get3A_591 : vector<1x16xf32> to vector<16xf32>
        %add3A_593 = arith.addf %get3A_588, %get3A_592 : vector<16xf32>
        %max3A_594 = arith.constant 0.000000e+00 : f32
        %max3A_595 = vector.broadcast %max3A_594 : f32 to vector<16xf32>
        %max3A_596 = arith.maximumf %add3A_593, %max3A_595 : vector<16xf32>
        %swap3A_597 = arith.index_cast %add3A_516 : i32 to index
        %swap3A_598 = arith.constant 64 : index
        %swap3A_599 = tpu.vector_load %arg14[%swap3A_597, %swap3A_598] {strides = array<i32>} : memref<56x128xf32, #tpu.memory_space<vmem>>, vector<1x16xf32>,
        %swap3A_600 = vector.shape_cast %swap3A_599 : vector<1x16xf32> to vector<16xf32>
        %swap3A_601 = vector.shape_cast %max3A_596 : vector<16xf32> to vector<1x16xf32>
        tpu.vector_store %arg14[%swap3A_597, %swap3A_598], %swap3A_601 {strides = array<i32>} : memref<56x128xf32, #tpu.memory_space<vmem>>, vector<1x16xf32>,
        %get3A_602 = arith.index_cast %add3A_516 : i32 to index
        %get3A_603 = arith.constant 80 : index
        %get3A_604 = tpu.vector_load %arg14[%get3A_602, %get3A_603] {strides = array<i32>} : memref<56x128xf32, #tpu.memory_space<vmem>>, vector<1x16xf32>,
        %get3A_605 = vector.shape_cast %get3A_604 : vector<1x16xf32> to vector<16xf32>
        %get3A_606 = arith.index_cast %add3A_516 : i32 to index
        %get3A_607 = arith.constant 80 : index
        %get3A_608 = tpu.vector_load %arg15[%get3A_606, %get3A_607] {strides = array<i32>} : memref<56x128xf32, #tpu.memory_space<vmem>>, vector<1x16xf32>,
        %get3A_609 = vector.shape_cast %get3A_608 : vector<1x16xf32> to vector<16xf32>
        %add3A_610 = arith.addf %get3A_605, %get3A_609 : vector<16xf32>
        %max3A_611 = arith.constant 0.000000e+00 : f32
        %max3A_612 = vector.broadcast %max3A_611 : f32 to vector<16xf32>
        %max3A_613 = arith.maximumf %add3A_610, %max3A_612 : vector<16xf32>
        %swap3A_614 = arith.index_cast %add3A_516 : i32 to index
        %swap3A_615 = arith.constant 80 : index
        %swap3A_616 = tpu.vector_load %arg14[%swap3A_614, %swap3A_615] {strides = array<i32>} : memref<56x128xf32, #tpu.memory_space<vmem>>, vector<1x16xf32>,
        %swap3A_617 = vector.shape_cast %swap3A_616 : vector<1x16xf32> to vector<16xf32>
        %swap3A_618 = vector.shape_cast %max3A_613 : vector<16xf32> to vector<1x16xf32>
        tpu.vector_store %arg14[%swap3A_614, %swap3A_615], %swap3A_618 {strides = array<i32>} : memref<56x128xf32, #tpu.memory_space<vmem>>, vector<1x16xf32>,
        %get3A_619 = arith.index_cast %add3A_516 : i32 to index
        %get3A_620 = arith.constant 96 : index
        %get3A_621 = tpu.vector_load %arg14[%get3A_619, %get3A_620] {strides = array<i32>} : memref<56x128xf32, #tpu.memory_space<vmem>>, vector<1x16xf32>,
        %get3A_622 = vector.shape_cast %get3A_621 : vector<1x16xf32> to vector<16xf32>
        %get3A_623 = arith.index_cast %add3A_516 : i32 to index
        %get3A_624 = arith.constant 96 : index
        %get3A_625 = tpu.vector_load %arg15[%get3A_623, %get3A_624] {strides = array<i32>} : memref<56x128xf32, #tpu.memory_space<vmem>>, vector<1x16xf32>,
        %get3A_626 = vector.shape_cast %get3A_625 : vector<1x16xf32> to vector<16xf32>
        %add3A_627 = arith.addf %get3A_622, %get3A_626 : vector<16xf32>
        %max3A_628 = arith.constant 0.000000e+00 : f32
        %max3A_629 = vector.broadcast %max3A_628 : f32 to vector<16xf32>
        %max3A_630 = arith.maximumf %add3A_627, %max3A_629 : vector<16xf32>
        %swap3A_631 = arith.index_cast %add3A_516 : i32 to index
        %swap3A_632 = arith.constant 96 : index
        %swap3A_633 = tpu.vector_load %arg14[%swap3A_631, %swap3A_632] {strides = array<i32>} : memref<56x128xf32, #tpu.memory_space<vmem>>, vector<1x16xf32>,
        %swap3A_634 = vector.shape_cast %swap3A_633 : vector<1x16xf32> to vector<16xf32>
        %swap3A_635 = vector.shape_cast %max3A_630 : vector<16xf32> to vector<1x16xf32>
        tpu.vector_store %arg14[%swap3A_631, %swap3A_632], %swap3A_635 {strides = array<i32>} : memref<56x128xf32, #tpu.memory_space<vmem>>, vector<1x16xf32>,
        %get3A_636 = arith.index_cast %add3A_516 : i32 to index
        %get3A_637 = arith.constant 112 : index
        %get3A_638 = tpu.vector_load %arg14[%get3A_636, %get3A_637] {strides = array<i32>} : memref<56x128xf32, #tpu.memory_space<vmem>>, vector<1x16xf32>,
        %get3A_639 = vector.shape_cast %get3A_638 : vector<1x16xf32> to vector<16xf32>
        %get3A_640 = arith.index_cast %add3A_516 : i32 to index
        %get3A_641 = arith.constant 112 : index
        %get3A_642 = tpu.vector_load %arg15[%get3A_640, %get3A_641] {strides = array<i32>} : memref<56x128xf32, #tpu.memory_space<vmem>>, vector<1x16xf32>,
        %get3A_643 = vector.shape_cast %get3A_642 : vector<1x16xf32> to vector<16xf32>
        %add3A_644 = arith.addf %get3A_639, %get3A_643 : vector<16xf32>
        %max3A_645 = arith.constant 0.000000e+00 : f32
        %max3A_646 = vector.broadcast %max3A_645 : f32 to vector<16xf32>
        %max3A_647 = arith.maximumf %add3A_644, %max3A_646 : vector<16xf32>
        %swap3A_648 = arith.index_cast %add3A_516 : i32 to index
        %swap3A_649 = arith.constant 112 : index
        %swap3A_650 = tpu.vector_load %arg14[%swap3A_648, %swap3A_649] {strides = array<i32>} : memref<56x128xf32, #tpu.memory_space<vmem>>, vector<1x16xf32>,
        %swap3A_651 = vector.shape_cast %swap3A_650 : vector<1x16xf32> to vector<16xf32>
        %swap3A_652 = vector.shape_cast %max3A_647 : vector<16xf32> to vector<1x16xf32>
        tpu.vector_store %arg14[%swap3A_648, %swap3A_649], %swap3A_652 {strides = array<i32>} : memref<56x128xf32, #tpu.memory_space<vmem>>, vector<1x16xf32>,
        %mul3A_653 = arith.constant 4 : i32
        %mul3A_654 = arith.muli %scan3A_373, %mul3A_653 : i32
        %add3A_655 = arith.constant 2 : i32
        %add3A_656 = arith.addi %mul3A_654, %add3A_655 : i32
        %get3A_657 = arith.index_cast %add3A_656 : i32 to index
        %get3A_658 = arith.constant 0 : index
        %get3A_659 = tpu.vector_load %arg14[%get3A_657, %get3A_658] {strides = array<i32>} : memref<56x128xf32, #tpu.memory_space<vmem>>, vector<1x16xf32>,
        %get3A_660 = vector.shape_cast %get3A_659 : vector<1x16xf32> to vector<16xf32>
        %get3A_661 = arith.index_cast %add3A_656 : i32 to index
        %get3A_662 = arith.constant 0 : index
        %get3A_663 = tpu.vector_load %arg15[%get3A_661, %get3A_662] {strides = array<i32>} : memref<56x128xf32, #tpu.memory_space<vmem>>, vector<1x16xf32>,
        %get3A_664 = vector.shape_cast %get3A_663 : vector<1x16xf32> to vector<16xf32>
        %add3A_665 = arith.addf %get3A_660, %get3A_664 : vector<16xf32>
        %max3A_666 = arith.constant 0.000000e+00 : f32
        %max3A_667 = vector.broadcast %max3A_666 : f32 to vector<16xf32>
        %max3A_668 = arith.maximumf %add3A_665, %max3A_667 : vector<16xf32>
        %swap3A_669 = arith.index_cast %add3A_656 : i32 to index
        %swap3A_670 = arith.constant 0 : index
        %swap3A_671 = tpu.vector_load %arg14[%swap3A_669, %swap3A_670] {strides = array<i32>} : memref<56x128xf32, #tpu.memory_space<vmem>>, vector<1x16xf32>,
        %swap3A_672 = vector.shape_cast %swap3A_671 : vector<1x16xf32> to vector<16xf32>
        %swap3A_673 = vector.shape_cast %max3A_668 : vector<16xf32> to vector<1x16xf32>
        tpu.vector_store %arg14[%swap3A_669, %swap3A_670], %swap3A_673 {strides = array<i32>} : memref<56x128xf32, #tpu.memory_space<vmem>>, vector<1x16xf32>,
        %get3A_674 = arith.index_cast %add3A_656 : i32 to index
        %get3A_675 = arith.constant 16 : index
        %get3A_676 = tpu.vector_load %arg14[%get3A_674, %get3A_675] {strides = array<i32>} : memref<56x128xf32, #tpu.memory_space<vmem>>, vector<1x16xf32>,
        %get3A_677 = vector.shape_cast %get3A_676 : vector<1x16xf32> to vector<16xf32>
        %get3A_678 = arith.index_cast %add3A_656 : i32 to index
        %get3A_679 = arith.constant 16 : index
        %get3A_680 = tpu.vector_load %arg15[%get3A_678, %get3A_679] {strides = array<i32>} : memref<56x128xf32, #tpu.memory_space<vmem>>, vector<1x16xf32>,
        %get3A_681 = vector.shape_cast %get3A_680 : vector<1x16xf32> to vector<16xf32>
        %add3A_682 = arith.addf %get3A_677, %get3A_681 : vector<16xf32>
        %max3A_683 = arith.constant 0.000000e+00 : f32
        %max3A_684 = vector.broadcast %max3A_683 : f32 to vector<16xf32>
        %max3A_685 = arith.maximumf %add3A_682, %max3A_684 : vector<16xf32>
        %swap3A_686 = arith.index_cast %add3A_656 : i32 to index
        %swap3A_687 = arith.constant 16 : index
        %swap3A_688 = tpu.vector_load %arg14[%swap3A_686, %swap3A_687] {strides = array<i32>} : memref<56x128xf32, #tpu.memory_space<vmem>>, vector<1x16xf32>,
        %swap3A_689 = vector.shape_cast %swap3A_688 : vector<1x16xf32> to vector<16xf32>
        %swap3A_690 = vector.shape_cast %max3A_685 : vector<16xf32> to vector<1x16xf32>
        tpu.vector_store %arg14[%swap3A_686, %swap3A_687], %swap3A_690 {strides = array<i32>} : memref<56x128xf32, #tpu.memory_space<vmem>>, vector<1x16xf32>,
        %get3A_691 = arith.index_cast %add3A_656 : i32 to index
        %get3A_692 = arith.constant 32 : index
        %get3A_693 = tpu.vector_load %arg14[%get3A_691, %get3A_692] {strides = array<i32>} : memref<56x128xf32, #tpu.memory_space<vmem>>, vector<1x16xf32>,
        %get3A_694 = vector.shape_cast %get3A_693 : vector<1x16xf32> to vector<16xf32>
        %get3A_695 = arith.index_cast %add3A_656 : i32 to index
        %get3A_696 = arith.constant 32 : index
        %get3A_697 = tpu.vector_load %arg15[%get3A_695, %get3A_696] {strides = array<i32>} : memref<56x128xf32, #tpu.memory_space<vmem>>, vector<1x16xf32>,
        %get3A_698 = vector.shape_cast %get3A_697 : vector<1x16xf32> to vector<16xf32>
        %add3A_699 = arith.addf %get3A_694, %get3A_698 : vector<16xf32>
        %max3A_700 = arith.constant 0.000000e+00 : f32
        %max3A_701 = vector.broadcast %max3A_700 : f32 to vector<16xf32>
        %max3A_702 = arith.maximumf %add3A_699, %max3A_701 : vector<16xf32>
        %swap3A_703 = arith.index_cast %add3A_656 : i32 to index
        %swap3A_704 = arith.constant 32 : index
        %swap3A_705 = tpu.vector_load %arg14[%swap3A_703, %swap3A_704] {strides = array<i32>} : memref<56x128xf32, #tpu.memory_space<vmem>>, vector<1x16xf32>,
        %swap3A_706 = vector.shape_cast %swap3A_705 : vector<1x16xf32> to vector<16xf32>
        %swap3A_707 = vector.shape_cast %max3A_702 : vector<16xf32> to vector<1x16xf32>
        tpu.vector_store %arg14[%swap3A_703, %swap3A_704], %swap3A_707 {strides = array<i32>} : memref<56x128xf32, #tpu.memory_space<vmem>>, vector<1x16xf32>,
        %get3A_708 = arith.index_cast %add3A_656 : i32 to index
        %get3A_709 = arith.constant 48 : index
        %get3A_710 = tpu.vector_load %arg14[%get3A_708, %get3A_709] {strides = array<i32>} : memref<56x128xf32, #tpu.memory_space<vmem>>, vector<1x16xf32>,
        %get3A_711 = vector.shape_cast %get3A_710 : vector<1x16xf32> to vector<16xf32>
        %get3A_712 = arith.index_cast %add3A_656 : i32 to index
        %get3A_713 = arith.constant 48 : index
        %get3A_714 = tpu.vector_load %arg15[%get3A_712, %get3A_713] {strides = array<i32>} : memref<56x128xf32, #tpu.memory_space<vmem>>, vector<1x16xf32>,
        %get3A_715 = vector.shape_cast %get3A_714 : vector<1x16xf32> to vector<16xf32>
        %add3A_716 = arith.addf %get3A_711, %get3A_715 : vector<16xf32>
        %max3A_717 = arith.constant 0.000000e+00 : f32
        %max3A_718 = vector.broadcast %max3A_717 : f32 to vector<16xf32>
        %max3A_719 = arith.maximumf %add3A_716, %max3A_718 : vector<16xf32>
        %swap3A_720 = arith.index_cast %add3A_656 : i32 to index
        %swap3A_721 = arith.constant 48 : index
        %swap3A_722 = tpu.vector_load %arg14[%swap3A_720, %swap3A_721] {strides = array<i32>} : memref<56x128xf32, #tpu.memory_space<vmem>>, vector<1x16xf32>,
        %swap3A_723 = vector.shape_cast %swap3A_722 : vector<1x16xf32> to vector<16xf32>
        %swap3A_724 = vector.shape_cast %max3A_719 : vector<16xf32> to vector<1x16xf32>
        tpu.vector_store %arg14[%swap3A_720, %swap3A_721], %swap3A_724 {strides = array<i32>} : memref<56x128xf32, #tpu.memory_space<vmem>>, vector<1x16xf32>,
        %get3A_725 = arith.index_cast %add3A_656 : i32 to index
        %get3A_726 = arith.constant 64 : index
        %get3A_727 = tpu.vector_load %arg14[%get3A_725, %get3A_726] {strides = array<i32>} : memref<56x128xf32, #tpu.memory_space<vmem>>, vector<1x16xf32>,
        %get3A_728 = vector.shape_cast %get3A_727 : vector<1x16xf32> to vector<16xf32>
        %get3A_729 = arith.index_cast %add3A_656 : i32 to index
        %get3A_730 = arith.constant 64 : index
        %get3A_731 = tpu.vector_load %arg15[%get3A_729, %get3A_730] {strides = array<i32>} : memref<56x128xf32, #tpu.memory_space<vmem>>, vector<1x16xf32>,
        %get3A_732 = vector.shape_cast %get3A_731 : vector<1x16xf32> to vector<16xf32>
        %add3A_733 = arith.addf %get3A_728, %get3A_732 : vector<16xf32>
        %max3A_734 = arith.constant 0.000000e+00 : f32
        %max3A_735 = vector.broadcast %max3A_734 : f32 to vector<16xf32>
        %max3A_736 = arith.maximumf %add3A_733, %max3A_735 : vector<16xf32>
        %swap3A_737 = arith.index_cast %add3A_656 : i32 to index
        %swap3A_738 = arith.constant 64 : index
        %swap3A_739 = tpu.vector_load %arg14[%swap3A_737, %swap3A_738] {strides = array<i32>} : memref<56x128xf32, #tpu.memory_space<vmem>>, vector<1x16xf32>,
        %swap3A_740 = vector.shape_cast %swap3A_739 : vector<1x16xf32> to vector<16xf32>
        %swap3A_741 = vector.shape_cast %max3A_736 : vector<16xf32> to vector<1x16xf32>
        tpu.vector_store %arg14[%swap3A_737, %swap3A_738], %swap3A_741 {strides = array<i32>} : memref<56x128xf32, #tpu.memory_space<vmem>>, vector<1x16xf32>,
        %get3A_742 = arith.index_cast %add3A_656 : i32 to index
        %get3A_743 = arith.constant 80 : index
        %get3A_744 = tpu.vector_load %arg14[%get3A_742, %get3A_743] {strides = array<i32>} : memref<56x128xf32, #tpu.memory_space<vmem>>, vector<1x16xf32>,
        %get3A_745 = vector.shape_cast %get3A_744 : vector<1x16xf32> to vector<16xf32>
        %get3A_746 = arith.index_cast %add3A_656 : i32 to index
        %get3A_747 = arith.constant 80 : index
        %get3A_748 = tpu.vector_load %arg15[%get3A_746, %get3A_747] {strides = array<i32>} : memref<56x128xf32, #tpu.memory_space<vmem>>, vector<1x16xf32>,
        %get3A_749 = vector.shape_cast %get3A_748 : vector<1x16xf32> to vector<16xf32>
        %add3A_750 = arith.addf %get3A_745, %get3A_749 : vector<16xf32>
        %max3A_751 = arith.constant 0.000000e+00 : f32
        %max3A_752 = vector.broadcast %max3A_751 : f32 to vector<16xf32>
        %max3A_753 = arith.maximumf %add3A_750, %max3A_752 : vector<16xf32>
        %swap3A_754 = arith.index_cast %add3A_656 : i32 to index
        %swap3A_755 = arith.constant 80 : index
        %swap3A_756 = tpu.vector_load %arg14[%swap3A_754, %swap3A_755] {strides = array<i32>} : memref<56x128xf32, #tpu.memory_space<vmem>>, vector<1x16xf32>,
        %swap3A_757 = vector.shape_cast %swap3A_756 : vector<1x16xf32> to vector<16xf32>
        %swap3A_758 = vector.shape_cast %max3A_753 : vector<16xf32> to vector<1x16xf32>
        tpu.vector_store %arg14[%swap3A_754, %swap3A_755], %swap3A_758 {strides = array<i32>} : memref<56x128xf32, #tpu.memory_space<vmem>>, vector<1x16xf32>,
        %get3A_759 = arith.index_cast %add3A_656 : i32 to index
        %get3A_760 = arith.constant 96 : index
        %get3A_761 = tpu.vector_load %arg14[%get3A_759, %get3A_760] {strides = array<i32>} : memref<56x128xf32, #tpu.memory_space<vmem>>, vector<1x16xf32>,
        %get3A_762 = vector.shape_cast %get3A_761 : vector<1x16xf32> to vector<16xf32>
        %get3A_763 = arith.index_cast %add3A_656 : i32 to index
        %get3A_764 = arith.constant 96 : index
        %get3A_765 = tpu.vector_load %arg15[%get3A_763, %get3A_764] {strides = array<i32>} : memref<56x128xf32, #tpu.memory_space<vmem>>, vector<1x16xf32>,
        %get3A_766 = vector.shape_cast %get3A_765 : vector<1x16xf32> to vector<16xf32>
        %add3A_767 = arith.addf %get3A_762, %get3A_766 : vector<16xf32>
        %max3A_768 = arith.constant 0.000000e+00 : f32
        %max3A_769 = vector.broadcast %max3A_768 : f32 to vector<16xf32>
        %max3A_770 = arith.maximumf %add3A_767, %max3A_769 : vector<16xf32>
        %swap3A_771 = arith.index_cast %add3A_656 : i32 to index
        %swap3A_772 = arith.constant 96 : index
        %swap3A_773 = tpu.vector_load %arg14[%swap3A_771, %swap3A_772] {strides = array<i32>} : memref<56x128xf32, #tpu.memory_space<vmem>>, vector<1x16xf32>,
        %swap3A_774 = vector.shape_cast %swap3A_773 : vector<1x16xf32> to vector<16xf32>
        %swap3A_775 = vector.shape_cast %max3A_770 : vector<16xf32> to vector<1x16xf32>
        tpu.vector_store %arg14[%swap3A_771, %swap3A_772], %swap3A_775 {strides = array<i32>} : memref<56x128xf32, #tpu.memory_space<vmem>>, vector<1x16xf32>,
        %get3A_776 = arith.index_cast %add3A_656 : i32 to index
        %get3A_777 = arith.constant 112 : index
        %get3A_778 = tpu.vector_load %arg14[%get3A_776, %get3A_777] {strides = array<i32>} : memref<56x128xf32, #tpu.memory_space<vmem>>, vector<1x16xf32>,
        %get3A_779 = vector.shape_cast %get3A_778 : vector<1x16xf32> to vector<16xf32>
        %get3A_780 = arith.index_cast %add3A_656 : i32 to index
        %get3A_781 = arith.constant 112 : index
        %get3A_782 = tpu.vector_load %arg15[%get3A_780, %get3A_781] {strides = array<i32>} : memref<56x128xf32, #tpu.memory_space<vmem>>, vector<1x16xf32>,
        %get3A_783 = vector.shape_cast %get3A_782 : vector<1x16xf32> to vector<16xf32>
        %add3A_784 = arith.addf %get3A_779, %get3A_783 : vector<16xf32>
        %max3A_785 = arith.constant 0.000000e+00 : f32
        %max3A_786 = vector.broadcast %max3A_785 : f32 to vector<16xf32>
        %max3A_787 = arith.maximumf %add3A_784, %max3A_786 : vector<16xf32>
        %swap3A_788 = arith.index_cast %add3A_656 : i32 to index
        %swap3A_789 = arith.constant 112 : index
        %swap3A_790 = tpu.vector_load %arg14[%swap3A_788, %swap3A_789] {strides = array<i32>} : memref<56x128xf32, #tpu.memory_space<vmem>>, vector<1x16xf32>,
        %swap3A_791 = vector.shape_cast %swap3A_790 : vector<1x16xf32> to vector<16xf32>
        %swap3A_792 = vector.shape_cast %max3A_787 : vector<16xf32> to vector<1x16xf32>
        tpu.vector_store %arg14[%swap3A_788, %swap3A_789], %swap3A_792 {strides = array<i32>} : memref<56x128xf32, #tpu.memory_space<vmem>>, vector<1x16xf32>,
        %mul3A_793 = arith.constant 4 : i32
        %mul3A_794 = arith.muli %scan3A_373, %mul3A_793 : i32
        %add3A_795 = arith.constant 3 : i32
        %add3A_796 = arith.addi %mul3A_794, %add3A_795 : i32
        %get3A_797 = arith.index_cast %add3A_796 : i32 to index
        %get3A_798 = arith.constant 0 : index
        %get3A_799 = tpu.vector_load %arg14[%get3A_797, %get3A_798] {strides = array<i32>} : memref<56x128xf32, #tpu.memory_space<vmem>>, vector<1x16xf32>,
        %get3A_800 = vector.shape_cast %get3A_799 : vector<1x16xf32> to vector<16xf32>
        %get3A_801 = arith.index_cast %add3A_796 : i32 to index
        %get3A_802 = arith.constant 0 : index
        %get3A_803 = tpu.vector_load %arg15[%get3A_801, %get3A_802] {strides = array<i32>} : memref<56x128xf32, #tpu.memory_space<vmem>>, vector<1x16xf32>,
        %get3A_804 = vector.shape_cast %get3A_803 : vector<1x16xf32> to vector<16xf32>
        %add3A_805 = arith.addf %get3A_800, %get3A_804 : vector<16xf32>
        %max3A_806 = arith.constant 0.000000e+00 : f32
        %max3A_807 = vector.broadcast %max3A_806 : f32 to vector<16xf32>
        %max3A_808 = arith.maximumf %add3A_805, %max3A_807 : vector<16xf32>
        %swap3A_809 = arith.index_cast %add3A_796 : i32 to index
        %swap3A_810 = arith.constant 0 : index
        %swap3A_811 = tpu.vector_load %arg14[%swap3A_809, %swap3A_810] {strides = array<i32>} : memref<56x128xf32, #tpu.memory_space<vmem>>, vector<1x16xf32>,
        %swap3A_812 = vector.shape_cast %swap3A_811 : vector<1x16xf32> to vector<16xf32>
        %swap3A_813 = vector.shape_cast %max3A_808 : vector<16xf32> to vector<1x16xf32>
        tpu.vector_store %arg14[%swap3A_809, %swap3A_810], %swap3A_813 {strides = array<i32>} : memref<56x128xf32, #tpu.memory_space<vmem>>, vector<1x16xf32>,
        %get3A_814 = arith.index_cast %add3A_796 : i32 to index
        %get3A_815 = arith.constant 16 : index
        %get3A_816 = tpu.vector_load %arg14[%get3A_814, %get3A_815] {strides = array<i32>} : memref<56x128xf32, #tpu.memory_space<vmem>>, vector<1x16xf32>,
        %get3A_817 = vector.shape_cast %get3A_816 : vector<1x16xf32> to vector<16xf32>
        %get3A_818 = arith.index_cast %add3A_796 : i32 to index
        %get3A_819 = arith.constant 16 : index
        %get3A_820 = tpu.vector_load %arg15[%get3A_818, %get3A_819] {strides = array<i32>} : memref<56x128xf32, #tpu.memory_space<vmem>>, vector<1x16xf32>,
        %get3A_821 = vector.shape_cast %get3A_820 : vector<1x16xf32> to vector<16xf32>
        %add3A_822 = arith.addf %get3A_817, %get3A_821 : vector<16xf32>
        %max3A_823 = arith.constant 0.000000e+00 : f32
        %max3A_824 = vector.broadcast %max3A_823 : f32 to vector<16xf32>
        %max3A_825 = arith.maximumf %add3A_822, %max3A_824 : vector<16xf32>
        %swap3A_826 = arith.index_cast %add3A_796 : i32 to index
        %swap3A_827 = arith.constant 16 : index
        %swap3A_828 = tpu.vector_load %arg14[%swap3A_826, %swap3A_827] {strides = array<i32>} : memref<56x128xf32, #tpu.memory_space<vmem>>, vector<1x16xf32>,
        %swap3A_829 = vector.shape_cast %swap3A_828 : vector<1x16xf32> to vector<16xf32>
        %swap3A_830 = vector.shape_cast %max3A_825 : vector<16xf32> to vector<1x16xf32>
        tpu.vector_store %arg14[%swap3A_826, %swap3A_827], %swap3A_830 {strides = array<i32>} : memref<56x128xf32, #tpu.memory_space<vmem>>, vector<1x16xf32>,
        %get3A_831 = arith.index_cast %add3A_796 : i32 to index
        %get3A_832 = arith.constant 32 : index
        %get3A_833 = tpu.vector_load %arg14[%get3A_831, %get3A_832] {strides = array<i32>} : memref<56x128xf32, #tpu.memory_space<vmem>>, vector<1x16xf32>,
        %get3A_834 = vector.shape_cast %get3A_833 : vector<1x16xf32> to vector<16xf32>
        %get3A_835 = arith.index_cast %add3A_796 : i32 to index
        %get3A_836 = arith.constant 32 : index
        %get3A_837 = tpu.vector_load %arg15[%get3A_835, %get3A_836] {strides = array<i32>} : memref<56x128xf32, #tpu.memory_space<vmem>>, vector<1x16xf32>,
        %get3A_838 = vector.shape_cast %get3A_837 : vector<1x16xf32> to vector<16xf32>
        %add3A_839 = arith.addf %get3A_834, %get3A_838 : vector<16xf32>
        %max3A_840 = arith.constant 0.000000e+00 : f32
        %max3A_841 = vector.broadcast %max3A_840 : f32 to vector<16xf32>
        %max3A_842 = arith.maximumf %add3A_839, %max3A_841 : vector<16xf32>
        %swap3A_843 = arith.index_cast %add3A_796 : i32 to index
        %swap3A_844 = arith.constant 32 : index
        %swap3A_845 = tpu.vector_load %arg14[%swap3A_843, %swap3A_844] {strides = array<i32>} : memref<56x128xf32, #tpu.memory_space<vmem>>, vector<1x16xf32>,
        %swap3A_846 = vector.shape_cast %swap3A_845 : vector<1x16xf32> to vector<16xf32>
        %swap3A_847 = vector.shape_cast %max3A_842 : vector<16xf32> to vector<1x16xf32>
        tpu.vector_store %arg14[%swap3A_843, %swap3A_844], %swap3A_847 {strides = array<i32>} : memref<56x128xf32, #tpu.memory_space<vmem>>, vector<1x16xf32>,
        %get3A_848 = arith.index_cast %add3A_796 : i32 to index
        %get3A_849 = arith.constant 48 : index
        %get3A_850 = tpu.vector_load %arg14[%get3A_848, %get3A_849] {strides = array<i32>} : memref<56x128xf32, #tpu.memory_space<vmem>>, vector<1x16xf32>,
        %get3A_851 = vector.shape_cast %get3A_850 : vector<1x16xf32> to vector<16xf32>
        %get3A_852 = arith.index_cast %add3A_796 : i32 to index
        %get3A_853 = arith.constant 48 : index
        %get3A_854 = tpu.vector_load %arg15[%get3A_852, %get3A_853] {strides = array<i32>} : memref<56x128xf32, #tpu.memory_space<vmem>>, vector<1x16xf32>,
        %get3A_855 = vector.shape_cast %get3A_854 : vector<1x16xf32> to vector<16xf32>
        %add3A_856 = arith.addf %get3A_851, %get3A_855 : vector<16xf32>
        %max3A_857 = arith.constant 0.000000e+00 : f32
        %max3A_858 = vector.broadcast %max3A_857 : f32 to vector<16xf32>
        %max3A_859 = arith.maximumf %add3A_856, %max3A_858 : vector<16xf32>
        %swap3A_860 = arith.index_cast %add3A_796 : i32 to index
        %swap3A_861 = arith.constant 48 : index
        %swap3A_862 = tpu.vector_load %arg14[%swap3A_860, %swap3A_861] {strides = array<i32>} : memref<56x128xf32, #tpu.memory_space<vmem>>, vector<1x16xf32>,
        %swap3A_863 = vector.shape_cast %swap3A_862 : vector<1x16xf32> to vector<16xf32>
        %swap3A_864 = vector.shape_cast %max3A_859 : vector<16xf32> to vector<1x16xf32>
        tpu.vector_store %arg14[%swap3A_860, %swap3A_861], %swap3A_864 {strides = array<i32>} : memref<56x128xf32, #tpu.memory_space<vmem>>, vector<1x16xf32>,
        %get3A_865 = arith.index_cast %add3A_796 : i32 to index
        %get3A_866 = arith.constant 64 : index
        %get3A_867 = tpu.vector_load %arg14[%get3A_865, %get3A_866] {strides = array<i32>} : memref<56x128xf32, #tpu.memory_space<vmem>>, vector<1x16xf32>,
        %get3A_868 = vector.shape_cast %get3A_867 : vector<1x16xf32> to vector<16xf32>
        %get3A_869 = arith.index_cast %add3A_796 : i32 to index
        %get3A_870 = arith.constant 64 : index
        %get3A_871 = tpu.vector_load %arg15[%get3A_869, %get3A_870] {strides = array<i32>} : memref<56x128xf32, #tpu.memory_space<vmem>>, vector<1x16xf32>,
        %get3A_872 = vector.shape_cast %get3A_871 : vector<1x16xf32> to vector<16xf32>
        %add3A_873 = arith.addf %get3A_868, %get3A_872 : vector<16xf32>
        %max3A_874 = arith.constant 0.000000e+00 : f32
        %max3A_875 = vector.broadcast %max3A_874 : f32 to vector<16xf32>
        %max3A_876 = arith.maximumf %add3A_873, %max3A_875 : vector<16xf32>
        %swap3A_877 = arith.index_cast %add3A_796 : i32 to index
        %swap3A_878 = arith.constant 64 : index
        %swap3A_879 = tpu.vector_load %arg14[%swap3A_877, %swap3A_878] {strides = array<i32>} : memref<56x128xf32, #tpu.memory_space<vmem>>, vector<1x16xf32>,
        %swap3A_880 = vector.shape_cast %swap3A_879 : vector<1x16xf32> to vector<16xf32>
        %swap3A_881 = vector.shape_cast %max3A_876 : vector<16xf32> to vector<1x16xf32>
        tpu.vector_store %arg14[%swap3A_877, %swap3A_878], %swap3A_881 {strides = array<i32>} : memref<56x128xf32, #tpu.memory_space<vmem>>, vector<1x16xf32>,
        %get3A_882 = arith.index_cast %add3A_796 : i32 to index
        %get3A_883 = arith.constant 80 : index
        %get3A_884 = tpu.vector_load %arg14[%get3A_882, %get3A_883] {strides = array<i32>} : memref<56x128xf32, #tpu.memory_space<vmem>>, vector<1x16xf32>,
        %get3A_885 = vector.shape_cast %get3A_884 : vector<1x16xf32> to vector<16xf32>
        %get3A_886 = arith.index_cast %add3A_796 : i32 to index
        %get3A_887 = arith.constant 80 : index
        %get3A_888 = tpu.vector_load %arg15[%get3A_886, %get3A_887] {strides = array<i32>} : memref<56x128xf32, #tpu.memory_space<vmem>>, vector<1x16xf32>,
        %get3A_889 = vector.shape_cast %get3A_888 : vector<1x16xf32> to vector<16xf32>
        %add3A_890 = arith.addf %get3A_885, %get3A_889 : vector<16xf32>
        %max3A_891 = arith.constant 0.000000e+00 : f32
        %max3A_892 = vector.broadcast %max3A_891 : f32 to vector<16xf32>
        %max3A_893 = arith.maximumf %add3A_890, %max3A_892 : vector<16xf32>
        %swap3A_894 = arith.index_cast %add3A_796 : i32 to index
        %swap3A_895 = arith.constant 80 : index
        %swap3A_896 = tpu.vector_load %arg14[%swap3A_894, %swap3A_895] {strides = array<i32>} : memref<56x128xf32, #tpu.memory_space<vmem>>, vector<1x16xf32>,
        %swap3A_897 = vector.shape_cast %swap3A_896 : vector<1x16xf32> to vector<16xf32>
        %swap3A_898 = vector.shape_cast %max3A_893 : vector<16xf32> to vector<1x16xf32>
        tpu.vector_store %arg14[%swap3A_894, %swap3A_895], %swap3A_898 {strides = array<i32>} : memref<56x128xf32, #tpu.memory_space<vmem>>, vector<1x16xf32>,
        %get3A_899 = arith.index_cast %add3A_796 : i32 to index
        %get3A_900 = arith.constant 96 : index
        %get3A_901 = tpu.vector_load %arg14[%get3A_899, %get3A_900] {strides = array<i32>} : memref<56x128xf32, #tpu.memory_space<vmem>>, vector<1x16xf32>,
        %get3A_902 = vector.shape_cast %get3A_901 : vector<1x16xf32> to vector<16xf32>
        %get3A_903 = arith.index_cast %add3A_796 : i32 to index
        %get3A_904 = arith.constant 96 : index
        %get3A_905 = tpu.vector_load %arg15[%get3A_903, %get3A_904] {strides = array<i32>} : memref<56x128xf32, #tpu.memory_space<vmem>>, vector<1x16xf32>,
        %get3A_906 = vector.shape_cast %get3A_905 : vector<1x16xf32> to vector<16xf32>
        %add3A_907 = arith.addf %get3A_902, %get3A_906 : vector<16xf32>
        %max3A_908 = arith.constant 0.000000e+00 : f32
        %max3A_909 = vector.broadcast %max3A_908 : f32 to vector<16xf32>
        %max3A_910 = arith.maximumf %add3A_907, %max3A_909 : vector<16xf32>
        %swap3A_911 = arith.index_cast %add3A_796 : i32 to index
        %swap3A_912 = arith.constant 96 : index
        %swap3A_913 = tpu.vector_load %arg14[%swap3A_911, %swap3A_912] {strides = array<i32>} : memref<56x128xf32, #tpu.memory_space<vmem>>, vector<1x16xf32>,
        %swap3A_914 = vector.shape_cast %swap3A_913 : vector<1x16xf32> to vector<16xf32>
        %swap3A_915 = vector.shape_cast %max3A_910 : vector<16xf32> to vector<1x16xf32>
        tpu.vector_store %arg14[%swap3A_911, %swap3A_912], %swap3A_915 {strides = array<i32>} : memref<56x128xf32, #tpu.memory_space<vmem>>, vector<1x16xf32>,
        %get3A_916 = arith.index_cast %add3A_796 : i32 to index
        %get3A_917 = arith.constant 112 : index
        %get3A_918 = tpu.vector_load %arg14[%get3A_916, %get3A_917] {strides = array<i32>} : memref<56x128xf32, #tpu.memory_space<vmem>>, vector<1x16xf32>,
        %get3A_919 = vector.shape_cast %get3A_918 : vector<1x16xf32> to vector<16xf32>
        %get3A_920 = arith.index_cast %add3A_796 : i32 to index
        %get3A_921 = arith.constant 112 : index
        %get3A_922 = tpu.vector_load %arg15[%get3A_920, %get3A_921] {strides = array<i32>} : memref<56x128xf32, #tpu.memory_space<vmem>>, vector<1x16xf32>,
        %get3A_923 = vector.shape_cast %get3A_922 : vector<1x16xf32> to vector<16xf32>
        %add3A_924 = arith.addf %get3A_919, %get3A_923 : vector<16xf32>
        %max3A_925 = arith.constant 0.000000e+00 : f32
        %max3A_926 = vector.broadcast %max3A_925 : f32 to vector<16xf32>
        %max3A_927 = arith.maximumf %add3A_924, %max3A_926 : vector<16xf32>
        %swap3A_928 = arith.index_cast %add3A_796 : i32 to index
        %swap3A_929 = arith.constant 112 : index
        %swap3A_930 = tpu.vector_load %arg14[%swap3A_928, %swap3A_929] {strides = array<i32>} : memref<56x128xf32, #tpu.memory_space<vmem>>, vector<1x16xf32>,
        %swap3A_931 = vector.shape_cast %swap3A_930 : vector<1x16xf32> to vector<16xf32>
        %swap3A_932 = vector.shape_cast %max3A_927 : vector<16xf32> to vector<1x16xf32>
        tpu.vector_store %arg14[%swap3A_928, %swap3A_929], %swap3A_932 {strides = array<i32>} : memref<56x128xf32, #tpu.memory_space<vmem>>, vector<1x16xf32>,
      }
      %scan3A_187 = arith.constant 14 : i32
      %dma_start3A_188 = arith.constant 0 : i32
      %dma_start3A_189 = arith.constant 0 : i32
      %dma_start3A_190 = tpu.memref_slice %arg11[%dma_start3A_188, %dma_start3A_189] : memref<1x56xi32, #tpu.memory_space<vmem>> -> memref<1x56xi32, #tpu.memory_space<vmem>>
      %dma_start3A_191 = tpu.memref_squeeze %dma_start3A_190 : memref<1x56xi32, #tpu.memory_space<vmem>> -> memref<56xi32, #tpu.memory_space<vmem>>
      %dma_start3A_192 = arith.constant 0 : i32
      %dma_start3A_193 = arith.constant 0 : i32
      %dma_start3A_194 = tpu.memref_slice %arg20[%dma_start3A_192, %dma_start3A_193] : memref<10112x128xf32, #tpu.memory_space<vmem_shared>> -> memref<10112x128xf32, #tpu.memory_space<vmem_shared>>
      tpu.enqueue_indirect_dma source(%arg14 : memref<56x128xf32, #tpu.memory_space<vmem>>) target(%dma_start3A_194 : memref<10112x128xf32, #tpu.memory_space<vmem_shared>>) offsets(%dma_start3A_191 : memref<56xi32, #tpu.memory_space<vmem>>) semaphore(%arg27 : memref<!tpu.dma_semaphore, #tpu.memory_space<semaphore_mem>>) {add = true}
      %mul3A_195 = arith.constant 3 : i32
      %mul3A_196 = arith.muli %mul3A_195, %scan3A_108 : i32
      %add3A_197 = arith.constant 1 : i32
      %add3A_198 = arith.addi %mul3A_196, %add3A_197 : i32
      %dma_wait3A_199 = arith.constant 0 : i32
      %dma_wait3A_200 = arith.constant 0 : i32
      %dma_wait3A_201 = tpu.memref_slice %arg9[%dma_wait3A_199, %dma_wait3A_200] : memref<1x192xi32, #tpu.memory_space<vmem>> -> memref<1x56xi32, #tpu.memory_space<vmem>>
      %dma_wait3A_202 = tpu.memref_squeeze %dma_wait3A_201 : memref<1x56xi32, #tpu.memory_space<vmem>> -> memref<56xi32, #tpu.memory_space<vmem>>
      %dma_wait3A_203 = arith.constant 0 : i32
      %dma_wait3A_204 = arith.constant 0 : i32
      %dma_wait3A_205 = tpu.memref_slice %arg2[%dma_wait3A_203, %dma_wait3A_204] : memref<10112x128xf32, #tpu.memory_space<hbm>> -> memref<10112x128xf32, #tpu.memory_space<hbm>>
      tpu.wait_indirect_dma semaphore(%arg25 : memref<!tpu.dma_semaphore, #tpu.memory_space<semaphore_mem>>) src(%dma_wait3A_205 : memref<10112x128xf32, #tpu.memory_space<hbm>>) dst(%arg16 : memref<56x128xf32, #tpu.memory_space<vmem>>)
      %dma_wait3A_206 = arith.constant 0 : i32
      %dma_wait3A_207 = arith.constant 128 : i32
      %dma_wait3A_208 = tpu.memref_slice %arg9[%dma_wait3A_206, %dma_wait3A_207] : memref<1x192xi32, #tpu.memory_space<vmem>> -> memref<1x56xi32, #tpu.memory_space<vmem>>
      %dma_wait3A_209 = tpu.memref_squeeze %dma_wait3A_208 : memref<1x56xi32, #tpu.memory_space<vmem>> -> memref<56xi32, #tpu.memory_space<vmem>>
      %dma_wait3A_210 = arith.constant 0 : i32
      %dma_wait3A_211 = arith.constant 0 : i32
      %dma_wait3A_212 = tpu.memref_slice %arg3[%dma_wait3A_210, %dma_wait3A_211] : memref<10112x128xf32, #tpu.memory_space<hbm>> -> memref<10112x128xf32, #tpu.memory_space<hbm>>
      tpu.wait_indirect_dma semaphore(%arg25 : memref<!tpu.dma_semaphore, #tpu.memory_space<semaphore_mem>>) src(%dma_wait3A_212 : memref<10112x128xf32, #tpu.memory_space<hbm>>) dst(%arg17 : memref<56x128xf32, #tpu.memory_space<vmem>>)
      %get3A_213 = arith.constant 0 : i32
      %get3A_214 = arith.index_cast %get3A_213 : i32 to index
      %get3A_215 = arith.constant 0 : index
      %get3A_216 = tpu.vector_load %arg9[%get3A_214, %get3A_215] {strides = array<i32>} : memref<1x192xi32, #tpu.memory_space<vmem>>, vector<1x16xi32>,
      %get3A_217 = vector.shape_cast %get3A_216 : vector<1x16xi32> to vector<16xi32>
      %swap3A_218 = arith.constant 0 : i32
      %swap3A_219 = arith.index_cast %swap3A_218 : i32 to index
      %swap3A_220 = arith.constant 0 : index
      %swap3A_221 = tpu.vector_load %arg12[%swap3A_219, %swap3A_220] {strides = array<i32>} : memref<1x56xi32, #tpu.memory_space<vmem>>, vector<1x16xi32>,
      %swap3A_222 = vector.shape_cast %swap3A_221 : vector<1x16xi32> to vector<16xi32>
      %swap3A_223 = vector.shape_cast %get3A_217 : vector<16xi32> to vector<1x16xi32>
      tpu.vector_store %arg12[%swap3A_219, %swap3A_220], %swap3A_223 {strides = array<i32>} : memref<1x56xi32, #tpu.memory_space<vmem>>, vector<1x16xi32>,
      %get3A_224 = arith.constant 0 : i32
      %get3A_225 = arith.index_cast %get3A_224 : i32 to index
      %get3A_226 = arith.constant 16 : index
      %get3A_227 = tpu.vector_load %arg9[%get3A_225, %get3A_226] {strides = array<i32>} : memref<1x192xi32, #tpu.memory_space<vmem>>, vector<1x16xi32>,
      %get3A_228 = vector.shape_cast %get3A_227 : vector<1x16xi32> to vector<16xi32>
      %swap3A_229 = arith.constant 0 : i32
      %swap3A_230 = arith.index_cast %swap3A_229 : i32 to index
      %swap3A_231 = arith.constant 16 : index
      %swap3A_232 = tpu.vector_load %arg12[%swap3A_230, %swap3A_231] {strides = array<i32>} : memref<1x56xi32, #tpu.memory_space<vmem>>, vector<1x16xi32>,
      %swap3A_233 = vector.shape_cast %swap3A_232 : vector<1x16xi32> to vector<16xi32>
      %swap3A_234 = vector.shape_cast %get3A_228 : vector<16xi32> to vector<1x16xi32>
      tpu.vector_store %arg12[%swap3A_230, %swap3A_231], %swap3A_234 {strides = array<i32>} : memref<1x56xi32, #tpu.memory_space<vmem>>, vector<1x16xi32>,
      %get3A_235 = arith.constant 0 : i32
      %get3A_236 = arith.index_cast %get3A_235 : i32 to index
      %get3A_237 = arith.constant 32 : index
      %get3A_238 = tpu.vector_load %arg9[%get3A_236, %get3A_237] {strides = array<i32>} : memref<1x192xi32, #tpu.memory_space<vmem>>, vector<1x16xi32>,
      %get3A_239 = vector.shape_cast %get3A_238 : vector<1x16xi32> to vector<16xi32>
      %swap3A_240 = arith.constant 0 : i32
      %swap3A_241 = arith.index_cast %swap3A_240 : i32 to index
      %swap3A_242 = arith.constant 32 : index
      %swap3A_243 = tpu.vector_load %arg12[%swap3A_241, %swap3A_242] {strides = array<i32>} : memref<1x56xi32, #tpu.memory_space<vmem>>, vector<1x16xi32>,
      %swap3A_244 = vector.shape_cast %swap3A_243 : vector<1x16xi32> to vector<16xi32>
      %swap3A_245 = vector.shape_cast %get3A_239 : vector<16xi32> to vector<1x16xi32>
      tpu.vector_store %arg12[%swap3A_241, %swap3A_242], %swap3A_245 {strides = array<i32>} : memref<1x56xi32, #tpu.memory_space<vmem>>, vector<1x16xi32>,
      %get3A_246 = arith.constant 0 : i32
      %get3A_247 = arith.index_cast %get3A_246 : i32 to index
      %get3A_248 = arith.constant 40 : index
      %get3A_249 = tpu.vector_load %arg9[%get3A_247, %get3A_248] {strides = array<i32>} : memref<1x192xi32, #tpu.memory_space<vmem>>, vector<1x16xi32>,
      %get3A_250 = vector.shape_cast %get3A_249 : vector<1x16xi32> to vector<16xi32>
      %swap3A_251 = arith.constant 0 : i32
      %swap3A_252 = arith.index_cast %swap3A_251 : i32 to index
      %swap3A_253 = arith.constant 40 : index
      %swap3A_254 = tpu.vector_load %arg12[%swap3A_252, %swap3A_253] {strides = array<i32>} : memref<1x56xi32, #tpu.memory_space<vmem>>, vector<1x16xi32>,
      %swap3A_255 = vector.shape_cast %swap3A_254 : vector<1x16xi32> to vector<16xi32>
      %swap3A_256 = vector.shape_cast %get3A_250 : vector<16xi32> to vector<1x16xi32>
      tpu.vector_store %arg12[%swap3A_252, %swap3A_253], %swap3A_256 {strides = array<i32>} : memref<1x56xi32, #tpu.memory_space<vmem>>, vector<1x16xi32>,
      %add3A_257 = arith.constant 3 : i32
      %add3A_258 = arith.addi %add3A_198, %add3A_257 : i32
      %lt3A_259 = arith.constant 180 : i32
      %lt3A_260 = arith.cmpi slt, %add3A_258, %lt3A_259 : i32
      %convert_element_type3A_261 = arith.extui %lt3A_260 : i1 to i32
      %cond3A_262 = arith.constant 0 : i32
      %cond3A_263 = arith.cmpi ne, %convert_element_type3A_261, %cond3A_262 : i32
      scf.if %cond3A_263 {
        %add3A_373 = arith.constant 3 : i32
        %add3A_374 = arith.addi %add3A_198, %add3A_373 : i32
        %dma_start3A_375 = arith.constant 0 : i32
        %dma_start3A_376 = arith.constant 0 : i32
        %dma_start3A_377 = tpu.memref_slice %arg4[%add3A, %add3A_374, %dma_start3A_375, %dma_start3A_376] : memref<32x180x1x192xi32, #tpu.memory_space<hbm>> -> memref<1x1x1x192xi32, #tpu.memory_space<hbm>>
        %dma_start3A_378 = tpu.memref_squeeze %dma_start3A_377 : memref<1x1x1x192xi32, #tpu.memory_space<hbm>> -> memref<1x192xi32, #tpu.memory_space<hbm>>
        %dma_start3A_379 = arith.constant 0 : i32
        %dma_start3A_380 = arith.constant 0 : i32
        %dma_start3A_381 = tpu.memref_slice %arg4[%add3A, %add3A_374, %dma_start3A_379, %dma_start3A_380] : memref<32x180x1x192xi32, #tpu.memory_space<hbm>> -> memref<1x1x1x192xi32, #tpu.memory_space<hbm>>
        %dma_start3A_382 = tpu.memref_squeeze %dma_start3A_381 : memref<1x1x1x192xi32, #tpu.memory_space<hbm>> -> memref<1x192xi32, #tpu.memory_space<hbm>>
        tpu.enqueue_dma source(%dma_start3A_382 : memref<1x192xi32, #tpu.memory_space<hbm>>) target(%arg9 : memref<1x192xi32, #tpu.memory_space<vmem>>) target_semaphore(%arg22 : memref<!tpu.dma_semaphore, #tpu.memory_space<semaphore_mem>>)
      } else {
      }
      %add3A_264 = arith.constant 2 : i32
      %add3A_265 = arith.addi %add3A_198, %add3A_264 : i32
      %lt3A_266 = arith.constant 180 : i32
      %lt3A_267 = arith.cmpi slt, %add3A_265, %lt3A_266 : i32
      %convert_element_type3A_268 = arith.extui %lt3A_267 : i1 to i32
      %cond3A_269 = arith.constant 0 : i32
      %cond3A_270 = arith.cmpi ne, %convert_element_type3A_268, %cond3A_269 : i32
      scf.if %cond3A_270 {
        %dma_wait3A_373 = arith.constant 0 : i32
        %dma_wait3A_374 = arith.constant 0 : i32
        %dma_wait3A_375 = arith.constant 0 : i32
        %dma_wait3A_376 = tpu.memref_slice %arg4[%add3A, %dma_wait3A_373, %dma_wait3A_374, %dma_wait3A_375] : memref<32x180x1x192xi32, #tpu.memory_space<hbm>> -> memref<1x1x1x192xi32, #tpu.memory_space<hbm>>
        %dma_wait3A_377 = tpu.memref_squeeze %dma_wait3A_376 : memref<1x1x1x192xi32, #tpu.memory_space<hbm>> -> memref<1x192xi32, #tpu.memory_space<hbm>>
        %dma_wait3A_378 = arith.constant 0 : i32
        %dma_wait3A_379 = arith.constant 0 : i32
        %dma_wait3A_380 = tpu.memref_slice %arg4[%add3A, %dma_wait3A_373, %dma_wait3A_378, %dma_wait3A_379] : memref<32x180x1x192xi32, #tpu.memory_space<hbm>> -> memref<1x1x1x192xi32, #tpu.memory_space<hbm>>
        %dma_wait3A_381 = tpu.memref_squeeze %dma_wait3A_380 : memref<1x1x1x192xi32, #tpu.memory_space<hbm>> -> memref<1x192xi32, #tpu.memory_space<hbm>>
        tpu.wait_dma2 semaphore(%arg21 : memref<!tpu.dma_semaphore, #tpu.memory_space<semaphore_mem>>) src(%dma_wait3A_381 : memref<1x192xi32, #tpu.memory_space<hbm>>) dst(%arg8 : memref<1x192xi32, #tpu.memory_space<vmem>>)
        %ge3A = arith.constant 1 : i32
        %ge3A_382 = arith.cmpi sge, %add3A_198, %ge3A : i32
        %convert_element_type3A_383 = arith.extui %ge3A_382 : i1 to i32
        %cond3A_384 = arith.constant 0 : i32
        %cond3A_385 = arith.cmpi ne, %convert_element_type3A_383, %cond3A_384 : i32
        scf.if %cond3A_385 {
          %dma_wait3A_400 = arith.constant 0 : i32
          %dma_wait3A_401 = arith.constant 0 : i32
          %dma_wait3A_402 = tpu.memref_slice %arg11[%dma_wait3A_400, %dma_wait3A_401] : memref<1x56xi32, #tpu.memory_space<vmem>> -> memref<1x56xi32, #tpu.memory_space<vmem>>
          %dma_wait3A_403 = tpu.memref_squeeze %dma_wait3A_402 : memref<1x56xi32, #tpu.memory_space<vmem>> -> memref<56xi32, #tpu.memory_space<vmem>>
          %dma_wait3A_404 = arith.constant 0 : i32
          %dma_wait3A_405 = arith.constant 0 : i32
          %dma_wait3A_406 = tpu.memref_slice %arg20[%dma_wait3A_404, %dma_wait3A_405] : memref<10112x128xf32, #tpu.memory_space<vmem_shared>> -> memref<10112x128xf32, #tpu.memory_space<vmem_shared>>
          tpu.wait_indirect_dma semaphore(%arg27 : memref<!tpu.dma_semaphore, #tpu.memory_space<semaphore_mem>>) src(%arg14 : memref<56x128xf32, #tpu.memory_space<vmem>>) dst(%dma_wait3A_406 : memref<10112x128xf32, #tpu.memory_space<vmem_shared>>)
        } else {
        }
        %dma_start3A_386 = arith.constant 0 : i32
        %dma_start3A_387 = arith.constant 0 : i32
        %dma_start3A_388 = tpu.memref_slice %arg8[%dma_start3A_386, %dma_start3A_387] : memref<1x192xi32, #tpu.memory_space<vmem>> -> memref<1x56xi32, #tpu.memory_space<vmem>>
        %dma_start3A_389 = tpu.memref_squeeze %dma_start3A_388 : memref<1x56xi32, #tpu.memory_space<vmem>> -> memref<56xi32, #tpu.memory_space<vmem>>
        %dma_start3A_390 = arith.constant 0 : i32
        %dma_start3A_391 = arith.constant 0 : i32
        %dma_start3A_392 = tpu.memref_slice %arg2[%dma_start3A_390, %dma_start3A_391] : memref<10112x128xf32, #tpu.memory_space<hbm>> -> memref<10112x128xf32, #tpu.memory_space<hbm>>
        tpu.enqueue_indirect_dma source(%dma_start3A_392 : memref<10112x128xf32, #tpu.memory_space<hbm>>) target(%arg14 : memref<56x128xf32, #tpu.memory_space<vmem>>) offsets(%dma_start3A_389 : memref<56xi32, #tpu.memory_space<vmem>>) semaphore(%arg24 : memref<!tpu.dma_semaphore, #tpu.memory_space<semaphore_mem>>)
        %dma_start3A_393 = arith.constant 0 : i32
        %dma_start3A_394 = arith.constant 128 : i32
        %dma_start3A_395 = tpu.memref_slice %arg8[%dma_start3A_393, %dma_start3A_394] : memref<1x192xi32, #tpu.memory_space<vmem>> -> memref<1x56xi32, #tpu.memory_space<vmem>>
        %dma_start3A_396 = tpu.memref_squeeze %dma_start3A_395 : memref<1x56xi32, #tpu.memory_space<vmem>> -> memref<56xi32, #tpu.memory_space<vmem>>
        %dma_start3A_397 = arith.constant 0 : i32
        %dma_start3A_398 = arith.constant 0 : i32
        %dma_start3A_399 = tpu.memref_slice %arg3[%dma_start3A_397, %dma_start3A_398] : memref<10112x128xf32, #tpu.memory_space<hbm>> -> memref<10112x128xf32, #tpu.memory_space<hbm>>
        tpu.enqueue_indirect_dma source(%dma_start3A_399 : memref<10112x128xf32, #tpu.memory_space<hbm>>) target(%arg15 : memref<56x128xf32, #tpu.memory_space<vmem>>) offsets(%dma_start3A_396 : memref<56xi32, #tpu.memory_space<vmem>>) semaphore(%arg24 : memref<!tpu.dma_semaphore, #tpu.memory_space<semaphore_mem>>)
      } else {
      }
      %scan3A_271 = arith.constant 0 : i32
      %scan3A_272 = arith.constant 0 : i32
      %scan3A_273 = arith.constant 14 : i32
      %scan3A_274 = arith.addi %scan3A_272, %scan3A_273 : i32
      %scan3A_275 = arith.constant 1 : i32
      scf.for %scan3A_373 = %scan3A_272 to %scan3A_274 step %scan3A_275  : i32 {
        %mul3A_374 = arith.constant 4 : i32
        %mul3A_375 = arith.muli %scan3A_373, %mul3A_374 : i32
        %add3A_376 = arith.constant 0 : i32
        %add3A_377 = arith.addi %mul3A_375, %add3A_376 : i32
        %get3A_378 = arith.index_cast %add3A_377 : i32 to index
        %get3A_379 = arith.constant 0 : index
        %get3A_380 = tpu.vector_load %arg16[%get3A_378, %get3A_379] {strides = array<i32>} : memref<56x128xf32, #tpu.memory_space<vmem>>, vector<1x16xf32>,
        %get3A_381 = vector.shape_cast %get3A_380 : vector<1x16xf32> to vector<16xf32>
        %get3A_382 = arith.index_cast %add3A_377 : i32 to index
        %get3A_383 = arith.constant 0 : index
        %get3A_384 = tpu.vector_load %arg17[%get3A_382, %get3A_383] {strides = array<i32>} : memref<56x128xf32, #tpu.memory_space<vmem>>, vector<1x16xf32>,
        %get3A_385 = vector.shape_cast %get3A_384 : vector<1x16xf32> to vector<16xf32>
        %add3A_386 = arith.addf %get3A_381, %get3A_385 : vector<16xf32>
        %max3A = arith.constant 0.000000e+00 : f32
        %max3A_387 = vector.broadcast %max3A : f32 to vector<16xf32>
        %max3A_388 = arith.maximumf %add3A_386, %max3A_387 : vector<16xf32>
        %swap3A_389 = arith.index_cast %add3A_377 : i32 to index
        %swap3A_390 = arith.constant 0 : index
        %swap3A_391 = tpu.vector_load %arg16[%swap3A_389, %swap3A_390] {strides = array<i32>} : memref<56x128xf32, #tpu.memory_space<vmem>>, vector<1x16xf32>,
        %swap3A_392 = vector.shape_cast %swap3A_391 : vector<1x16xf32> to vector<16xf32>
        %swap3A_393 = vector.shape_cast %max3A_388 : vector<16xf32> to vector<1x16xf32>
        tpu.vector_store %arg16[%swap3A_389, %swap3A_390], %swap3A_393 {strides = array<i32>} : memref<56x128xf32, #tpu.memory_space<vmem>>, vector<1x16xf32>,
        %get3A_394 = arith.index_cast %add3A_377 : i32 to index
        %get3A_395 = arith.constant 16 : index
        %get3A_396 = tpu.vector_load %arg16[%get3A_394, %get3A_395] {strides = array<i32>} : memref<56x128xf32, #tpu.memory_space<vmem>>, vector<1x16xf32>,
        %get3A_397 = vector.shape_cast %get3A_396 : vector<1x16xf32> to vector<16xf32>
        %get3A_398 = arith.index_cast %add3A_377 : i32 to index
        %get3A_399 = arith.constant 16 : index
        %get3A_400 = tpu.vector_load %arg17[%get3A_398, %get3A_399] {strides = array<i32>} : memref<56x128xf32, #tpu.memory_space<vmem>>, vector<1x16xf32>,
        %get3A_401 = vector.shape_cast %get3A_400 : vector<1x16xf32> to vector<16xf32>
        %add3A_402 = arith.addf %get3A_397, %get3A_401 : vector<16xf32>
        %max3A_403 = arith.constant 0.000000e+00 : f32
        %max3A_404 = vector.broadcast %max3A_403 : f32 to vector<16xf32>
        %max3A_405 = arith.maximumf %add3A_402, %max3A_404 : vector<16xf32>
        %swap3A_406 = arith.index_cast %add3A_377 : i32 to index
        %swap3A_407 = arith.constant 16 : index
        %swap3A_408 = tpu.vector_load %arg16[%swap3A_406, %swap3A_407] {strides = array<i32>} : memref<56x128xf32, #tpu.memory_space<vmem>>, vector<1x16xf32>,
        %swap3A_409 = vector.shape_cast %swap3A_408 : vector<1x16xf32> to vector<16xf32>
        %swap3A_410 = vector.shape_cast %max3A_405 : vector<16xf32> to vector<1x16xf32>
        tpu.vector_store %arg16[%swap3A_406, %swap3A_407], %swap3A_410 {strides = array<i32>} : memref<56x128xf32, #tpu.memory_space<vmem>>, vector<1x16xf32>,
        %get3A_411 = arith.index_cast %add3A_377 : i32 to index
        %get3A_412 = arith.constant 32 : index
        %get3A_413 = tpu.vector_load %arg16[%get3A_411, %get3A_412] {strides = array<i32>} : memref<56x128xf32, #tpu.memory_space<vmem>>, vector<1x16xf32>,
        %get3A_414 = vector.shape_cast %get3A_413 : vector<1x16xf32> to vector<16xf32>
        %get3A_415 = arith.index_cast %add3A_377 : i32 to index
        %get3A_416 = arith.constant 32 : index
        %get3A_417 = tpu.vector_load %arg17[%get3A_415, %get3A_416] {strides = array<i32>} : memref<56x128xf32, #tpu.memory_space<vmem>>, vector<1x16xf32>,
        %get3A_418 = vector.shape_cast %get3A_417 : vector<1x16xf32> to vector<16xf32>
        %add3A_419 = arith.addf %get3A_414, %get3A_418 : vector<16xf32>
        %max3A_420 = arith.constant 0.000000e+00 : f32
        %max3A_421 = vector.broadcast %max3A_420 : f32 to vector<16xf32>
        %max3A_422 = arith.maximumf %add3A_419, %max3A_421 : vector<16xf32>
        %swap3A_423 = arith.index_cast %add3A_377 : i32 to index
        %swap3A_424 = arith.constant 32 : index
        %swap3A_425 = tpu.vector_load %arg16[%swap3A_423, %swap3A_424] {strides = array<i32>} : memref<56x128xf32, #tpu.memory_space<vmem>>, vector<1x16xf32>,
        %swap3A_426 = vector.shape_cast %swap3A_425 : vector<1x16xf32> to vector<16xf32>
        %swap3A_427 = vector.shape_cast %max3A_422 : vector<16xf32> to vector<1x16xf32>
        tpu.vector_store %arg16[%swap3A_423, %swap3A_424], %swap3A_427 {strides = array<i32>} : memref<56x128xf32, #tpu.memory_space<vmem>>, vector<1x16xf32>,
        %get3A_428 = arith.index_cast %add3A_377 : i32 to index
        %get3A_429 = arith.constant 48 : index
        %get3A_430 = tpu.vector_load %arg16[%get3A_428, %get3A_429] {strides = array<i32>} : memref<56x128xf32, #tpu.memory_space<vmem>>, vector<1x16xf32>,
        %get3A_431 = vector.shape_cast %get3A_430 : vector<1x16xf32> to vector<16xf32>
        %get3A_432 = arith.index_cast %add3A_377 : i32 to index
        %get3A_433 = arith.constant 48 : index
        %get3A_434 = tpu.vector_load %arg17[%get3A_432, %get3A_433] {strides = array<i32>} : memref<56x128xf32, #tpu.memory_space<vmem>>, vector<1x16xf32>,
        %get3A_435 = vector.shape_cast %get3A_434 : vector<1x16xf32> to vector<16xf32>
        %add3A_436 = arith.addf %get3A_431, %get3A_435 : vector<16xf32>
        %max3A_437 = arith.constant 0.000000e+00 : f32
        %max3A_438 = vector.broadcast %max3A_437 : f32 to vector<16xf32>
        %max3A_439 = arith.maximumf %add3A_436, %max3A_438 : vector<16xf32>
        %swap3A_440 = arith.index_cast %add3A_377 : i32 to index
        %swap3A_441 = arith.constant 48 : index
        %swap3A_442 = tpu.vector_load %arg16[%swap3A_440, %swap3A_441] {strides = array<i32>} : memref<56x128xf32, #tpu.memory_space<vmem>>, vector<1x16xf32>,
        %swap3A_443 = vector.shape_cast %swap3A_442 : vector<1x16xf32> to vector<16xf32>
        %swap3A_444 = vector.shape_cast %max3A_439 : vector<16xf32> to vector<1x16xf32>
        tpu.vector_store %arg16[%swap3A_440, %swap3A_441], %swap3A_444 {strides = array<i32>} : memref<56x128xf32, #tpu.memory_space<vmem>>, vector<1x16xf32>,
        %get3A_445 = arith.index_cast %add3A_377 : i32 to index
        %get3A_446 = arith.constant 64 : index
        %get3A_447 = tpu.vector_load %arg16[%get3A_445, %get3A_446] {strides = array<i32>} : memref<56x128xf32, #tpu.memory_space<vmem>>, vector<1x16xf32>,
        %get3A_448 = vector.shape_cast %get3A_447 : vector<1x16xf32> to vector<16xf32>
        %get3A_449 = arith.index_cast %add3A_377 : i32 to index
        %get3A_450 = arith.constant 64 : index
        %get3A_451 = tpu.vector_load %arg17[%get3A_449, %get3A_450] {strides = array<i32>} : memref<56x128xf32, #tpu.memory_space<vmem>>, vector<1x16xf32>,
        %get3A_452 = vector.shape_cast %get3A_451 : vector<1x16xf32> to vector<16xf32>
        %add3A_453 = arith.addf %get3A_448, %get3A_452 : vector<16xf32>
        %max3A_454 = arith.constant 0.000000e+00 : f32
        %max3A_455 = vector.broadcast %max3A_454 : f32 to vector<16xf32>
        %max3A_456 = arith.maximumf %add3A_453, %max3A_455 : vector<16xf32>
        %swap3A_457 = arith.index_cast %add3A_377 : i32 to index
        %swap3A_458 = arith.constant 64 : index
        %swap3A_459 = tpu.vector_load %arg16[%swap3A_457, %swap3A_458] {strides = array<i32>} : memref<56x128xf32, #tpu.memory_space<vmem>>, vector<1x16xf32>,
        %swap3A_460 = vector.shape_cast %swap3A_459 : vector<1x16xf32> to vector<16xf32>
        %swap3A_461 = vector.shape_cast %max3A_456 : vector<16xf32> to vector<1x16xf32>
        tpu.vector_store %arg16[%swap3A_457, %swap3A_458], %swap3A_461 {strides = array<i32>} : memref<56x128xf32, #tpu.memory_space<vmem>>, vector<1x16xf32>,
        %get3A_462 = arith.index_cast %add3A_377 : i32 to index
        %get3A_463 = arith.constant 80 : index
        %get3A_464 = tpu.vector_load %arg16[%get3A_462, %get3A_463] {strides = array<i32>} : memref<56x128xf32, #tpu.memory_space<vmem>>, vector<1x16xf32>,
        %get3A_465 = vector.shape_cast %get3A_464 : vector<1x16xf32> to vector<16xf32>
        %get3A_466 = arith.index_cast %add3A_377 : i32 to index
        %get3A_467 = arith.constant 80 : index
        %get3A_468 = tpu.vector_load %arg17[%get3A_466, %get3A_467] {strides = array<i32>} : memref<56x128xf32, #tpu.memory_space<vmem>>, vector<1x16xf32>,
        %get3A_469 = vector.shape_cast %get3A_468 : vector<1x16xf32> to vector<16xf32>
        %add3A_470 = arith.addf %get3A_465, %get3A_469 : vector<16xf32>
        %max3A_471 = arith.constant 0.000000e+00 : f32
        %max3A_472 = vector.broadcast %max3A_471 : f32 to vector<16xf32>
        %max3A_473 = arith.maximumf %add3A_470, %max3A_472 : vector<16xf32>
        %swap3A_474 = arith.index_cast %add3A_377 : i32 to index
        %swap3A_475 = arith.constant 80 : index
        %swap3A_476 = tpu.vector_load %arg16[%swap3A_474, %swap3A_475] {strides = array<i32>} : memref<56x128xf32, #tpu.memory_space<vmem>>, vector<1x16xf32>,
        %swap3A_477 = vector.shape_cast %swap3A_476 : vector<1x16xf32> to vector<16xf32>
        %swap3A_478 = vector.shape_cast %max3A_473 : vector<16xf32> to vector<1x16xf32>
        tpu.vector_store %arg16[%swap3A_474, %swap3A_475], %swap3A_478 {strides = array<i32>} : memref<56x128xf32, #tpu.memory_space<vmem>>, vector<1x16xf32>,
        %get3A_479 = arith.index_cast %add3A_377 : i32 to index
        %get3A_480 = arith.constant 96 : index
        %get3A_481 = tpu.vector_load %arg16[%get3A_479, %get3A_480] {strides = array<i32>} : memref<56x128xf32, #tpu.memory_space<vmem>>, vector<1x16xf32>,
        %get3A_482 = vector.shape_cast %get3A_481 : vector<1x16xf32> to vector<16xf32>
        %get3A_483 = arith.index_cast %add3A_377 : i32 to index
        %get3A_484 = arith.constant 96 : index
        %get3A_485 = tpu.vector_load %arg17[%get3A_483, %get3A_484] {strides = array<i32>} : memref<56x128xf32, #tpu.memory_space<vmem>>, vector<1x16xf32>,
        %get3A_486 = vector.shape_cast %get3A_485 : vector<1x16xf32> to vector<16xf32>
        %add3A_487 = arith.addf %get3A_482, %get3A_486 : vector<16xf32>
        %max3A_488 = arith.constant 0.000000e+00 : f32
        %max3A_489 = vector.broadcast %max3A_488 : f32 to vector<16xf32>
        %max3A_490 = arith.maximumf %add3A_487, %max3A_489 : vector<16xf32>
        %swap3A_491 = arith.index_cast %add3A_377 : i32 to index
        %swap3A_492 = arith.constant 96 : index
        %swap3A_493 = tpu.vector_load %arg16[%swap3A_491, %swap3A_492] {strides = array<i32>} : memref<56x128xf32, #tpu.memory_space<vmem>>, vector<1x16xf32>,
        %swap3A_494 = vector.shape_cast %swap3A_493 : vector<1x16xf32> to vector<16xf32>
        %swap3A_495 = vector.shape_cast %max3A_490 : vector<16xf32> to vector<1x16xf32>
        tpu.vector_store %arg16[%swap3A_491, %swap3A_492], %swap3A_495 {strides = array<i32>} : memref<56x128xf32, #tpu.memory_space<vmem>>, vector<1x16xf32>,
        %get3A_496 = arith.index_cast %add3A_377 : i32 to index
        %get3A_497 = arith.constant 112 : index
        %get3A_498 = tpu.vector_load %arg16[%get3A_496, %get3A_497] {strides = array<i32>} : memref<56x128xf32, #tpu.memory_space<vmem>>, vector<1x16xf32>,
        %get3A_499 = vector.shape_cast %get3A_498 : vector<1x16xf32> to vector<16xf32>
        %get3A_500 = arith.index_cast %add3A_377 : i32 to index
        %get3A_501 = arith.constant 112 : index
        %get3A_502 = tpu.vector_load %arg17[%get3A_500, %get3A_501] {strides = array<i32>} : memref<56x128xf32, #tpu.memory_space<vmem>>, vector<1x16xf32>,
        %get3A_503 = vector.shape_cast %get3A_502 : vector<1x16xf32> to vector<16xf32>
        %add3A_504 = arith.addf %get3A_499, %get3A_503 : vector<16xf32>
        %max3A_505 = arith.constant 0.000000e+00 : f32
        %max3A_506 = vector.broadcast %max3A_505 : f32 to vector<16xf32>
        %max3A_507 = arith.maximumf %add3A_504, %max3A_506 : vector<16xf32>
        %swap3A_508 = arith.index_cast %add3A_377 : i32 to index
        %swap3A_509 = arith.constant 112 : index
        %swap3A_510 = tpu.vector_load %arg16[%swap3A_508, %swap3A_509] {strides = array<i32>} : memref<56x128xf32, #tpu.memory_space<vmem>>, vector<1x16xf32>,
        %swap3A_511 = vector.shape_cast %swap3A_510 : vector<1x16xf32> to vector<16xf32>
        %swap3A_512 = vector.shape_cast %max3A_507 : vector<16xf32> to vector<1x16xf32>
        tpu.vector_store %arg16[%swap3A_508, %swap3A_509], %swap3A_512 {strides = array<i32>} : memref<56x128xf32, #tpu.memory_space<vmem>>, vector<1x16xf32>,
        %mul3A_513 = arith.constant 4 : i32
        %mul3A_514 = arith.muli %scan3A_373, %mul3A_513 : i32
        %add3A_515 = arith.constant 1 : i32
        %add3A_516 = arith.addi %mul3A_514, %add3A_515 : i32
        %get3A_517 = arith.index_cast %add3A_516 : i32 to index
        %get3A_518 = arith.constant 0 : index
        %get3A_519 = tpu.vector_load %arg16[%get3A_517, %get3A_518] {strides = array<i32>} : memref<56x128xf32, #tpu.memory_space<vmem>>, vector<1x16xf32>,
        %get3A_520 = vector.shape_cast %get3A_519 : vector<1x16xf32> to vector<16xf32>
        %get3A_521 = arith.index_cast %add3A_516 : i32 to index
        %get3A_522 = arith.constant 0 : index
        %get3A_523 = tpu.vector_load %arg17[%get3A_521, %get3A_522] {strides = array<i32>} : memref<56x128xf32, #tpu.memory_space<vmem>>, vector<1x16xf32>,
        %get3A_524 = vector.shape_cast %get3A_523 : vector<1x16xf32> to vector<16xf32>
        %add3A_525 = arith.addf %get3A_520, %get3A_524 : vector<16xf32>
        %max3A_526 = arith.constant 0.000000e+00 : f32
        %max3A_527 = vector.broadcast %max3A_526 : f32 to vector<16xf32>
        %max3A_528 = arith.maximumf %add3A_525, %max3A_527 : vector<16xf32>
        %swap3A_529 = arith.index_cast %add3A_516 : i32 to index
        %swap3A_530 = arith.constant 0 : index
        %swap3A_531 = tpu.vector_load %arg16[%swap3A_529, %swap3A_530] {strides = array<i32>} : memref<56x128xf32, #tpu.memory_space<vmem>>, vector<1x16xf32>,
        %swap3A_532 = vector.shape_cast %swap3A_531 : vector<1x16xf32> to vector<16xf32>
        %swap3A_533 = vector.shape_cast %max3A_528 : vector<16xf32> to vector<1x16xf32>
        tpu.vector_store %arg16[%swap3A_529, %swap3A_530], %swap3A_533 {strides = array<i32>} : memref<56x128xf32, #tpu.memory_space<vmem>>, vector<1x16xf32>,
        %get3A_534 = arith.index_cast %add3A_516 : i32 to index
        %get3A_535 = arith.constant 16 : index
        %get3A_536 = tpu.vector_load %arg16[%get3A_534, %get3A_535] {strides = array<i32>} : memref<56x128xf32, #tpu.memory_space<vmem>>, vector<1x16xf32>,
        %get3A_537 = vector.shape_cast %get3A_536 : vector<1x16xf32> to vector<16xf32>
        %get3A_538 = arith.index_cast %add3A_516 : i32 to index
        %get3A_539 = arith.constant 16 : index
        %get3A_540 = tpu.vector_load %arg17[%get3A_538, %get3A_539] {strides = array<i32>} : memref<56x128xf32, #tpu.memory_space<vmem>>, vector<1x16xf32>,
        %get3A_541 = vector.shape_cast %get3A_540 : vector<1x16xf32> to vector<16xf32>
        %add3A_542 = arith.addf %get3A_537, %get3A_541 : vector<16xf32>
        %max3A_543 = arith.constant 0.000000e+00 : f32
        %max3A_544 = vector.broadcast %max3A_543 : f32 to vector<16xf32>
        %max3A_545 = arith.maximumf %add3A_542, %max3A_544 : vector<16xf32>
        %swap3A_546 = arith.index_cast %add3A_516 : i32 to index
        %swap3A_547 = arith.constant 16 : index
        %swap3A_548 = tpu.vector_load %arg16[%swap3A_546, %swap3A_547] {strides = array<i32>} : memref<56x128xf32, #tpu.memory_space<vmem>>, vector<1x16xf32>,
        %swap3A_549 = vector.shape_cast %swap3A_548 : vector<1x16xf32> to vector<16xf32>
        %swap3A_550 = vector.shape_cast %max3A_545 : vector<16xf32> to vector<1x16xf32>
        tpu.vector_store %arg16[%swap3A_546, %swap3A_547], %swap3A_550 {strides = array<i32>} : memref<56x128xf32, #tpu.memory_space<vmem>>, vector<1x16xf32>,
        %get3A_551 = arith.index_cast %add3A_516 : i32 to index
        %get3A_552 = arith.constant 32 : index
        %get3A_553 = tpu.vector_load %arg16[%get3A_551, %get3A_552] {strides = array<i32>} : memref<56x128xf32, #tpu.memory_space<vmem>>, vector<1x16xf32>,
        %get3A_554 = vector.shape_cast %get3A_553 : vector<1x16xf32> to vector<16xf32>
        %get3A_555 = arith.index_cast %add3A_516 : i32 to index
        %get3A_556 = arith.constant 32 : index
        %get3A_557 = tpu.vector_load %arg17[%get3A_555, %get3A_556] {strides = array<i32>} : memref<56x128xf32, #tpu.memory_space<vmem>>, vector<1x16xf32>,
        %get3A_558 = vector.shape_cast %get3A_557 : vector<1x16xf32> to vector<16xf32>
        %add3A_559 = arith.addf %get3A_554, %get3A_558 : vector<16xf32>
        %max3A_560 = arith.constant 0.000000e+00 : f32
        %max3A_561 = vector.broadcast %max3A_560 : f32 to vector<16xf32>
        %max3A_562 = arith.maximumf %add3A_559, %max3A_561 : vector<16xf32>
        %swap3A_563 = arith.index_cast %add3A_516 : i32 to index
        %swap3A_564 = arith.constant 32 : index
        %swap3A_565 = tpu.vector_load %arg16[%swap3A_563, %swap3A_564] {strides = array<i32>} : memref<56x128xf32, #tpu.memory_space<vmem>>, vector<1x16xf32>,
        %swap3A_566 = vector.shape_cast %swap3A_565 : vector<1x16xf32> to vector<16xf32>
        %swap3A_567 = vector.shape_cast %max3A_562 : vector<16xf32> to vector<1x16xf32>
        tpu.vector_store %arg16[%swap3A_563, %swap3A_564], %swap3A_567 {strides = array<i32>} : memref<56x128xf32, #tpu.memory_space<vmem>>, vector<1x16xf32>,
        %get3A_568 = arith.index_cast %add3A_516 : i32 to index
        %get3A_569 = arith.constant 48 : index
        %get3A_570 = tpu.vector_load %arg16[%get3A_568, %get3A_569] {strides = array<i32>} : memref<56x128xf32, #tpu.memory_space<vmem>>, vector<1x16xf32>,
        %get3A_571 = vector.shape_cast %get3A_570 : vector<1x16xf32> to vector<16xf32>
        %get3A_572 = arith.index_cast %add3A_516 : i32 to index
        %get3A_573 = arith.constant 48 : index
        %get3A_574 = tpu.vector_load %arg17[%get3A_572, %get3A_573] {strides = array<i32>} : memref<56x128xf32, #tpu.memory_space<vmem>>, vector<1x16xf32>,
        %get3A_575 = vector.shape_cast %get3A_574 : vector<1x16xf32> to vector<16xf32>
        %add3A_576 = arith.addf %get3A_571, %get3A_575 : vector<16xf32>
        %max3A_577 = arith.constant 0.000000e+00 : f32
        %max3A_578 = vector.broadcast %max3A_577 : f32 to vector<16xf32>
        %max3A_579 = arith.maximumf %add3A_576, %max3A_578 : vector<16xf32>
        %swap3A_580 = arith.index_cast %add3A_516 : i32 to index
        %swap3A_581 = arith.constant 48 : index
        %swap3A_582 = tpu.vector_load %arg16[%swap3A_580, %swap3A_581] {strides = array<i32>} : memref<56x128xf32, #tpu.memory_space<vmem>>, vector<1x16xf32>,
        %swap3A_583 = vector.shape_cast %swap3A_582 : vector<1x16xf32> to vector<16xf32>
        %swap3A_584 = vector.shape_cast %max3A_579 : vector<16xf32> to vector<1x16xf32>
        tpu.vector_store %arg16[%swap3A_580, %swap3A_581], %swap3A_584 {strides = array<i32>} : memref<56x128xf32, #tpu.memory_space<vmem>>, vector<1x16xf32>,
        %get3A_585 = arith.index_cast %add3A_516 : i32 to index
        %get3A_586 = arith.constant 64 : index
        %get3A_587 = tpu.vector_load %arg16[%get3A_585, %get3A_586] {strides = array<i32>} : memref<56x128xf32, #tpu.memory_space<vmem>>, vector<1x16xf32>,
        %get3A_588 = vector.shape_cast %get3A_587 : vector<1x16xf32> to vector<16xf32>
        %get3A_589 = arith.index_cast %add3A_516 : i32 to index
        %get3A_590 = arith.constant 64 : index
        %get3A_591 = tpu.vector_load %arg17[%get3A_589, %get3A_590] {strides = array<i32>} : memref<56x128xf32, #tpu.memory_space<vmem>>, vector<1x16xf32>,
        %get3A_592 = vector.shape_cast %get3A_591 : vector<1x16xf32> to vector<16xf32>
        %add3A_593 = arith.addf %get3A_588, %get3A_592 : vector<16xf32>
        %max3A_594 = arith.constant 0.000000e+00 : f32
        %max3A_595 = vector.broadcast %max3A_594 : f32 to vector<16xf32>
        %max3A_596 = arith.maximumf %add3A_593, %max3A_595 : vector<16xf32>
        %swap3A_597 = arith.index_cast %add3A_516 : i32 to index
        %swap3A_598 = arith.constant 64 : index
        %swap3A_599 = tpu.vector_load %arg16[%swap3A_597, %swap3A_598] {strides = array<i32>} : memref<56x128xf32, #tpu.memory_space<vmem>>, vector<1x16xf32>,
        %swap3A_600 = vector.shape_cast %swap3A_599 : vector<1x16xf32> to vector<16xf32>
        %swap3A_601 = vector.shape_cast %max3A_596 : vector<16xf32> to vector<1x16xf32>
        tpu.vector_store %arg16[%swap3A_597, %swap3A_598], %swap3A_601 {strides = array<i32>} : memref<56x128xf32, #tpu.memory_space<vmem>>, vector<1x16xf32>,
        %get3A_602 = arith.index_cast %add3A_516 : i32 to index
        %get3A_603 = arith.constant 80 : index
        %get3A_604 = tpu.vector_load %arg16[%get3A_602, %get3A_603] {strides = array<i32>} : memref<56x128xf32, #tpu.memory_space<vmem>>, vector<1x16xf32>,
        %get3A_605 = vector.shape_cast %get3A_604 : vector<1x16xf32> to vector<16xf32>
        %get3A_606 = arith.index_cast %add3A_516 : i32 to index
        %get3A_607 = arith.constant 80 : index
        %get3A_608 = tpu.vector_load %arg17[%get3A_606, %get3A_607] {strides = array<i32>} : memref<56x128xf32, #tpu.memory_space<vmem>>, vector<1x16xf32>,
        %get3A_609 = vector.shape_cast %get3A_608 : vector<1x16xf32> to vector<16xf32>
        %add3A_610 = arith.addf %get3A_605, %get3A_609 : vector<16xf32>
        %max3A_611 = arith.constant 0.000000e+00 : f32
        %max3A_612 = vector.broadcast %max3A_611 : f32 to vector<16xf32>
        %max3A_613 = arith.maximumf %add3A_610, %max3A_612 : vector<16xf32>
        %swap3A_614 = arith.index_cast %add3A_516 : i32 to index
        %swap3A_615 = arith.constant 80 : index
        %swap3A_616 = tpu.vector_load %arg16[%swap3A_614, %swap3A_615] {strides = array<i32>} : memref<56x128xf32, #tpu.memory_space<vmem>>, vector<1x16xf32>,
        %swap3A_617 = vector.shape_cast %swap3A_616 : vector<1x16xf32> to vector<16xf32>
        %swap3A_618 = vector.shape_cast %max3A_613 : vector<16xf32> to vector<1x16xf32>
        tpu.vector_store %arg16[%swap3A_614, %swap3A_615], %swap3A_618 {strides = array<i32>} : memref<56x128xf32, #tpu.memory_space<vmem>>, vector<1x16xf32>,
        %get3A_619 = arith.index_cast %add3A_516 : i32 to index
        %get3A_620 = arith.constant 96 : index
        %get3A_621 = tpu.vector_load %arg16[%get3A_619, %get3A_620] {strides = array<i32>} : memref<56x128xf32, #tpu.memory_space<vmem>>, vector<1x16xf32>,
        %get3A_622 = vector.shape_cast %get3A_621 : vector<1x16xf32> to vector<16xf32>
        %get3A_623 = arith.index_cast %add3A_516 : i32 to index
        %get3A_624 = arith.constant 96 : index
        %get3A_625 = tpu.vector_load %arg17[%get3A_623, %get3A_624] {strides = array<i32>} : memref<56x128xf32, #tpu.memory_space<vmem>>, vector<1x16xf32>,
        %get3A_626 = vector.shape_cast %get3A_625 : vector<1x16xf32> to vector<16xf32>
        %add3A_627 = arith.addf %get3A_622, %get3A_626 : vector<16xf32>
        %max3A_628 = arith.constant 0.000000e+00 : f32
        %max3A_629 = vector.broadcast %max3A_628 : f32 to vector<16xf32>
        %max3A_630 = arith.maximumf %add3A_627, %max3A_629 : vector<16xf32>
        %swap3A_631 = arith.index_cast %add3A_516 : i32 to index
        %swap3A_632 = arith.constant 96 : index
        %swap3A_633 = tpu.vector_load %arg16[%swap3A_631, %swap3A_632] {strides = array<i32>} : memref<56x128xf32, #tpu.memory_space<vmem>>, vector<1x16xf32>,
        %swap3A_634 = vector.shape_cast %swap3A_633 : vector<1x16xf32> to vector<16xf32>
        %swap3A_635 = vector.shape_cast %max3A_630 : vector<16xf32> to vector<1x16xf32>
        tpu.vector_store %arg16[%swap3A_631, %swap3A_632], %swap3A_635 {strides = array<i32>} : memref<56x128xf32, #tpu.memory_space<vmem>>, vector<1x16xf32>,
        %get3A_636 = arith.index_cast %add3A_516 : i32 to index
        %get3A_637 = arith.constant 112 : index
        %get3A_638 = tpu.vector_load %arg16[%get3A_636, %get3A_637] {strides = array<i32>} : memref<56x128xf32, #tpu.memory_space<vmem>>, vector<1x16xf32>,
        %get3A_639 = vector.shape_cast %get3A_638 : vector<1x16xf32> to vector<16xf32>
        %get3A_640 = arith.index_cast %add3A_516 : i32 to index
        %get3A_641 = arith.constant 112 : index
        %get3A_642 = tpu.vector_load %arg17[%get3A_640, %get3A_641] {strides = array<i32>} : memref<56x128xf32, #tpu.memory_space<vmem>>, vector<1x16xf32>,
        %get3A_643 = vector.shape_cast %get3A_642 : vector<1x16xf32> to vector<16xf32>
        %add3A_644 = arith.addf %get3A_639, %get3A_643 : vector<16xf32>
        %max3A_645 = arith.constant 0.000000e+00 : f32
        %max3A_646 = vector.broadcast %max3A_645 : f32 to vector<16xf32>
        %max3A_647 = arith.maximumf %add3A_644, %max3A_646 : vector<16xf32>
        %swap3A_648 = arith.index_cast %add3A_516 : i32 to index
        %swap3A_649 = arith.constant 112 : index
        %swap3A_650 = tpu.vector_load %arg16[%swap3A_648, %swap3A_649] {strides = array<i32>} : memref<56x128xf32, #tpu.memory_space<vmem>>, vector<1x16xf32>,
        %swap3A_651 = vector.shape_cast %swap3A_650 : vector<1x16xf32> to vector<16xf32>
        %swap3A_652 = vector.shape_cast %max3A_647 : vector<16xf32> to vector<1x16xf32>
        tpu.vector_store %arg16[%swap3A_648, %swap3A_649], %swap3A_652 {strides = array<i32>} : memref<56x128xf32, #tpu.memory_space<vmem>>, vector<1x16xf32>,
        %mul3A_653 = arith.constant 4 : i32
        %mul3A_654 = arith.muli %scan3A_373, %mul3A_653 : i32
        %add3A_655 = arith.constant 2 : i32
        %add3A_656 = arith.addi %mul3A_654, %add3A_655 : i32
        %get3A_657 = arith.index_cast %add3A_656 : i32 to index
        %get3A_658 = arith.constant 0 : index
        %get3A_659 = tpu.vector_load %arg16[%get3A_657, %get3A_658] {strides = array<i32>} : memref<56x128xf32, #tpu.memory_space<vmem>>, vector<1x16xf32>,
        %get3A_660 = vector.shape_cast %get3A_659 : vector<1x16xf32> to vector<16xf32>
        %get3A_661 = arith.index_cast %add3A_656 : i32 to index
        %get3A_662 = arith.constant 0 : index
        %get3A_663 = tpu.vector_load %arg17[%get3A_661, %get3A_662] {strides = array<i32>} : memref<56x128xf32, #tpu.memory_space<vmem>>, vector<1x16xf32>,
        %get3A_664 = vector.shape_cast %get3A_663 : vector<1x16xf32> to vector<16xf32>
        %add3A_665 = arith.addf %get3A_660, %get3A_664 : vector<16xf32>
        %max3A_666 = arith.constant 0.000000e+00 : f32
        %max3A_667 = vector.broadcast %max3A_666 : f32 to vector<16xf32>
        %max3A_668 = arith.maximumf %add3A_665, %max3A_667 : vector<16xf32>
        %swap3A_669 = arith.index_cast %add3A_656 : i32 to index
        %swap3A_670 = arith.constant 0 : index
        %swap3A_671 = tpu.vector_load %arg16[%swap3A_669, %swap3A_670] {strides = array<i32>} : memref<56x128xf32, #tpu.memory_space<vmem>>, vector<1x16xf32>,
        %swap3A_672 = vector.shape_cast %swap3A_671 : vector<1x16xf32> to vector<16xf32>
        %swap3A_673 = vector.shape_cast %max3A_668 : vector<16xf32> to vector<1x16xf32>
        tpu.vector_store %arg16[%swap3A_669, %swap3A_670], %swap3A_673 {strides = array<i32>} : memref<56x128xf32, #tpu.memory_space<vmem>>, vector<1x16xf32>,
        %get3A_674 = arith.index_cast %add3A_656 : i32 to index
        %get3A_675 = arith.constant 16 : index
        %get3A_676 = tpu.vector_load %arg16[%get3A_674, %get3A_675] {strides = array<i32>} : memref<56x128xf32, #tpu.memory_space<vmem>>, vector<1x16xf32>,
        %get3A_677 = vector.shape_cast %get3A_676 : vector<1x16xf32> to vector<16xf32>
        %get3A_678 = arith.index_cast %add3A_656 : i32 to index
        %get3A_679 = arith.constant 16 : index
        %get3A_680 = tpu.vector_load %arg17[%get3A_678, %get3A_679] {strides = array<i32>} : memref<56x128xf32, #tpu.memory_space<vmem>>, vector<1x16xf32>,
        %get3A_681 = vector.shape_cast %get3A_680 : vector<1x16xf32> to vector<16xf32>
        %add3A_682 = arith.addf %get3A_677, %get3A_681 : vector<16xf32>
        %max3A_683 = arith.constant 0.000000e+00 : f32
        %max3A_684 = vector.broadcast %max3A_683 : f32 to vector<16xf32>
        %max3A_685 = arith.maximumf %add3A_682, %max3A_684 : vector<16xf32>
        %swap3A_686 = arith.index_cast %add3A_656 : i32 to index
        %swap3A_687 = arith.constant 16 : index
        %swap3A_688 = tpu.vector_load %arg16[%swap3A_686, %swap3A_687] {strides = array<i32>} : memref<56x128xf32, #tpu.memory_space<vmem>>, vector<1x16xf32>,
        %swap3A_689 = vector.shape_cast %swap3A_688 : vector<1x16xf32> to vector<16xf32>
        %swap3A_690 = vector.shape_cast %max3A_685 : vector<16xf32> to vector<1x16xf32>
        tpu.vector_store %arg16[%swap3A_686, %swap3A_687], %swap3A_690 {strides = array<i32>} : memref<56x128xf32, #tpu.memory_space<vmem>>, vector<1x16xf32>,
        %get3A_691 = arith.index_cast %add3A_656 : i32 to index
        %get3A_692 = arith.constant 32 : index
        %get3A_693 = tpu.vector_load %arg16[%get3A_691, %get3A_692] {strides = array<i32>} : memref<56x128xf32, #tpu.memory_space<vmem>>, vector<1x16xf32>,
        %get3A_694 = vector.shape_cast %get3A_693 : vector<1x16xf32> to vector<16xf32>
        %get3A_695 = arith.index_cast %add3A_656 : i32 to index
        %get3A_696 = arith.constant 32 : index
        %get3A_697 = tpu.vector_load %arg17[%get3A_695, %get3A_696] {strides = array<i32>} : memref<56x128xf32, #tpu.memory_space<vmem>>, vector<1x16xf32>,
        %get3A_698 = vector.shape_cast %get3A_697 : vector<1x16xf32> to vector<16xf32>
        %add3A_699 = arith.addf %get3A_694, %get3A_698 : vector<16xf32>
        %max3A_700 = arith.constant 0.000000e+00 : f32
        %max3A_701 = vector.broadcast %max3A_700 : f32 to vector<16xf32>
        %max3A_702 = arith.maximumf %add3A_699, %max3A_701 : vector<16xf32>
        %swap3A_703 = arith.index_cast %add3A_656 : i32 to index
        %swap3A_704 = arith.constant 32 : index
        %swap3A_705 = tpu.vector_load %arg16[%swap3A_703, %swap3A_704] {strides = array<i32>} : memref<56x128xf32, #tpu.memory_space<vmem>>, vector<1x16xf32>,
        %swap3A_706 = vector.shape_cast %swap3A_705 : vector<1x16xf32> to vector<16xf32>
        %swap3A_707 = vector.shape_cast %max3A_702 : vector<16xf32> to vector<1x16xf32>
        tpu.vector_store %arg16[%swap3A_703, %swap3A_704], %swap3A_707 {strides = array<i32>} : memref<56x128xf32, #tpu.memory_space<vmem>>, vector<1x16xf32>,
        %get3A_708 = arith.index_cast %add3A_656 : i32 to index
        %get3A_709 = arith.constant 48 : index
        %get3A_710 = tpu.vector_load %arg16[%get3A_708, %get3A_709] {strides = array<i32>} : memref<56x128xf32, #tpu.memory_space<vmem>>, vector<1x16xf32>,
        %get3A_711 = vector.shape_cast %get3A_710 : vector<1x16xf32> to vector<16xf32>
        %get3A_712 = arith.index_cast %add3A_656 : i32 to index
        %get3A_713 = arith.constant 48 : index
        %get3A_714 = tpu.vector_load %arg17[%get3A_712, %get3A_713] {strides = array<i32>} : memref<56x128xf32, #tpu.memory_space<vmem>>, vector<1x16xf32>,
        %get3A_715 = vector.shape_cast %get3A_714 : vector<1x16xf32> to vector<16xf32>
        %add3A_716 = arith.addf %get3A_711, %get3A_715 : vector<16xf32>
        %max3A_717 = arith.constant 0.000000e+00 : f32
        %max3A_718 = vector.broadcast %max3A_717 : f32 to vector<16xf32>
        %max3A_719 = arith.maximumf %add3A_716, %max3A_718 : vector<16xf32>
        %swap3A_720 = arith.index_cast %add3A_656 : i32 to index
        %swap3A_721 = arith.constant 48 : index
        %swap3A_722 = tpu.vector_load %arg16[%swap3A_720, %swap3A_721] {strides = array<i32>} : memref<56x128xf32, #tpu.memory_space<vmem>>, vector<1x16xf32>,
        %swap3A_723 = vector.shape_cast %swap3A_722 : vector<1x16xf32> to vector<16xf32>
        %swap3A_724 = vector.shape_cast %max3A_719 : vector<16xf32> to vector<1x16xf32>
        tpu.vector_store %arg16[%swap3A_720, %swap3A_721], %swap3A_724 {strides = array<i32>} : memref<56x128xf32, #tpu.memory_space<vmem>>, vector<1x16xf32>,
        %get3A_725 = arith.index_cast %add3A_656 : i32 to index
        %get3A_726 = arith.constant 64 : index
        %get3A_727 = tpu.vector_load %arg16[%get3A_725, %get3A_726] {strides = array<i32>} : memref<56x128xf32, #tpu.memory_space<vmem>>, vector<1x16xf32>,
        %get3A_728 = vector.shape_cast %get3A_727 : vector<1x16xf32> to vector<16xf32>
        %get3A_729 = arith.index_cast %add3A_656 : i32 to index
        %get3A_730 = arith.constant 64 : index
        %get3A_731 = tpu.vector_load %arg17[%get3A_729, %get3A_730] {strides = array<i32>} : memref<56x128xf32, #tpu.memory_space<vmem>>, vector<1x16xf32>,
        %get3A_732 = vector.shape_cast %get3A_731 : vector<1x16xf32> to vector<16xf32>
        %add3A_733 = arith.addf %get3A_728, %get3A_732 : vector<16xf32>
        %max3A_734 = arith.constant 0.000000e+00 : f32
        %max3A_735 = vector.broadcast %max3A_734 : f32 to vector<16xf32>
        %max3A_736 = arith.maximumf %add3A_733, %max3A_735 : vector<16xf32>
        %swap3A_737 = arith.index_cast %add3A_656 : i32 to index
        %swap3A_738 = arith.constant 64 : index
        %swap3A_739 = tpu.vector_load %arg16[%swap3A_737, %swap3A_738] {strides = array<i32>} : memref<56x128xf32, #tpu.memory_space<vmem>>, vector<1x16xf32>,
        %swap3A_740 = vector.shape_cast %swap3A_739 : vector<1x16xf32> to vector<16xf32>
        %swap3A_741 = vector.shape_cast %max3A_736 : vector<16xf32> to vector<1x16xf32>
        tpu.vector_store %arg16[%swap3A_737, %swap3A_738], %swap3A_741 {strides = array<i32>} : memref<56x128xf32, #tpu.memory_space<vmem>>, vector<1x16xf32>,
        %get3A_742 = arith.index_cast %add3A_656 : i32 to index
        %get3A_743 = arith.constant 80 : index
        %get3A_744 = tpu.vector_load %arg16[%get3A_742, %get3A_743] {strides = array<i32>} : memref<56x128xf32, #tpu.memory_space<vmem>>, vector<1x16xf32>,
        %get3A_745 = vector.shape_cast %get3A_744 : vector<1x16xf32> to vector<16xf32>
        %get3A_746 = arith.index_cast %add3A_656 : i32 to index
        %get3A_747 = arith.constant 80 : index
        %get3A_748 = tpu.vector_load %arg17[%get3A_746, %get3A_747] {strides = array<i32>} : memref<56x128xf32, #tpu.memory_space<vmem>>, vector<1x16xf32>,
        %get3A_749 = vector.shape_cast %get3A_748 : vector<1x16xf32> to vector<16xf32>
        %add3A_750 = arith.addf %get3A_745, %get3A_749 : vector<16xf32>
        %max3A_751 = arith.constant 0.000000e+00 : f32
        %max3A_752 = vector.broadcast %max3A_751 : f32 to vector<16xf32>
        %max3A_753 = arith.maximumf %add3A_750, %max3A_752 : vector<16xf32>
        %swap3A_754 = arith.index_cast %add3A_656 : i32 to index
        %swap3A_755 = arith.constant 80 : index
        %swap3A_756 = tpu.vector_load %arg16[%swap3A_754, %swap3A_755] {strides = array<i32>} : memref<56x128xf32, #tpu.memory_space<vmem>>, vector<1x16xf32>,
        %swap3A_757 = vector.shape_cast %swap3A_756 : vector<1x16xf32> to vector<16xf32>
        %swap3A_758 = vector.shape_cast %max3A_753 : vector<16xf32> to vector<1x16xf32>
        tpu.vector_store %arg16[%swap3A_754, %swap3A_755], %swap3A_758 {strides = array<i32>} : memref<56x128xf32, #tpu.memory_space<vmem>>, vector<1x16xf32>,
        %get3A_759 = arith.index_cast %add3A_656 : i32 to index
        %get3A_760 = arith.constant 96 : index
        %get3A_761 = tpu.vector_load %arg16[%get3A_759, %get3A_760] {strides = array<i32>} : memref<56x128xf32, #tpu.memory_space<vmem>>, vector<1x16xf32>,
        %get3A_762 = vector.shape_cast %get3A_761 : vector<1x16xf32> to vector<16xf32>
        %get3A_763 = arith.index_cast %add3A_656 : i32 to index
        %get3A_764 = arith.constant 96 : index
        %get3A_765 = tpu.vector_load %arg17[%get3A_763, %get3A_764] {strides = array<i32>} : memref<56x128xf32, #tpu.memory_space<vmem>>, vector<1x16xf32>,
        %get3A_766 = vector.shape_cast %get3A_765 : vector<1x16xf32> to vector<16xf32>
        %add3A_767 = arith.addf %get3A_762, %get3A_766 : vector<16xf32>
        %max3A_768 = arith.constant 0.000000e+00 : f32
        %max3A_769 = vector.broadcast %max3A_768 : f32 to vector<16xf32>
        %max3A_770 = arith.maximumf %add3A_767, %max3A_769 : vector<16xf32>
        %swap3A_771 = arith.index_cast %add3A_656 : i32 to index
        %swap3A_772 = arith.constant 96 : index
        %swap3A_773 = tpu.vector_load %arg16[%swap3A_771, %swap3A_772] {strides = array<i32>} : memref<56x128xf32, #tpu.memory_space<vmem>>, vector<1x16xf32>,
        %swap3A_774 = vector.shape_cast %swap3A_773 : vector<1x16xf32> to vector<16xf32>
        %swap3A_775 = vector.shape_cast %max3A_770 : vector<16xf32> to vector<1x16xf32>
        tpu.vector_store %arg16[%swap3A_771, %swap3A_772], %swap3A_775 {strides = array<i32>} : memref<56x128xf32, #tpu.memory_space<vmem>>, vector<1x16xf32>,
        %get3A_776 = arith.index_cast %add3A_656 : i32 to index
        %get3A_777 = arith.constant 112 : index
        %get3A_778 = tpu.vector_load %arg16[%get3A_776, %get3A_777] {strides = array<i32>} : memref<56x128xf32, #tpu.memory_space<vmem>>, vector<1x16xf32>,
        %get3A_779 = vector.shape_cast %get3A_778 : vector<1x16xf32> to vector<16xf32>
        %get3A_780 = arith.index_cast %add3A_656 : i32 to index
        %get3A_781 = arith.constant 112 : index
        %get3A_782 = tpu.vector_load %arg17[%get3A_780, %get3A_781] {strides = array<i32>} : memref<56x128xf32, #tpu.memory_space<vmem>>, vector<1x16xf32>,
        %get3A_783 = vector.shape_cast %get3A_782 : vector<1x16xf32> to vector<16xf32>
        %add3A_784 = arith.addf %get3A_779, %get3A_783 : vector<16xf32>
        %max3A_785 = arith.constant 0.000000e+00 : f32
        %max3A_786 = vector.broadcast %max3A_785 : f32 to vector<16xf32>
        %max3A_787 = arith.maximumf %add3A_784, %max3A_786 : vector<16xf32>
        %swap3A_788 = arith.index_cast %add3A_656 : i32 to index
        %swap3A_789 = arith.constant 112 : index
        %swap3A_790 = tpu.vector_load %arg16[%swap3A_788, %swap3A_789] {strides = array<i32>} : memref<56x128xf32, #tpu.memory_space<vmem>>, vector<1x16xf32>,
        %swap3A_791 = vector.shape_cast %swap3A_790 : vector<1x16xf32> to vector<16xf32>
        %swap3A_792 = vector.shape_cast %max3A_787 : vector<16xf32> to vector<1x16xf32>
        tpu.vector_store %arg16[%swap3A_788, %swap3A_789], %swap3A_792 {strides = array<i32>} : memref<56x128xf32, #tpu.memory_space<vmem>>, vector<1x16xf32>,
        %mul3A_793 = arith.constant 4 : i32
        %mul3A_794 = arith.muli %scan3A_373, %mul3A_793 : i32
        %add3A_795 = arith.constant 3 : i32
        %add3A_796 = arith.addi %mul3A_794, %add3A_795 : i32
        %get3A_797 = arith.index_cast %add3A_796 : i32 to index
        %get3A_798 = arith.constant 0 : index
        %get3A_799 = tpu.vector_load %arg16[%get3A_797, %get3A_798] {strides = array<i32>} : memref<56x128xf32, #tpu.memory_space<vmem>>, vector<1x16xf32>,
        %get3A_800 = vector.shape_cast %get3A_799 : vector<1x16xf32> to vector<16xf32>
        %get3A_801 = arith.index_cast %add3A_796 : i32 to index
        %get3A_802 = arith.constant 0 : index
        %get3A_803 = tpu.vector_load %arg17[%get3A_801, %get3A_802] {strides = array<i32>} : memref<56x128xf32, #tpu.memory_space<vmem>>, vector<1x16xf32>,
        %get3A_804 = vector.shape_cast %get3A_803 : vector<1x16xf32> to vector<16xf32>
        %add3A_805 = arith.addf %get3A_800, %get3A_804 : vector<16xf32>
        %max3A_806 = arith.constant 0.000000e+00 : f32
        %max3A_807 = vector.broadcast %max3A_806 : f32 to vector<16xf32>
        %max3A_808 = arith.maximumf %add3A_805, %max3A_807 : vector<16xf32>
        %swap3A_809 = arith.index_cast %add3A_796 : i32 to index
        %swap3A_810 = arith.constant 0 : index
        %swap3A_811 = tpu.vector_load %arg16[%swap3A_809, %swap3A_810] {strides = array<i32>} : memref<56x128xf32, #tpu.memory_space<vmem>>, vector<1x16xf32>,
        %swap3A_812 = vector.shape_cast %swap3A_811 : vector<1x16xf32> to vector<16xf32>
        %swap3A_813 = vector.shape_cast %max3A_808 : vector<16xf32> to vector<1x16xf32>
        tpu.vector_store %arg16[%swap3A_809, %swap3A_810], %swap3A_813 {strides = array<i32>} : memref<56x128xf32, #tpu.memory_space<vmem>>, vector<1x16xf32>,
        %get3A_814 = arith.index_cast %add3A_796 : i32 to index
        %get3A_815 = arith.constant 16 : index
        %get3A_816 = tpu.vector_load %arg16[%get3A_814, %get3A_815] {strides = array<i32>} : memref<56x128xf32, #tpu.memory_space<vmem>>, vector<1x16xf32>,
        %get3A_817 = vector.shape_cast %get3A_816 : vector<1x16xf32> to vector<16xf32>
        %get3A_818 = arith.index_cast %add3A_796 : i32 to index
        %get3A_819 = arith.constant 16 : index
        %get3A_820 = tpu.vector_load %arg17[%get3A_818, %get3A_819] {strides = array<i32>} : memref<56x128xf32, #tpu.memory_space<vmem>>, vector<1x16xf32>,
        %get3A_821 = vector.shape_cast %get3A_820 : vector<1x16xf32> to vector<16xf32>
        %add3A_822 = arith.addf %get3A_817, %get3A_821 : vector<16xf32>
        %max3A_823 = arith.constant 0.000000e+00 : f32
        %max3A_824 = vector.broadcast %max3A_823 : f32 to vector<16xf32>
        %max3A_825 = arith.maximumf %add3A_822, %max3A_824 : vector<16xf32>
        %swap3A_826 = arith.index_cast %add3A_796 : i32 to index
        %swap3A_827 = arith.constant 16 : index
        %swap3A_828 = tpu.vector_load %arg16[%swap3A_826, %swap3A_827] {strides = array<i32>} : memref<56x128xf32, #tpu.memory_space<vmem>>, vector<1x16xf32>,
        %swap3A_829 = vector.shape_cast %swap3A_828 : vector<1x16xf32> to vector<16xf32>
        %swap3A_830 = vector.shape_cast %max3A_825 : vector<16xf32> to vector<1x16xf32>
        tpu.vector_store %arg16[%swap3A_826, %swap3A_827], %swap3A_830 {strides = array<i32>} : memref<56x128xf32, #tpu.memory_space<vmem>>, vector<1x16xf32>,
        %get3A_831 = arith.index_cast %add3A_796 : i32 to index
        %get3A_832 = arith.constant 32 : index
        %get3A_833 = tpu.vector_load %arg16[%get3A_831, %get3A_832] {strides = array<i32>} : memref<56x128xf32, #tpu.memory_space<vmem>>, vector<1x16xf32>,
        %get3A_834 = vector.shape_cast %get3A_833 : vector<1x16xf32> to vector<16xf32>
        %get3A_835 = arith.index_cast %add3A_796 : i32 to index
        %get3A_836 = arith.constant 32 : index
        %get3A_837 = tpu.vector_load %arg17[%get3A_835, %get3A_836] {strides = array<i32>} : memref<56x128xf32, #tpu.memory_space<vmem>>, vector<1x16xf32>,
        %get3A_838 = vector.shape_cast %get3A_837 : vector<1x16xf32> to vector<16xf32>
        %add3A_839 = arith.addf %get3A_834, %get3A_838 : vector<16xf32>
        %max3A_840 = arith.constant 0.000000e+00 : f32
        %max3A_841 = vector.broadcast %max3A_840 : f32 to vector<16xf32>
        %max3A_842 = arith.maximumf %add3A_839, %max3A_841 : vector<16xf32>
        %swap3A_843 = arith.index_cast %add3A_796 : i32 to index
        %swap3A_844 = arith.constant 32 : index
        %swap3A_845 = tpu.vector_load %arg16[%swap3A_843, %swap3A_844] {strides = array<i32>} : memref<56x128xf32, #tpu.memory_space<vmem>>, vector<1x16xf32>,
        %swap3A_846 = vector.shape_cast %swap3A_845 : vector<1x16xf32> to vector<16xf32>
        %swap3A_847 = vector.shape_cast %max3A_842 : vector<16xf32> to vector<1x16xf32>
        tpu.vector_store %arg16[%swap3A_843, %swap3A_844], %swap3A_847 {strides = array<i32>} : memref<56x128xf32, #tpu.memory_space<vmem>>, vector<1x16xf32>,
        %get3A_848 = arith.index_cast %add3A_796 : i32 to index
        %get3A_849 = arith.constant 48 : index
        %get3A_850 = tpu.vector_load %arg16[%get3A_848, %get3A_849] {strides = array<i32>} : memref<56x128xf32, #tpu.memory_space<vmem>>, vector<1x16xf32>,
        %get3A_851 = vector.shape_cast %get3A_850 : vector<1x16xf32> to vector<16xf32>
        %get3A_852 = arith.index_cast %add3A_796 : i32 to index
        %get3A_853 = arith.constant 48 : index
        %get3A_854 = tpu.vector_load %arg17[%get3A_852, %get3A_853] {strides = array<i32>} : memref<56x128xf32, #tpu.memory_space<vmem>>, vector<1x16xf32>,
        %get3A_855 = vector.shape_cast %get3A_854 : vector<1x16xf32> to vector<16xf32>
        %add3A_856 = arith.addf %get3A_851, %get3A_855 : vector<16xf32>
        %max3A_857 = arith.constant 0.000000e+00 : f32
        %max3A_858 = vector.broadcast %max3A_857 : f32 to vector<16xf32>
        %max3A_859 = arith.maximumf %add3A_856, %max3A_858 : vector<16xf32>
        %swap3A_860 = arith.index_cast %add3A_796 : i32 to index
        %swap3A_861 = arith.constant 48 : index
        %swap3A_862 = tpu.vector_load %arg16[%swap3A_860, %swap3A_861] {strides = array<i32>} : memref<56x128xf32, #tpu.memory_space<vmem>>, vector<1x16xf32>,
        %swap3A_863 = vector.shape_cast %swap3A_862 : vector<1x16xf32> to vector<16xf32>
        %swap3A_864 = vector.shape_cast %max3A_859 : vector<16xf32> to vector<1x16xf32>
        tpu.vector_store %arg16[%swap3A_860, %swap3A_861], %swap3A_864 {strides = array<i32>} : memref<56x128xf32, #tpu.memory_space<vmem>>, vector<1x16xf32>,
        %get3A_865 = arith.index_cast %add3A_796 : i32 to index
        %get3A_866 = arith.constant 64 : index
        %get3A_867 = tpu.vector_load %arg16[%get3A_865, %get3A_866] {strides = array<i32>} : memref<56x128xf32, #tpu.memory_space<vmem>>, vector<1x16xf32>,
        %get3A_868 = vector.shape_cast %get3A_867 : vector<1x16xf32> to vector<16xf32>
        %get3A_869 = arith.index_cast %add3A_796 : i32 to index
        %get3A_870 = arith.constant 64 : index
        %get3A_871 = tpu.vector_load %arg17[%get3A_869, %get3A_870] {strides = array<i32>} : memref<56x128xf32, #tpu.memory_space<vmem>>, vector<1x16xf32>,
        %get3A_872 = vector.shape_cast %get3A_871 : vector<1x16xf32> to vector<16xf32>
        %add3A_873 = arith.addf %get3A_868, %get3A_872 : vector<16xf32>
        %max3A_874 = arith.constant 0.000000e+00 : f32
        %max3A_875 = vector.broadcast %max3A_874 : f32 to vector<16xf32>
        %max3A_876 = arith.maximumf %add3A_873, %max3A_875 : vector<16xf32>
        %swap3A_877 = arith.index_cast %add3A_796 : i32 to index
        %swap3A_878 = arith.constant 64 : index
        %swap3A_879 = tpu.vector_load %arg16[%swap3A_877, %swap3A_878] {strides = array<i32>} : memref<56x128xf32, #tpu.memory_space<vmem>>, vector<1x16xf32>,
        %swap3A_880 = vector.shape_cast %swap3A_879 : vector<1x16xf32> to vector<16xf32>
        %swap3A_881 = vector.shape_cast %max3A_876 : vector<16xf32> to vector<1x16xf32>
        tpu.vector_store %arg16[%swap3A_877, %swap3A_878], %swap3A_881 {strides = array<i32>} : memref<56x128xf32, #tpu.memory_space<vmem>>, vector<1x16xf32>,
        %get3A_882 = arith.index_cast %add3A_796 : i32 to index
        %get3A_883 = arith.constant 80 : index
        %get3A_884 = tpu.vector_load %arg16[%get3A_882, %get3A_883] {strides = array<i32>} : memref<56x128xf32, #tpu.memory_space<vmem>>, vector<1x16xf32>,
        %get3A_885 = vector.shape_cast %get3A_884 : vector<1x16xf32> to vector<16xf32>
        %get3A_886 = arith.index_cast %add3A_796 : i32 to index
        %get3A_887 = arith.constant 80 : index
        %get3A_888 = tpu.vector_load %arg17[%get3A_886, %get3A_887] {strides = array<i32>} : memref<56x128xf32, #tpu.memory_space<vmem>>, vector<1x16xf32>,
        %get3A_889 = vector.shape_cast %get3A_888 : vector<1x16xf32> to vector<16xf32>
        %add3A_890 = arith.addf %get3A_885, %get3A_889 : vector<16xf32>
        %max3A_891 = arith.constant 0.000000e+00 : f32
        %max3A_892 = vector.broadcast %max3A_891 : f32 to vector<16xf32>
        %max3A_893 = arith.maximumf %add3A_890, %max3A_892 : vector<16xf32>
        %swap3A_894 = arith.index_cast %add3A_796 : i32 to index
        %swap3A_895 = arith.constant 80 : index
        %swap3A_896 = tpu.vector_load %arg16[%swap3A_894, %swap3A_895] {strides = array<i32>} : memref<56x128xf32, #tpu.memory_space<vmem>>, vector<1x16xf32>,
        %swap3A_897 = vector.shape_cast %swap3A_896 : vector<1x16xf32> to vector<16xf32>
        %swap3A_898 = vector.shape_cast %max3A_893 : vector<16xf32> to vector<1x16xf32>
        tpu.vector_store %arg16[%swap3A_894, %swap3A_895], %swap3A_898 {strides = array<i32>} : memref<56x128xf32, #tpu.memory_space<vmem>>, vector<1x16xf32>,
        %get3A_899 = arith.index_cast %add3A_796 : i32 to index
        %get3A_900 = arith.constant 96 : index
        %get3A_901 = tpu.vector_load %arg16[%get3A_899, %get3A_900] {strides = array<i32>} : memref<56x128xf32, #tpu.memory_space<vmem>>, vector<1x16xf32>,
        %get3A_902 = vector.shape_cast %get3A_901 : vector<1x16xf32> to vector<16xf32>
        %get3A_903 = arith.index_cast %add3A_796 : i32 to index
        %get3A_904 = arith.constant 96 : index
        %get3A_905 = tpu.vector_load %arg17[%get3A_903, %get3A_904] {strides = array<i32>} : memref<56x128xf32, #tpu.memory_space<vmem>>, vector<1x16xf32>,
        %get3A_906 = vector.shape_cast %get3A_905 : vector<1x16xf32> to vector<16xf32>
        %add3A_907 = arith.addf %get3A_902, %get3A_906 : vector<16xf32>
        %max3A_908 = arith.constant 0.000000e+00 : f32
        %max3A_909 = vector.broadcast %max3A_908 : f32 to vector<16xf32>
        %max3A_910 = arith.maximumf %add3A_907, %max3A_909 : vector<16xf32>
        %swap3A_911 = arith.index_cast %add3A_796 : i32 to index
        %swap3A_912 = arith.constant 96 : index
        %swap3A_913 = tpu.vector_load %arg16[%swap3A_911, %swap3A_912] {strides = array<i32>} : memref<56x128xf32, #tpu.memory_space<vmem>>, vector<1x16xf32>,
        %swap3A_914 = vector.shape_cast %swap3A_913 : vector<1x16xf32> to vector<16xf32>
        %swap3A_915 = vector.shape_cast %max3A_910 : vector<16xf32> to vector<1x16xf32>
        tpu.vector_store %arg16[%swap3A_911, %swap3A_912], %swap3A_915 {strides = array<i32>} : memref<56x128xf32, #tpu.memory_space<vmem>>, vector<1x16xf32>,
        %get3A_916 = arith.index_cast %add3A_796 : i32 to index
        %get3A_917 = arith.constant 112 : index
        %get3A_918 = tpu.vector_load %arg16[%get3A_916, %get3A_917] {strides = array<i32>} : memref<56x128xf32, #tpu.memory_space<vmem>>, vector<1x16xf32>,
        %get3A_919 = vector.shape_cast %get3A_918 : vector<1x16xf32> to vector<16xf32>
        %get3A_920 = arith.index_cast %add3A_796 : i32 to index
        %get3A_921 = arith.constant 112 : index
        %get3A_922 = tpu.vector_load %arg17[%get3A_920, %get3A_921] {strides = array<i32>} : memref<56x128xf32, #tpu.memory_space<vmem>>, vector<1x16xf32>,
        %get3A_923 = vector.shape_cast %get3A_922 : vector<1x16xf32> to vector<16xf32>
        %add3A_924 = arith.addf %get3A_919, %get3A_923 : vector<16xf32>
        %max3A_925 = arith.constant 0.000000e+00 : f32
        %max3A_926 = vector.broadcast %max3A_925 : f32 to vector<16xf32>
        %max3A_927 = arith.maximumf %add3A_924, %max3A_926 : vector<16xf32>
        %swap3A_928 = arith.index_cast %add3A_796 : i32 to index
        %swap3A_929 = arith.constant 112 : index
        %swap3A_930 = tpu.vector_load %arg16[%swap3A_928, %swap3A_929] {strides = array<i32>} : memref<56x128xf32, #tpu.memory_space<vmem>>, vector<1x16xf32>,
        %swap3A_931 = vector.shape_cast %swap3A_930 : vector<1x16xf32> to vector<16xf32>
        %swap3A_932 = vector.shape_cast %max3A_927 : vector<16xf32> to vector<1x16xf32>
        tpu.vector_store %arg16[%swap3A_928, %swap3A_929], %swap3A_932 {strides = array<i32>} : memref<56x128xf32, #tpu.memory_space<vmem>>, vector<1x16xf32>,
      }
      %scan3A_276 = arith.constant 14 : i32
      %dma_start3A_277 = arith.constant 0 : i32
      %dma_start3A_278 = arith.constant 0 : i32
      %dma_start3A_279 = tpu.memref_slice %arg12[%dma_start3A_277, %dma_start3A_278] : memref<1x56xi32, #tpu.memory_space<vmem>> -> memref<1x56xi32, #tpu.memory_space<vmem>>
      %dma_start3A_280 = tpu.memref_squeeze %dma_start3A_279 : memref<1x56xi32, #tpu.memory_space<vmem>> -> memref<56xi32, #tpu.memory_space<vmem>>
      %dma_start3A_281 = arith.constant 0 : i32
      %dma_start3A_282 = arith.constant 0 : i32
      %dma_start3A_283 = tpu.memref_slice %arg20[%dma_start3A_281, %dma_start3A_282] : memref<10112x128xf32, #tpu.memory_space<vmem_shared>> -> memref<10112x128xf32, #tpu.memory_space<vmem_shared>>
      tpu.enqueue_indirect_dma source(%arg16 : memref<56x128xf32, #tpu.memory_space<vmem>>) target(%dma_start3A_283 : memref<10112x128xf32, #tpu.memory_space<vmem_shared>>) offsets(%dma_start3A_280 : memref<56xi32, #tpu.memory_space<vmem>>) semaphore(%arg28 : memref<!tpu.dma_semaphore, #tpu.memory_space<semaphore_mem>>) {add = true}
      %mul3A_284 = arith.constant 3 : i32
      %mul3A_285 = arith.muli %mul3A_284, %scan3A_108 : i32
      %add3A_286 = arith.constant 2 : i32
      %add3A_287 = arith.addi %mul3A_285, %add3A_286 : i32
      %dma_wait3A_288 = arith.constant 0 : i32
      %dma_wait3A_289 = arith.constant 0 : i32
      %dma_wait3A_290 = tpu.memref_slice %arg10[%dma_wait3A_288, %dma_wait3A_289] : memref<1x192xi32, #tpu.memory_space<vmem>> -> memref<1x56xi32, #tpu.memory_space<vmem>>
      %dma_wait3A_291 = tpu.memref_squeeze %dma_wait3A_290 : memref<1x56xi32, #tpu.memory_space<vmem>> -> memref<56xi32, #tpu.memory_space<vmem>>
      %dma_wait3A_292 = arith.constant 0 : i32
      %dma_wait3A_293 = arith.constant 0 : i32
      %dma_wait3A_294 = tpu.memref_slice %arg2[%dma_wait3A_292, %dma_wait3A_293] : memref<10112x128xf32, #tpu.memory_space<hbm>> -> memref<10112x128xf32, #tpu.memory_space<hbm>>
      tpu.wait_indirect_dma semaphore(%arg26 : memref<!tpu.dma_semaphore, #tpu.memory_space<semaphore_mem>>) src(%dma_wait3A_294 : memref<10112x128xf32, #tpu.memory_space<hbm>>) dst(%arg18 : memref<56x128xf32, #tpu.memory_space<vmem>>)
      %dma_wait3A_295 = arith.constant 0 : i32
      %dma_wait3A_296 = arith.constant 128 : i32
      %dma_wait3A_297 = tpu.memref_slice %arg10[%dma_wait3A_295, %dma_wait3A_296] : memref<1x192xi32, #tpu.memory_space<vmem>> -> memref<1x56xi32, #tpu.memory_space<vmem>>
      %dma_wait3A_298 = tpu.memref_squeeze %dma_wait3A_297 : memref<1x56xi32, #tpu.memory_space<vmem>> -> memref<56xi32, #tpu.memory_space<vmem>>
      %dma_wait3A_299 = arith.constant 0 : i32
      %dma_wait3A_300 = arith.constant 0 : i32
      %dma_wait3A_301 = tpu.memref_slice %arg3[%dma_wait3A_299, %dma_wait3A_300] : memref<10112x128xf32, #tpu.memory_space<hbm>> -> memref<10112x128xf32, #tpu.memory_space<hbm>>
      tpu.wait_indirect_dma semaphore(%arg26 : memref<!tpu.dma_semaphore, #tpu.memory_space<semaphore_mem>>) src(%dma_wait3A_301 : memref<10112x128xf32, #tpu.memory_space<hbm>>) dst(%arg19 : memref<56x128xf32, #tpu.memory_space<vmem>>)
      %get3A_302 = arith.constant 0 : i32
      %get3A_303 = arith.index_cast %get3A_302 : i32 to index
      %get3A_304 = arith.constant 0 : index
      %get3A_305 = tpu.vector_load %arg10[%get3A_303, %get3A_304] {strides = array<i32>} : memref<1x192xi32, #tpu.memory_space<vmem>>, vector<1x16xi32>,
      %get3A_306 = vector.shape_cast %get3A_305 : vector<1x16xi32> to vector<16xi32>
      %swap3A_307 = arith.constant 0 : i32
      %swap3A_308 = arith.index_cast %swap3A_307 : i32 to index
      %swap3A_309 = arith.constant 0 : index
      %swap3A_310 = tpu.vector_load %arg13[%swap3A_308, %swap3A_309] {strides = array<i32>} : memref<1x56xi32, #tpu.memory_space<vmem>>, vector<1x16xi32>,
      %swap3A_311 = vector.shape_cast %swap3A_310 : vector<1x16xi32> to vector<16xi32>
      %swap3A_312 = vector.shape_cast %get3A_306 : vector<16xi32> to vector<1x16xi32>
      tpu.vector_store %arg13[%swap3A_308, %swap3A_309], %swap3A_312 {strides = array<i32>} : memref<1x56xi32, #tpu.memory_space<vmem>>, vector<1x16xi32>,
      %get3A_313 = arith.constant 0 : i32
      %get3A_314 = arith.index_cast %get3A_313 : i32 to index
      %get3A_315 = arith.constant 16 : index
      %get3A_316 = tpu.vector_load %arg10[%get3A_314, %get3A_315] {strides = array<i32>} : memref<1x192xi32, #tpu.memory_space<vmem>>, vector<1x16xi32>,
      %get3A_317 = vector.shape_cast %get3A_316 : vector<1x16xi32> to vector<16xi32>
      %swap3A_318 = arith.constant 0 : i32
      %swap3A_319 = arith.index_cast %swap3A_318 : i32 to index
      %swap3A_320 = arith.constant 16 : index
      %swap3A_321 = tpu.vector_load %arg13[%swap3A_319, %swap3A_320] {strides = array<i32>} : memref<1x56xi32, #tpu.memory_space<vmem>>, vector<1x16xi32>,
      %swap3A_322 = vector.shape_cast %swap3A_321 : vector<1x16xi32> to vector<16xi32>
      %swap3A_323 = vector.shape_cast %get3A_317 : vector<16xi32> to vector<1x16xi32>
      tpu.vector_store %arg13[%swap3A_319, %swap3A_320], %swap3A_323 {strides = array<i32>} : memref<1x56xi32, #tpu.memory_space<vmem>>, vector<1x16xi32>,
      %get3A_324 = arith.constant 0 : i32
      %get3A_325 = arith.index_cast %get3A_324 : i32 to index
      %get3A_326 = arith.constant 32 : index
      %get3A_327 = tpu.vector_load %arg10[%get3A_325, %get3A_326] {strides = array<i32>} : memref<1x192xi32, #tpu.memory_space<vmem>>, vector<1x16xi32>,
      %get3A_328 = vector.shape_cast %get3A_327 : vector<1x16xi32> to vector<16xi32>
      %swap3A_329 = arith.constant 0 : i32
      %swap3A_330 = arith.index_cast %swap3A_329 : i32 to index
      %swap3A_331 = arith.constant 32 : index
      %swap3A_332 = tpu.vector_load %arg13[%swap3A_330, %swap3A_331] {strides = array<i32>} : memref<1x56xi32, #tpu.memory_space<vmem>>, vector<1x16xi32>,
      %swap3A_333 = vector.shape_cast %swap3A_332 : vector<1x16xi32> to vector<16xi32>
      %swap3A_334 = vector.shape_cast %get3A_328 : vector<16xi32> to vector<1x16xi32>
      tpu.vector_store %arg13[%swap3A_330, %swap3A_331], %swap3A_334 {strides = array<i32>} : memref<1x56xi32, #tpu.memory_space<vmem>>, vector<1x16xi32>,
      %get3A_335 = arith.constant 0 : i32
      %get3A_336 = arith.index_cast %get3A_335 : i32 to index
      %get3A_337 = arith.constant 40 : index
      %get3A_338 = tpu.vector_load %arg10[%get3A_336, %get3A_337] {strides = array<i32>} : memref<1x192xi32, #tpu.memory_space<vmem>>, vector<1x16xi32>,
      %get3A_339 = vector.shape_cast %get3A_338 : vector<1x16xi32> to vector<16xi32>
      %swap3A_340 = arith.constant 0 : i32
      %swap3A_341 = arith.index_cast %swap3A_340 : i32 to index
      %swap3A_342 = arith.constant 40 : index
      %swap3A_343 = tpu.vector_load %arg13[%swap3A_341, %swap3A_342] {strides = array<i32>} : memref<1x56xi32, #tpu.memory_space<vmem>>, vector<1x16xi32>,
      %swap3A_344 = vector.shape_cast %swap3A_343 : vector<1x16xi32> to vector<16xi32>
      %swap3A_345 = vector.shape_cast %get3A_339 : vector<16xi32> to vector<1x16xi32>
      tpu.vector_store %arg13[%swap3A_341, %swap3A_342], %swap3A_345 {strides = array<i32>} : memref<1x56xi32, #tpu.memory_space<vmem>>, vector<1x16xi32>,
      %add3A_346 = arith.constant 3 : i32
      %add3A_347 = arith.addi %add3A_287, %add3A_346 : i32
      %lt3A_348 = arith.constant 180 : i32
      %lt3A_349 = arith.cmpi slt, %add3A_347, %lt3A_348 : i32
      %convert_element_type3A_350 = arith.extui %lt3A_349 : i1 to i32
      %cond3A_351 = arith.constant 0 : i32
      %cond3A_352 = arith.cmpi ne, %convert_element_type3A_350, %cond3A_351 : i32
      scf.if %cond3A_352 {
        %add3A_373 = arith.constant 3 : i32
        %add3A_374 = arith.addi %add3A_287, %add3A_373 : i32
        %dma_start3A_375 = arith.constant 0 : i32
        %dma_start3A_376 = arith.constant 0 : i32
        %dma_start3A_377 = tpu.memref_slice %arg4[%add3A, %add3A_374, %dma_start3A_375, %dma_start3A_376] : memref<32x180x1x192xi32, #tpu.memory_space<hbm>> -> memref<1x1x1x192xi32, #tpu.memory_space<hbm>>
        %dma_start3A_378 = tpu.memref_squeeze %dma_start3A_377 : memref<1x1x1x192xi32, #tpu.memory_space<hbm>> -> memref<1x192xi32, #tpu.memory_space<hbm>>
        %dma_start3A_379 = arith.constant 0 : i32
        %dma_start3A_380 = arith.constant 0 : i32
        %dma_start3A_381 = tpu.memref_slice %arg4[%add3A, %add3A_374, %dma_start3A_379, %dma_start3A_380] : memref<32x180x1x192xi32, #tpu.memory_space<hbm>> -> memref<1x1x1x192xi32, #tpu.memory_space<hbm>>
        %dma_start3A_382 = tpu.memref_squeeze %dma_start3A_381 : memref<1x1x1x192xi32, #tpu.memory_space<hbm>> -> memref<1x192xi32, #tpu.memory_space<hbm>>
        tpu.enqueue_dma source(%dma_start3A_382 : memref<1x192xi32, #tpu.memory_space<hbm>>) target(%arg10 : memref<1x192xi32, #tpu.memory_space<vmem>>) target_semaphore(%arg23 : memref<!tpu.dma_semaphore, #tpu.memory_space<semaphore_mem>>)
      } else {
      }
      %add3A_353 = arith.constant 2 : i32
      %add3A_354 = arith.addi %add3A_287, %add3A_353 : i32
      %lt3A_355 = arith.constant 180 : i32
      %lt3A_356 = arith.cmpi slt, %add3A_354, %lt3A_355 : i32
      %convert_element_type3A_357 = arith.extui %lt3A_356 : i1 to i32
      %cond3A_358 = arith.constant 0 : i32
      %cond3A_359 = arith.cmpi ne, %convert_element_type3A_357, %cond3A_358 : i32
      scf.if %cond3A_359 {
        %dma_wait3A_373 = arith.constant 0 : i32
        %dma_wait3A_374 = arith.constant 0 : i32
        %dma_wait3A_375 = arith.constant 0 : i32
        %dma_wait3A_376 = tpu.memref_slice %arg4[%add3A, %dma_wait3A_373, %dma_wait3A_374, %dma_wait3A_375] : memref<32x180x1x192xi32, #tpu.memory_space<hbm>> -> memref<1x1x1x192xi32, #tpu.memory_space<hbm>>
        %dma_wait3A_377 = tpu.memref_squeeze %dma_wait3A_376 : memref<1x1x1x192xi32, #tpu.memory_space<hbm>> -> memref<1x192xi32, #tpu.memory_space<hbm>>
        %dma_wait3A_378 = arith.constant 0 : i32
        %dma_wait3A_379 = arith.constant 0 : i32
        %dma_wait3A_380 = tpu.memref_slice %arg4[%add3A, %dma_wait3A_373, %dma_wait3A_378, %dma_wait3A_379] : memref<32x180x1x192xi32, #tpu.memory_space<hbm>> -> memref<1x1x1x192xi32, #tpu.memory_space<hbm>>
        %dma_wait3A_381 = tpu.memref_squeeze %dma_wait3A_380 : memref<1x1x1x192xi32, #tpu.memory_space<hbm>> -> memref<1x192xi32, #tpu.memory_space<hbm>>
        tpu.wait_dma2 semaphore(%arg22 : memref<!tpu.dma_semaphore, #tpu.memory_space<semaphore_mem>>) src(%dma_wait3A_381 : memref<1x192xi32, #tpu.memory_space<hbm>>) dst(%arg9 : memref<1x192xi32, #tpu.memory_space<vmem>>)
        %ge3A = arith.constant 1 : i32
        %ge3A_382 = arith.cmpi sge, %add3A_287, %ge3A : i32
        %convert_element_type3A_383 = arith.extui %ge3A_382 : i1 to i32
        %cond3A_384 = arith.constant 0 : i32
        %cond3A_385 = arith.cmpi ne, %convert_element_type3A_383, %cond3A_384 : i32
        scf.if %cond3A_385 {
          %dma_wait3A_400 = arith.constant 0 : i32
          %dma_wait3A_401 = arith.constant 0 : i32
          %dma_wait3A_402 = tpu.memref_slice %arg12[%dma_wait3A_400, %dma_wait3A_401] : memref<1x56xi32, #tpu.memory_space<vmem>> -> memref<1x56xi32, #tpu.memory_space<vmem>>
          %dma_wait3A_403 = tpu.memref_squeeze %dma_wait3A_402 : memref<1x56xi32, #tpu.memory_space<vmem>> -> memref<56xi32, #tpu.memory_space<vmem>>
          %dma_wait3A_404 = arith.constant 0 : i32
          %dma_wait3A_405 = arith.constant 0 : i32
          %dma_wait3A_406 = tpu.memref_slice %arg20[%dma_wait3A_404, %dma_wait3A_405] : memref<10112x128xf32, #tpu.memory_space<vmem_shared>> -> memref<10112x128xf32, #tpu.memory_space<vmem_shared>>
          tpu.wait_indirect_dma semaphore(%arg28 : memref<!tpu.dma_semaphore, #tpu.memory_space<semaphore_mem>>) src(%arg16 : memref<56x128xf32, #tpu.memory_space<vmem>>) dst(%dma_wait3A_406 : memref<10112x128xf32, #tpu.memory_space<vmem_shared>>)
        } else {
        }
        %dma_start3A_386 = arith.constant 0 : i32
        %dma_start3A_387 = arith.constant 0 : i32
        %dma_start3A_388 = tpu.memref_slice %arg9[%dma_start3A_386, %dma_start3A_387] : memref<1x192xi32, #tpu.memory_space<vmem>> -> memref<1x56xi32, #tpu.memory_space<vmem>>
        %dma_start3A_389 = tpu.memref_squeeze %dma_start3A_388 : memref<1x56xi32, #tpu.memory_space<vmem>> -> memref<56xi32, #tpu.memory_space<vmem>>
        %dma_start3A_390 = arith.constant 0 : i32
        %dma_start3A_391 = arith.constant 0 : i32
        %dma_start3A_392 = tpu.memref_slice %arg2[%dma_start3A_390, %dma_start3A_391] : memref<10112x128xf32, #tpu.memory_space<hbm>> -> memref<10112x128xf32, #tpu.memory_space<hbm>>
        tpu.enqueue_indirect_dma source(%dma_start3A_392 : memref<10112x128xf32, #tpu.memory_space<hbm>>) target(%arg16 : memref<56x128xf32, #tpu.memory_space<vmem>>) offsets(%dma_start3A_389 : memref<56xi32, #tpu.memory_space<vmem>>) semaphore(%arg25 : memref<!tpu.dma_semaphore, #tpu.memory_space<semaphore_mem>>)
        %dma_start3A_393 = arith.constant 0 : i32
        %dma_start3A_394 = arith.constant 128 : i32
        %dma_start3A_395 = tpu.memref_slice %arg9[%dma_start3A_393, %dma_start3A_394] : memref<1x192xi32, #tpu.memory_space<vmem>> -> memref<1x56xi32, #tpu.memory_space<vmem>>
        %dma_start3A_396 = tpu.memref_squeeze %dma_start3A_395 : memref<1x56xi32, #tpu.memory_space<vmem>> -> memref<56xi32, #tpu.memory_space<vmem>>
        %dma_start3A_397 = arith.constant 0 : i32
        %dma_start3A_398 = arith.constant 0 : i32
        %dma_start3A_399 = tpu.memref_slice %arg3[%dma_start3A_397, %dma_start3A_398] : memref<10112x128xf32, #tpu.memory_space<hbm>> -> memref<10112x128xf32, #tpu.memory_space<hbm>>
        tpu.enqueue_indirect_dma source(%dma_start3A_399 : memref<10112x128xf32, #tpu.memory_space<hbm>>) target(%arg17 : memref<56x128xf32, #tpu.memory_space<vmem>>) offsets(%dma_start3A_396 : memref<56xi32, #tpu.memory_space<vmem>>) semaphore(%arg25 : memref<!tpu.dma_semaphore, #tpu.memory_space<semaphore_mem>>)
      } else {
      }
      %scan3A_360 = arith.constant 0 : i32
      %scan3A_361 = arith.constant 0 : i32
      %scan3A_362 = arith.constant 14 : i32
      %scan3A_363 = arith.addi %scan3A_361, %scan3A_362 : i32
      %scan3A_364 = arith.constant 1 : i32
      scf.for %scan3A_373 = %scan3A_361 to %scan3A_363 step %scan3A_364  : i32 {
        %mul3A_374 = arith.constant 4 : i32
        %mul3A_375 = arith.muli %scan3A_373, %mul3A_374 : i32
        %add3A_376 = arith.constant 0 : i32
        %add3A_377 = arith.addi %mul3A_375, %add3A_376 : i32
        %get3A_378 = arith.index_cast %add3A_377 : i32 to index
        %get3A_379 = arith.constant 0 : index
        %get3A_380 = tpu.vector_load %arg18[%get3A_378, %get3A_379] {strides = array<i32>} : memref<56x128xf32, #tpu.memory_space<vmem>>, vector<1x16xf32>,
        %get3A_381 = vector.shape_cast %get3A_380 : vector<1x16xf32> to vector<16xf32>
        %get3A_382 = arith.index_cast %add3A_377 : i32 to index
        %get3A_383 = arith.constant 0 : index
        %get3A_384 = tpu.vector_load %arg19[%get3A_382, %get3A_383] {strides = array<i32>} : memref<56x128xf32, #tpu.memory_space<vmem>>, vector<1x16xf32>,
        %get3A_385 = vector.shape_cast %get3A_384 : vector<1x16xf32> to vector<16xf32>
        %add3A_386 = arith.addf %get3A_381, %get3A_385 : vector<16xf32>
        %max3A = arith.constant 0.000000e+00 : f32
        %max3A_387 = vector.broadcast %max3A : f32 to vector<16xf32>
        %max3A_388 = arith.maximumf %add3A_386, %max3A_387 : vector<16xf32>
        %swap3A_389 = arith.index_cast %add3A_377 : i32 to index
        %swap3A_390 = arith.constant 0 : index
        %swap3A_391 = tpu.vector_load %arg18[%swap3A_389, %swap3A_390] {strides = array<i32>} : memref<56x128xf32, #tpu.memory_space<vmem>>, vector<1x16xf32>,
        %swap3A_392 = vector.shape_cast %swap3A_391 : vector<1x16xf32> to vector<16xf32>
        %swap3A_393 = vector.shape_cast %max3A_388 : vector<16xf32> to vector<1x16xf32>
        tpu.vector_store %arg18[%swap3A_389, %swap3A_390], %swap3A_393 {strides = array<i32>} : memref<56x128xf32, #tpu.memory_space<vmem>>, vector<1x16xf32>,
        %get3A_394 = arith.index_cast %add3A_377 : i32 to index
        %get3A_395 = arith.constant 16 : index
        %get3A_396 = tpu.vector_load %arg18[%get3A_394, %get3A_395] {strides = array<i32>} : memref<56x128xf32, #tpu.memory_space<vmem>>, vector<1x16xf32>,
        %get3A_397 = vector.shape_cast %get3A_396 : vector<1x16xf32> to vector<16xf32>
        %get3A_398 = arith.index_cast %add3A_377 : i32 to index
        %get3A_399 = arith.constant 16 : index
        %get3A_400 = tpu.vector_load %arg19[%get3A_398, %get3A_399] {strides = array<i32>} : memref<56x128xf32, #tpu.memory_space<vmem>>, vector<1x16xf32>,
        %get3A_401 = vector.shape_cast %get3A_400 : vector<1x16xf32> to vector<16xf32>
        %add3A_402 = arith.addf %get3A_397, %get3A_401 : vector<16xf32>
        %max3A_403 = arith.constant 0.000000e+00 : f32
        %max3A_404 = vector.broadcast %max3A_403 : f32 to vector<16xf32>
        %max3A_405 = arith.maximumf %add3A_402, %max3A_404 : vector<16xf32>
        %swap3A_406 = arith.index_cast %add3A_377 : i32 to index
        %swap3A_407 = arith.constant 16 : index
        %swap3A_408 = tpu.vector_load %arg18[%swap3A_406, %swap3A_407] {strides = array<i32>} : memref<56x128xf32, #tpu.memory_space<vmem>>, vector<1x16xf32>,
        %swap3A_409 = vector.shape_cast %swap3A_408 : vector<1x16xf32> to vector<16xf32>
        %swap3A_410 = vector.shape_cast %max3A_405 : vector<16xf32> to vector<1x16xf32>
        tpu.vector_store %arg18[%swap3A_406, %swap3A_407], %swap3A_410 {strides = array<i32>} : memref<56x128xf32, #tpu.memory_space<vmem>>, vector<1x16xf32>,
        %get3A_411 = arith.index_cast %add3A_377 : i32 to index
        %get3A_412 = arith.constant 32 : index
        %get3A_413 = tpu.vector_load %arg18[%get3A_411, %get3A_412] {strides = array<i32>} : memref<56x128xf32, #tpu.memory_space<vmem>>, vector<1x16xf32>,
        %get3A_414 = vector.shape_cast %get3A_413 : vector<1x16xf32> to vector<16xf32>
        %get3A_415 = arith.index_cast %add3A_377 : i32 to index
        %get3A_416 = arith.constant 32 : index
        %get3A_417 = tpu.vector_load %arg19[%get3A_415, %get3A_416] {strides = array<i32>} : memref<56x128xf32, #tpu.memory_space<vmem>>, vector<1x16xf32>,
        %get3A_418 = vector.shape_cast %get3A_417 : vector<1x16xf32> to vector<16xf32>
        %add3A_419 = arith.addf %get3A_414, %get3A_418 : vector<16xf32>
        %max3A_420 = arith.constant 0.000000e+00 : f32
        %max3A_421 = vector.broadcast %max3A_420 : f32 to vector<16xf32>
        %max3A_422 = arith.maximumf %add3A_419, %max3A_421 : vector<16xf32>
        %swap3A_423 = arith.index_cast %add3A_377 : i32 to index
        %swap3A_424 = arith.constant 32 : index
        %swap3A_425 = tpu.vector_load %arg18[%swap3A_423, %swap3A_424] {strides = array<i32>} : memref<56x128xf32, #tpu.memory_space<vmem>>, vector<1x16xf32>,
        %swap3A_426 = vector.shape_cast %swap3A_425 : vector<1x16xf32> to vector<16xf32>
        %swap3A_427 = vector.shape_cast %max3A_422 : vector<16xf32> to vector<1x16xf32>
        tpu.vector_store %arg18[%swap3A_423, %swap3A_424], %swap3A_427 {strides = array<i32>} : memref<56x128xf32, #tpu.memory_space<vmem>>, vector<1x16xf32>,
        %get3A_428 = arith.index_cast %add3A_377 : i32 to index
        %get3A_429 = arith.constant 48 : index
        %get3A_430 = tpu.vector_load %arg18[%get3A_428, %get3A_429] {strides = array<i32>} : memref<56x128xf32, #tpu.memory_space<vmem>>, vector<1x16xf32>,
        %get3A_431 = vector.shape_cast %get3A_430 : vector<1x16xf32> to vector<16xf32>
        %get3A_432 = arith.index_cast %add3A_377 : i32 to index
        %get3A_433 = arith.constant 48 : index
        %get3A_434 = tpu.vector_load %arg19[%get3A_432, %get3A_433] {strides = array<i32>} : memref<56x128xf32, #tpu.memory_space<vmem>>, vector<1x16xf32>,
        %get3A_435 = vector.shape_cast %get3A_434 : vector<1x16xf32> to vector<16xf32>
        %add3A_436 = arith.addf %get3A_431, %get3A_435 : vector<16xf32>
        %max3A_437 = arith.constant 0.000000e+00 : f32
        %max3A_438 = vector.broadcast %max3A_437 : f32 to vector<16xf32>
        %max3A_439 = arith.maximumf %add3A_436, %max3A_438 : vector<16xf32>
        %swap3A_440 = arith.index_cast %add3A_377 : i32 to index
        %swap3A_441 = arith.constant 48 : index
        %swap3A_442 = tpu.vector_load %arg18[%swap3A_440, %swap3A_441] {strides = array<i32>} : memref<56x128xf32, #tpu.memory_space<vmem>>, vector<1x16xf32>,
        %swap3A_443 = vector.shape_cast %swap3A_442 : vector<1x16xf32> to vector<16xf32>
        %swap3A_444 = vector.shape_cast %max3A_439 : vector<16xf32> to vector<1x16xf32>
        tpu.vector_store %arg18[%swap3A_440, %swap3A_441], %swap3A_444 {strides = array<i32>} : memref<56x128xf32, #tpu.memory_space<vmem>>, vector<1x16xf32>,
        %get3A_445 = arith.index_cast %add3A_377 : i32 to index
        %get3A_446 = arith.constant 64 : index
        %get3A_447 = tpu.vector_load %arg18[%get3A_445, %get3A_446] {strides = array<i32>} : memref<56x128xf32, #tpu.memory_space<vmem>>, vector<1x16xf32>,
        %get3A_448 = vector.shape_cast %get3A_447 : vector<1x16xf32> to vector<16xf32>
        %get3A_449 = arith.index_cast %add3A_377 : i32 to index
        %get3A_450 = arith.constant 64 : index
        %get3A_451 = tpu.vector_load %arg19[%get3A_449, %get3A_450] {strides = array<i32>} : memref<56x128xf32, #tpu.memory_space<vmem>>, vector<1x16xf32>,
        %get3A_452 = vector.shape_cast %get3A_451 : vector<1x16xf32> to vector<16xf32>
        %add3A_453 = arith.addf %get3A_448, %get3A_452 : vector<16xf32>
        %max3A_454 = arith.constant 0.000000e+00 : f32
        %max3A_455 = vector.broadcast %max3A_454 : f32 to vector<16xf32>
        %max3A_456 = arith.maximumf %add3A_453, %max3A_455 : vector<16xf32>
        %swap3A_457 = arith.index_cast %add3A_377 : i32 to index
        %swap3A_458 = arith.constant 64 : index
        %swap3A_459 = tpu.vector_load %arg18[%swap3A_457, %swap3A_458] {strides = array<i32>} : memref<56x128xf32, #tpu.memory_space<vmem>>, vector<1x16xf32>,
        %swap3A_460 = vector.shape_cast %swap3A_459 : vector<1x16xf32> to vector<16xf32>
        %swap3A_461 = vector.shape_cast %max3A_456 : vector<16xf32> to vector<1x16xf32>
        tpu.vector_store %arg18[%swap3A_457, %swap3A_458], %swap3A_461 {strides = array<i32>} : memref<56x128xf32, #tpu.memory_space<vmem>>, vector<1x16xf32>,
        %get3A_462 = arith.index_cast %add3A_377 : i32 to index
        %get3A_463 = arith.constant 80 : index
        %get3A_464 = tpu.vector_load %arg18[%get3A_462, %get3A_463] {strides = array<i32>} : memref<56x128xf32, #tpu.memory_space<vmem>>, vector<1x16xf32>,
        %get3A_465 = vector.shape_cast %get3A_464 : vector<1x16xf32> to vector<16xf32>
        %get3A_466 = arith.index_cast %add3A_377 : i32 to index
        %get3A_467 = arith.constant 80 : index
        %get3A_468 = tpu.vector_load %arg19[%get3A_466, %get3A_467] {strides = array<i32>} : memref<56x128xf32, #tpu.memory_space<vmem>>, vector<1x16xf32>,
        %get3A_469 = vector.shape_cast %get3A_468 : vector<1x16xf32> to vector<16xf32>
        %add3A_470 = arith.addf %get3A_465, %get3A_469 : vector<16xf32>
        %max3A_471 = arith.constant 0.000000e+00 : f32
        %max3A_472 = vector.broadcast %max3A_471 : f32 to vector<16xf32>
        %max3A_473 = arith.maximumf %add3A_470, %max3A_472 : vector<16xf32>
        %swap3A_474 = arith.index_cast %add3A_377 : i32 to index
        %swap3A_475 = arith.constant 80 : index
        %swap3A_476 = tpu.vector_load %arg18[%swap3A_474, %swap3A_475] {strides = array<i32>} : memref<56x128xf32, #tpu.memory_space<vmem>>, vector<1x16xf32>,
        %swap3A_477 = vector.shape_cast %swap3A_476 : vector<1x16xf32> to vector<16xf32>
        %swap3A_478 = vector.shape_cast %max3A_473 : vector<16xf32> to vector<1x16xf32>
        tpu.vector_store %arg18[%swap3A_474, %swap3A_475], %swap3A_478 {strides = array<i32>} : memref<56x128xf32, #tpu.memory_space<vmem>>, vector<1x16xf32>,
        %get3A_479 = arith.index_cast %add3A_377 : i32 to index
        %get3A_480 = arith.constant 96 : index
        %get3A_481 = tpu.vector_load %arg18[%get3A_479, %get3A_480] {strides = array<i32>} : memref<56x128xf32, #tpu.memory_space<vmem>>, vector<1x16xf32>,
        %get3A_482 = vector.shape_cast %get3A_481 : vector<1x16xf32> to vector<16xf32>
        %get3A_483 = arith.index_cast %add3A_377 : i32 to index
        %get3A_484 = arith.constant 96 : index
        %get3A_485 = tpu.vector_load %arg19[%get3A_483, %get3A_484] {strides = array<i32>} : memref<56x128xf32, #tpu.memory_space<vmem>>, vector<1x16xf32>,
        %get3A_486 = vector.shape_cast %get3A_485 : vector<1x16xf32> to vector<16xf32>
        %add3A_487 = arith.addf %get3A_482, %get3A_486 : vector<16xf32>
        %max3A_488 = arith.constant 0.000000e+00 : f32
        %max3A_489 = vector.broadcast %max3A_488 : f32 to vector<16xf32>
        %max3A_490 = arith.maximumf %add3A_487, %max3A_489 : vector<16xf32>
        %swap3A_491 = arith.index_cast %add3A_377 : i32 to index
        %swap3A_492 = arith.constant 96 : index
        %swap3A_493 = tpu.vector_load %arg18[%swap3A_491, %swap3A_492] {strides = array<i32>} : memref<56x128xf32, #tpu.memory_space<vmem>>, vector<1x16xf32>,
        %swap3A_494 = vector.shape_cast %swap3A_493 : vector<1x16xf32> to vector<16xf32>
        %swap3A_495 = vector.shape_cast %max3A_490 : vector<16xf32> to vector<1x16xf32>
        tpu.vector_store %arg18[%swap3A_491, %swap3A_492], %swap3A_495 {strides = array<i32>} : memref<56x128xf32, #tpu.memory_space<vmem>>, vector<1x16xf32>,
        %get3A_496 = arith.index_cast %add3A_377 : i32 to index
        %get3A_497 = arith.constant 112 : index
        %get3A_498 = tpu.vector_load %arg18[%get3A_496, %get3A_497] {strides = array<i32>} : memref<56x128xf32, #tpu.memory_space<vmem>>, vector<1x16xf32>,
        %get3A_499 = vector.shape_cast %get3A_498 : vector<1x16xf32> to vector<16xf32>
        %get3A_500 = arith.index_cast %add3A_377 : i32 to index
        %get3A_501 = arith.constant 112 : index
        %get3A_502 = tpu.vector_load %arg19[%get3A_500, %get3A_501] {strides = array<i32>} : memref<56x128xf32, #tpu.memory_space<vmem>>, vector<1x16xf32>,
        %get3A_503 = vector.shape_cast %get3A_502 : vector<1x16xf32> to vector<16xf32>
        %add3A_504 = arith.addf %get3A_499, %get3A_503 : vector<16xf32>
        %max3A_505 = arith.constant 0.000000e+00 : f32
        %max3A_506 = vector.broadcast %max3A_505 : f32 to vector<16xf32>
        %max3A_507 = arith.maximumf %add3A_504, %max3A_506 : vector<16xf32>
        %swap3A_508 = arith.index_cast %add3A_377 : i32 to index
        %swap3A_509 = arith.constant 112 : index
        %swap3A_510 = tpu.vector_load %arg18[%swap3A_508, %swap3A_509] {strides = array<i32>} : memref<56x128xf32, #tpu.memory_space<vmem>>, vector<1x16xf32>,
        %swap3A_511 = vector.shape_cast %swap3A_510 : vector<1x16xf32> to vector<16xf32>
        %swap3A_512 = vector.shape_cast %max3A_507 : vector<16xf32> to vector<1x16xf32>
        tpu.vector_store %arg18[%swap3A_508, %swap3A_509], %swap3A_512 {strides = array<i32>} : memref<56x128xf32, #tpu.memory_space<vmem>>, vector<1x16xf32>,
        %mul3A_513 = arith.constant 4 : i32
        %mul3A_514 = arith.muli %scan3A_373, %mul3A_513 : i32
        %add3A_515 = arith.constant 1 : i32
        %add3A_516 = arith.addi %mul3A_514, %add3A_515 : i32
        %get3A_517 = arith.index_cast %add3A_516 : i32 to index
        %get3A_518 = arith.constant 0 : index
        %get3A_519 = tpu.vector_load %arg18[%get3A_517, %get3A_518] {strides = array<i32>} : memref<56x128xf32, #tpu.memory_space<vmem>>, vector<1x16xf32>,
        %get3A_520 = vector.shape_cast %get3A_519 : vector<1x16xf32> to vector<16xf32>
        %get3A_521 = arith.index_cast %add3A_516 : i32 to index
        %get3A_522 = arith.constant 0 : index
        %get3A_523 = tpu.vector_load %arg19[%get3A_521, %get3A_522] {strides = array<i32>} : memref<56x128xf32, #tpu.memory_space<vmem>>, vector<1x16xf32>,
        %get3A_524 = vector.shape_cast %get3A_523 : vector<1x16xf32> to vector<16xf32>
        %add3A_525 = arith.addf %get3A_520, %get3A_524 : vector<16xf32>
        %max3A_526 = arith.constant 0.000000e+00 : f32
        %max3A_527 = vector.broadcast %max3A_526 : f32 to vector<16xf32>
        %max3A_528 = arith.maximumf %add3A_525, %max3A_527 : vector<16xf32>
        %swap3A_529 = arith.index_cast %add3A_516 : i32 to index
        %swap3A_530 = arith.constant 0 : index
        %swap3A_531 = tpu.vector_load %arg18[%swap3A_529, %swap3A_530] {strides = array<i32>} : memref<56x128xf32, #tpu.memory_space<vmem>>, vector<1x16xf32>,
        %swap3A_532 = vector.shape_cast %swap3A_531 : vector<1x16xf32> to vector<16xf32>
        %swap3A_533 = vector.shape_cast %max3A_528 : vector<16xf32> to vector<1x16xf32>
        tpu.vector_store %arg18[%swap3A_529, %swap3A_530], %swap3A_533 {strides = array<i32>} : memref<56x128xf32, #tpu.memory_space<vmem>>, vector<1x16xf32>,
        %get3A_534 = arith.index_cast %add3A_516 : i32 to index
        %get3A_535 = arith.constant 16 : index
        %get3A_536 = tpu.vector_load %arg18[%get3A_534, %get3A_535] {strides = array<i32>} : memref<56x128xf32, #tpu.memory_space<vmem>>, vector<1x16xf32>,
        %get3A_537 = vector.shape_cast %get3A_536 : vector<1x16xf32> to vector<16xf32>
        %get3A_538 = arith.index_cast %add3A_516 : i32 to index
        %get3A_539 = arith.constant 16 : index
        %get3A_540 = tpu.vector_load %arg19[%get3A_538, %get3A_539] {strides = array<i32>} : memref<56x128xf32, #tpu.memory_space<vmem>>, vector<1x16xf32>,
        %get3A_541 = vector.shape_cast %get3A_540 : vector<1x16xf32> to vector<16xf32>
        %add3A_542 = arith.addf %get3A_537, %get3A_541 : vector<16xf32>
        %max3A_543 = arith.constant 0.000000e+00 : f32
        %max3A_544 = vector.broadcast %max3A_543 : f32 to vector<16xf32>
        %max3A_545 = arith.maximumf %add3A_542, %max3A_544 : vector<16xf32>
        %swap3A_546 = arith.index_cast %add3A_516 : i32 to index
        %swap3A_547 = arith.constant 16 : index
        %swap3A_548 = tpu.vector_load %arg18[%swap3A_546, %swap3A_547] {strides = array<i32>} : memref<56x128xf32, #tpu.memory_space<vmem>>, vector<1x16xf32>,
        %swap3A_549 = vector.shape_cast %swap3A_548 : vector<1x16xf32> to vector<16xf32>
        %swap3A_550 = vector.shape_cast %max3A_545 : vector<16xf32> to vector<1x16xf32>
        tpu.vector_store %arg18[%swap3A_546, %swap3A_547], %swap3A_550 {strides = array<i32>} : memref<56x128xf32, #tpu.memory_space<vmem>>, vector<1x16xf32>,
        %get3A_551 = arith.index_cast %add3A_516 : i32 to index
        %get3A_552 = arith.constant 32 : index
        %get3A_553 = tpu.vector_load %arg18[%get3A_551, %get3A_552] {strides = array<i32>} : memref<56x128xf32, #tpu.memory_space<vmem>>, vector<1x16xf32>,
        %get3A_554 = vector.shape_cast %get3A_553 : vector<1x16xf32> to vector<16xf32>
        %get3A_555 = arith.index_cast %add3A_516 : i32 to index
        %get3A_556 = arith.constant 32 : index
        %get3A_557 = tpu.vector_load %arg19[%get3A_555, %get3A_556] {strides = array<i32>} : memref<56x128xf32, #tpu.memory_space<vmem>>, vector<1x16xf32>,
        %get3A_558 = vector.shape_cast %get3A_557 : vector<1x16xf32> to vector<16xf32>
        %add3A_559 = arith.addf %get3A_554, %get3A_558 : vector<16xf32>
        %max3A_560 = arith.constant 0.000000e+00 : f32
        %max3A_561 = vector.broadcast %max3A_560 : f32 to vector<16xf32>
        %max3A_562 = arith.maximumf %add3A_559, %max3A_561 : vector<16xf32>
        %swap3A_563 = arith.index_cast %add3A_516 : i32 to index
        %swap3A_564 = arith.constant 32 : index
        %swap3A_565 = tpu.vector_load %arg18[%swap3A_563, %swap3A_564] {strides = array<i32>} : memref<56x128xf32, #tpu.memory_space<vmem>>, vector<1x16xf32>,
        %swap3A_566 = vector.shape_cast %swap3A_565 : vector<1x16xf32> to vector<16xf32>
        %swap3A_567 = vector.shape_cast %max3A_562 : vector<16xf32> to vector<1x16xf32>
        tpu.vector_store %arg18[%swap3A_563, %swap3A_564], %swap3A_567 {strides = array<i32>} : memref<56x128xf32, #tpu.memory_space<vmem>>, vector<1x16xf32>,
        %get3A_568 = arith.index_cast %add3A_516 : i32 to index
        %get3A_569 = arith.constant 48 : index
        %get3A_570 = tpu.vector_load %arg18[%get3A_568, %get3A_569] {strides = array<i32>} : memref<56x128xf32, #tpu.memory_space<vmem>>, vector<1x16xf32>,
        %get3A_571 = vector.shape_cast %get3A_570 : vector<1x16xf32> to vector<16xf32>
        %get3A_572 = arith.index_cast %add3A_516 : i32 to index
        %get3A_573 = arith.constant 48 : index
        %get3A_574 = tpu.vector_load %arg19[%get3A_572, %get3A_573] {strides = array<i32>} : memref<56x128xf32, #tpu.memory_space<vmem>>, vector<1x16xf32>,
        %get3A_575 = vector.shape_cast %get3A_574 : vector<1x16xf32> to vector<16xf32>
        %add3A_576 = arith.addf %get3A_571, %get3A_575 : vector<16xf32>
        %max3A_577 = arith.constant 0.000000e+00 : f32
        %max3A_578 = vector.broadcast %max3A_577 : f32 to vector<16xf32>
        %max3A_579 = arith.maximumf %add3A_576, %max3A_578 : vector<16xf32>
        %swap3A_580 = arith.index_cast %add3A_516 : i32 to index
        %swap3A_581 = arith.constant 48 : index
        %swap3A_582 = tpu.vector_load %arg18[%swap3A_580, %swap3A_581] {strides = array<i32>} : memref<56x128xf32, #tpu.memory_space<vmem>>, vector<1x16xf32>,
        %swap3A_583 = vector.shape_cast %swap3A_582 : vector<1x16xf32> to vector<16xf32>
        %swap3A_584 = vector.shape_cast %max3A_579 : vector<16xf32> to vector<1x16xf32>
        tpu.vector_store %arg18[%swap3A_580, %swap3A_581], %swap3A_584 {strides = array<i32>} : memref<56x128xf32, #tpu.memory_space<vmem>>, vector<1x16xf32>,
        %get3A_585 = arith.index_cast %add3A_516 : i32 to index
        %get3A_586 = arith.constant 64 : index
        %get3A_587 = tpu.vector_load %arg18[%get3A_585, %get3A_586] {strides = array<i32>} : memref<56x128xf32, #tpu.memory_space<vmem>>, vector<1x16xf32>,
        %get3A_588 = vector.shape_cast %get3A_587 : vector<1x16xf32> to vector<16xf32>
        %get3A_589 = arith.index_cast %add3A_516 : i32 to index
        %get3A_590 = arith.constant 64 : index
        %get3A_591 = tpu.vector_load %arg19[%get3A_589, %get3A_590] {strides = array<i32>} : memref<56x128xf32, #tpu.memory_space<vmem>>, vector<1x16xf32>,
        %get3A_592 = vector.shape_cast %get3A_591 : vector<1x16xf32> to vector<16xf32>
        %add3A_593 = arith.addf %get3A_588, %get3A_592 : vector<16xf32>
        %max3A_594 = arith.constant 0.000000e+00 : f32
        %max3A_595 = vector.broadcast %max3A_594 : f32 to vector<16xf32>
        %max3A_596 = arith.maximumf %add3A_593, %max3A_595 : vector<16xf32>
        %swap3A_597 = arith.index_cast %add3A_516 : i32 to index
        %swap3A_598 = arith.constant 64 : index
        %swap3A_599 = tpu.vector_load %arg18[%swap3A_597, %swap3A_598] {strides = array<i32>} : memref<56x128xf32, #tpu.memory_space<vmem>>, vector<1x16xf32>,
        %swap3A_600 = vector.shape_cast %swap3A_599 : vector<1x16xf32> to vector<16xf32>
        %swap3A_601 = vector.shape_cast %max3A_596 : vector<16xf32> to vector<1x16xf32>
        tpu.vector_store %arg18[%swap3A_597, %swap3A_598], %swap3A_601 {strides = array<i32>} : memref<56x128xf32, #tpu.memory_space<vmem>>, vector<1x16xf32>,
        %get3A_602 = arith.index_cast %add3A_516 : i32 to index
        %get3A_603 = arith.constant 80 : index
        %get3A_604 = tpu.vector_load %arg18[%get3A_602, %get3A_603] {strides = array<i32>} : memref<56x128xf32, #tpu.memory_space<vmem>>, vector<1x16xf32>,
        %get3A_605 = vector.shape_cast %get3A_604 : vector<1x16xf32> to vector<16xf32>
        %get3A_606 = arith.index_cast %add3A_516 : i32 to index
        %get3A_607 = arith.constant 80 : index
        %get3A_608 = tpu.vector_load %arg19[%get3A_606, %get3A_607] {strides = array<i32>} : memref<56x128xf32, #tpu.memory_space<vmem>>, vector<1x16xf32>,
        %get3A_609 = vector.shape_cast %get3A_608 : vector<1x16xf32> to vector<16xf32>
        %add3A_610 = arith.addf %get3A_605, %get3A_609 : vector<16xf32>
        %max3A_611 = arith.constant 0.000000e+00 : f32
        %max3A_612 = vector.broadcast %max3A_611 : f32 to vector<16xf32>
        %max3A_613 = arith.maximumf %add3A_610, %max3A_612 : vector<16xf32>
        %swap3A_614 = arith.index_cast %add3A_516 : i32 to index
        %swap3A_615 = arith.constant 80 : index
        %swap3A_616 = tpu.vector_load %arg18[%swap3A_614, %swap3A_615] {strides = array<i32>} : memref<56x128xf32, #tpu.memory_space<vmem>>, vector<1x16xf32>,
        %swap3A_617 = vector.shape_cast %swap3A_616 : vector<1x16xf32> to vector<16xf32>
        %swap3A_618 = vector.shape_cast %max3A_613 : vector<16xf32> to vector<1x16xf32>
        tpu.vector_store %arg18[%swap3A_614, %swap3A_615], %swap3A_618 {strides = array<i32>} : memref<56x128xf32, #tpu.memory_space<vmem>>, vector<1x16xf32>,
        %get3A_619 = arith.index_cast %add3A_516 : i32 to index
        %get3A_620 = arith.constant 96 : index
        %get3A_621 = tpu.vector_load %arg18[%get3A_619, %get3A_620] {strides = array<i32>} : memref<56x128xf32, #tpu.memory_space<vmem>>, vector<1x16xf32>,
        %get3A_622 = vector.shape_cast %get3A_621 : vector<1x16xf32> to vector<16xf32>
        %get3A_623 = arith.index_cast %add3A_516 : i32 to index
        %get3A_624 = arith.constant 96 : index
        %get3A_625 = tpu.vector_load %arg19[%get3A_623, %get3A_624] {strides = array<i32>} : memref<56x128xf32, #tpu.memory_space<vmem>>, vector<1x16xf32>,
        %get3A_626 = vector.shape_cast %get3A_625 : vector<1x16xf32> to vector<16xf32>
        %add3A_627 = arith.addf %get3A_622, %get3A_626 : vector<16xf32>
        %max3A_628 = arith.constant 0.000000e+00 : f32
        %max3A_629 = vector.broadcast %max3A_628 : f32 to vector<16xf32>
        %max3A_630 = arith.maximumf %add3A_627, %max3A_629 : vector<16xf32>
        %swap3A_631 = arith.index_cast %add3A_516 : i32 to index
        %swap3A_632 = arith.constant 96 : index
        %swap3A_633 = tpu.vector_load %arg18[%swap3A_631, %swap3A_632] {strides = array<i32>} : memref<56x128xf32, #tpu.memory_space<vmem>>, vector<1x16xf32>,
        %swap3A_634 = vector.shape_cast %swap3A_633 : vector<1x16xf32> to vector<16xf32>
        %swap3A_635 = vector.shape_cast %max3A_630 : vector<16xf32> to vector<1x16xf32>
        tpu.vector_store %arg18[%swap3A_631, %swap3A_632], %swap3A_635 {strides = array<i32>} : memref<56x128xf32, #tpu.memory_space<vmem>>, vector<1x16xf32>,
        %get3A_636 = arith.index_cast %add3A_516 : i32 to index
        %get3A_637 = arith.constant 112 : index
        %get3A_638 = tpu.vector_load %arg18[%get3A_636, %get3A_637] {strides = array<i32>} : memref<56x128xf32, #tpu.memory_space<vmem>>, vector<1x16xf32>,
        %get3A_639 = vector.shape_cast %get3A_638 : vector<1x16xf32> to vector<16xf32>
        %get3A_640 = arith.index_cast %add3A_516 : i32 to index
        %get3A_641 = arith.constant 112 : index
        %get3A_642 = tpu.vector_load %arg19[%get3A_640, %get3A_641] {strides = array<i32>} : memref<56x128xf32, #tpu.memory_space<vmem>>, vector<1x16xf32>,
        %get3A_643 = vector.shape_cast %get3A_642 : vector<1x16xf32> to vector<16xf32>
        %add3A_644 = arith.addf %get3A_639, %get3A_643 : vector<16xf32>
        %max3A_645 = arith.constant 0.000000e+00 : f32
        %max3A_646 = vector.broadcast %max3A_645 : f32 to vector<16xf32>
        %max3A_647 = arith.maximumf %add3A_644, %max3A_646 : vector<16xf32>
        %swap3A_648 = arith.index_cast %add3A_516 : i32 to index
        %swap3A_649 = arith.constant 112 : index
        %swap3A_650 = tpu.vector_load %arg18[%swap3A_648, %swap3A_649] {strides = array<i32>} : memref<56x128xf32, #tpu.memory_space<vmem>>, vector<1x16xf32>,
        %swap3A_651 = vector.shape_cast %swap3A_650 : vector<1x16xf32> to vector<16xf32>
        %swap3A_652 = vector.shape_cast %max3A_647 : vector<16xf32> to vector<1x16xf32>
        tpu.vector_store %arg18[%swap3A_648, %swap3A_649], %swap3A_652 {strides = array<i32>} : memref<56x128xf32, #tpu.memory_space<vmem>>, vector<1x16xf32>,
        %mul3A_653 = arith.constant 4 : i32
        %mul3A_654 = arith.muli %scan3A_373, %mul3A_653 : i32
        %add3A_655 = arith.constant 2 : i32
        %add3A_656 = arith.addi %mul3A_654, %add3A_655 : i32
        %get3A_657 = arith.index_cast %add3A_656 : i32 to index
        %get3A_658 = arith.constant 0 : index
        %get3A_659 = tpu.vector_load %arg18[%get3A_657, %get3A_658] {strides = array<i32>} : memref<56x128xf32, #tpu.memory_space<vmem>>, vector<1x16xf32>,
        %get3A_660 = vector.shape_cast %get3A_659 : vector<1x16xf32> to vector<16xf32>
        %get3A_661 = arith.index_cast %add3A_656 : i32 to index
        %get3A_662 = arith.constant 0 : index
        %get3A_663 = tpu.vector_load %arg19[%get3A_661, %get3A_662] {strides = array<i32>} : memref<56x128xf32, #tpu.memory_space<vmem>>, vector<1x16xf32>,
        %get3A_664 = vector.shape_cast %get3A_663 : vector<1x16xf32> to vector<16xf32>
        %add3A_665 = arith.addf %get3A_660, %get3A_664 : vector<16xf32>
        %max3A_666 = arith.constant 0.000000e+00 : f32
        %max3A_667 = vector.broadcast %max3A_666 : f32 to vector<16xf32>
        %max3A_668 = arith.maximumf %add3A_665, %max3A_667 : vector<16xf32>
        %swap3A_669 = arith.index_cast %add3A_656 : i32 to index
        %swap3A_670 = arith.constant 0 : index
        %swap3A_671 = tpu.vector_load %arg18[%swap3A_669, %swap3A_670] {strides = array<i32>} : memref<56x128xf32, #tpu.memory_space<vmem>>, vector<1x16xf32>,
        %swap3A_672 = vector.shape_cast %swap3A_671 : vector<1x16xf32> to vector<16xf32>
        %swap3A_673 = vector.shape_cast %max3A_668 : vector<16xf32> to vector<1x16xf32>
        tpu.vector_store %arg18[%swap3A_669, %swap3A_670], %swap3A_673 {strides = array<i32>} : memref<56x128xf32, #tpu.memory_space<vmem>>, vector<1x16xf32>,
        %get3A_674 = arith.index_cast %add3A_656 : i32 to index
        %get3A_675 = arith.constant 16 : index
        %get3A_676 = tpu.vector_load %arg18[%get3A_674, %get3A_675] {strides = array<i32>} : memref<56x128xf32, #tpu.memory_space<vmem>>, vector<1x16xf32>,
        %get3A_677 = vector.shape_cast %get3A_676 : vector<1x16xf32> to vector<16xf32>
        %get3A_678 = arith.index_cast %add3A_656 : i32 to index
        %get3A_679 = arith.constant 16 : index
        %get3A_680 = tpu.vector_load %arg19[%get3A_678, %get3A_679] {strides = array<i32>} : memref<56x128xf32, #tpu.memory_space<vmem>>, vector<1x16xf32>,
        %get3A_681 = vector.shape_cast %get3A_680 : vector<1x16xf32> to vector<16xf32>
        %add3A_682 = arith.addf %get3A_677, %get3A_681 : vector<16xf32>
        %max3A_683 = arith.constant 0.000000e+00 : f32
        %max3A_684 = vector.broadcast %max3A_683 : f32 to vector<16xf32>
        %max3A_685 = arith.maximumf %add3A_682, %max3A_684 : vector<16xf32>
        %swap3A_686 = arith.index_cast %add3A_656 : i32 to index
        %swap3A_687 = arith.constant 16 : index
        %swap3A_688 = tpu.vector_load %arg18[%swap3A_686, %swap3A_687] {strides = array<i32>} : memref<56x128xf32, #tpu.memory_space<vmem>>, vector<1x16xf32>,
        %swap3A_689 = vector.shape_cast %swap3A_688 : vector<1x16xf32> to vector<16xf32>
        %swap3A_690 = vector.shape_cast %max3A_685 : vector<16xf32> to vector<1x16xf32>
        tpu.vector_store %arg18[%swap3A_686, %swap3A_687], %swap3A_690 {strides = array<i32>} : memref<56x128xf32, #tpu.memory_space<vmem>>, vector<1x16xf32>,
        %get3A_691 = arith.index_cast %add3A_656 : i32 to index
        %get3A_692 = arith.constant 32 : index
        %get3A_693 = tpu.vector_load %arg18[%get3A_691, %get3A_692] {strides = array<i32>} : memref<56x128xf32, #tpu.memory_space<vmem>>, vector<1x16xf32>,
        %get3A_694 = vector.shape_cast %get3A_693 : vector<1x16xf32> to vector<16xf32>
        %get3A_695 = arith.index_cast %add3A_656 : i32 to index
        %get3A_696 = arith.constant 32 : index
        %get3A_697 = tpu.vector_load %arg19[%get3A_695, %get3A_696] {strides = array<i32>} : memref<56x128xf32, #tpu.memory_space<vmem>>, vector<1x16xf32>,
        %get3A_698 = vector.shape_cast %get3A_697 : vector<1x16xf32> to vector<16xf32>
        %add3A_699 = arith.addf %get3A_694, %get3A_698 : vector<16xf32>
        %max3A_700 = arith.constant 0.000000e+00 : f32
        %max3A_701 = vector.broadcast %max3A_700 : f32 to vector<16xf32>
        %max3A_702 = arith.maximumf %add3A_699, %max3A_701 : vector<16xf32>
        %swap3A_703 = arith.index_cast %add3A_656 : i32 to index
        %swap3A_704 = arith.constant 32 : index
        %swap3A_705 = tpu.vector_load %arg18[%swap3A_703, %swap3A_704] {strides = array<i32>} : memref<56x128xf32, #tpu.memory_space<vmem>>, vector<1x16xf32>,
        %swap3A_706 = vector.shape_cast %swap3A_705 : vector<1x16xf32> to vector<16xf32>
        %swap3A_707 = vector.shape_cast %max3A_702 : vector<16xf32> to vector<1x16xf32>
        tpu.vector_store %arg18[%swap3A_703, %swap3A_704], %swap3A_707 {strides = array<i32>} : memref<56x128xf32, #tpu.memory_space<vmem>>, vector<1x16xf32>,
        %get3A_708 = arith.index_cast %add3A_656 : i32 to index
        %get3A_709 = arith.constant 48 : index
        %get3A_710 = tpu.vector_load %arg18[%get3A_708, %get3A_709] {strides = array<i32>} : memref<56x128xf32, #tpu.memory_space<vmem>>, vector<1x16xf32>,
        %get3A_711 = vector.shape_cast %get3A_710 : vector<1x16xf32> to vector<16xf32>
        %get3A_712 = arith.index_cast %add3A_656 : i32 to index
        %get3A_713 = arith.constant 48 : index
        %get3A_714 = tpu.vector_load %arg19[%get3A_712, %get3A_713] {strides = array<i32>} : memref<56x128xf32, #tpu.memory_space<vmem>>, vector<1x16xf32>,
        %get3A_715 = vector.shape_cast %get3A_714 : vector<1x16xf32> to vector<16xf32>
        %add3A_716 = arith.addf %get3A_711, %get3A_715 : vector<16xf32>
        %max3A_717 = arith.constant 0.000000e+00 : f32
        %max3A_718 = vector.broadcast %max3A_717 : f32 to vector<16xf32>
        %max3A_719 = arith.maximumf %add3A_716, %max3A_718 : vector<16xf32>
        %swap3A_720 = arith.index_cast %add3A_656 : i32 to index
        %swap3A_721 = arith.constant 48 : index
        %swap3A_722 = tpu.vector_load %arg18[%swap3A_720, %swap3A_721] {strides = array<i32>} : memref<56x128xf32, #tpu.memory_space<vmem>>, vector<1x16xf32>,
        %swap3A_723 = vector.shape_cast %swap3A_722 : vector<1x16xf32> to vector<16xf32>
        %swap3A_724 = vector.shape_cast %max3A_719 : vector<16xf32> to vector<1x16xf32>
        tpu.vector_store %arg18[%swap3A_720, %swap3A_721], %swap3A_724 {strides = array<i32>} : memref<56x128xf32, #tpu.memory_space<vmem>>, vector<1x16xf32>,
        %get3A_725 = arith.index_cast %add3A_656 : i32 to index
        %get3A_726 = arith.constant 64 : index
        %get3A_727 = tpu.vector_load %arg18[%get3A_725, %get3A_726] {strides = array<i32>} : memref<56x128xf32, #tpu.memory_space<vmem>>, vector<1x16xf32>,
        %get3A_728 = vector.shape_cast %get3A_727 : vector<1x16xf32> to vector<16xf32>
        %get3A_729 = arith.index_cast %add3A_656 : i32 to index
        %get3A_730 = arith.constant 64 : index
        %get3A_731 = tpu.vector_load %arg19[%get3A_729, %get3A_730] {strides = array<i32>} : memref<56x128xf32, #tpu.memory_space<vmem>>, vector<1x16xf32>,
        %get3A_732 = vector.shape_cast %get3A_731 : vector<1x16xf32> to vector<16xf32>
        %add3A_733 = arith.addf %get3A_728, %get3A_732 : vector<16xf32>
        %max3A_734 = arith.constant 0.000000e+00 : f32
        %max3A_735 = vector.broadcast %max3A_734 : f32 to vector<16xf32>
        %max3A_736 = arith.maximumf %add3A_733, %max3A_735 : vector<16xf32>
        %swap3A_737 = arith.index_cast %add3A_656 : i32 to index
        %swap3A_738 = arith.constant 64 : index
        %swap3A_739 = tpu.vector_load %arg18[%swap3A_737, %swap3A_738] {strides = array<i32>} : memref<56x128xf32, #tpu.memory_space<vmem>>, vector<1x16xf32>,
        %swap3A_740 = vector.shape_cast %swap3A_739 : vector<1x16xf32> to vector<16xf32>
        %swap3A_741 = vector.shape_cast %max3A_736 : vector<16xf32> to vector<1x16xf32>
        tpu.vector_store %arg18[%swap3A_737, %swap3A_738], %swap3A_741 {strides = array<i32>} : memref<56x128xf32, #tpu.memory_space<vmem>>, vector<1x16xf32>,
        %get3A_742 = arith.index_cast %add3A_656 : i32 to index
        %get3A_743 = arith.constant 80 : index
        %get3A_744 = tpu.vector_load %arg18[%get3A_742, %get3A_743] {strides = array<i32>} : memref<56x128xf32, #tpu.memory_space<vmem>>, vector<1x16xf32>,
        %get3A_745 = vector.shape_cast %get3A_744 : vector<1x16xf32> to vector<16xf32>
        %get3A_746 = arith.index_cast %add3A_656 : i32 to index
        %get3A_747 = arith.constant 80 : index
        %get3A_748 = tpu.vector_load %arg19[%get3A_746, %get3A_747] {strides = array<i32>} : memref<56x128xf32, #tpu.memory_space<vmem>>, vector<1x16xf32>,
        %get3A_749 = vector.shape_cast %get3A_748 : vector<1x16xf32> to vector<16xf32>
        %add3A_750 = arith.addf %get3A_745, %get3A_749 : vector<16xf32>
        %max3A_751 = arith.constant 0.000000e+00 : f32
        %max3A_752 = vector.broadcast %max3A_751 : f32 to vector<16xf32>
        %max3A_753 = arith.maximumf %add3A_750, %max3A_752 : vector<16xf32>
        %swap3A_754 = arith.index_cast %add3A_656 : i32 to index
        %swap3A_755 = arith.constant 80 : index
        %swap3A_756 = tpu.vector_load %arg18[%swap3A_754, %swap3A_755] {strides = array<i32>} : memref<56x128xf32, #tpu.memory_space<vmem>>, vector<1x16xf32>,
        %swap3A_757 = vector.shape_cast %swap3A_756 : vector<1x16xf32> to vector<16xf32>
        %swap3A_758 = vector.shape_cast %max3A_753 : vector<16xf32> to vector<1x16xf32>
        tpu.vector_store %arg18[%swap3A_754, %swap3A_755], %swap3A_758 {strides = array<i32>} : memref<56x128xf32, #tpu.memory_space<vmem>>, vector<1x16xf32>,
        %get3A_759 = arith.index_cast %add3A_656 : i32 to index
        %get3A_760 = arith.constant 96 : index
        %get3A_761 = tpu.vector_load %arg18[%get3A_759, %get3A_760] {strides = array<i32>} : memref<56x128xf32, #tpu.memory_space<vmem>>, vector<1x16xf32>,
        %get3A_762 = vector.shape_cast %get3A_761 : vector<1x16xf32> to vector<16xf32>
        %get3A_763 = arith.index_cast %add3A_656 : i32 to index
        %get3A_764 = arith.constant 96 : index
        %get3A_765 = tpu.vector_load %arg19[%get3A_763, %get3A_764] {strides = array<i32>} : memref<56x128xf32, #tpu.memory_space<vmem>>, vector<1x16xf32>,
        %get3A_766 = vector.shape_cast %get3A_765 : vector<1x16xf32> to vector<16xf32>
        %add3A_767 = arith.addf %get3A_762, %get3A_766 : vector<16xf32>
        %max3A_768 = arith.constant 0.000000e+00 : f32
        %max3A_769 = vector.broadcast %max3A_768 : f32 to vector<16xf32>
        %max3A_770 = arith.maximumf %add3A_767, %max3A_769 : vector<16xf32>
        %swap3A_771 = arith.index_cast %add3A_656 : i32 to index
        %swap3A_772 = arith.constant 96 : index
        %swap3A_773 = tpu.vector_load %arg18[%swap3A_771, %swap3A_772] {strides = array<i32>} : memref<56x128xf32, #tpu.memory_space<vmem>>, vector<1x16xf32>,
        %swap3A_774 = vector.shape_cast %swap3A_773 : vector<1x16xf32> to vector<16xf32>
        %swap3A_775 = vector.shape_cast %max3A_770 : vector<16xf32> to vector<1x16xf32>
        tpu.vector_store %arg18[%swap3A_771, %swap3A_772], %swap3A_775 {strides = array<i32>} : memref<56x128xf32, #tpu.memory_space<vmem>>, vector<1x16xf32>,
        %get3A_776 = arith.index_cast %add3A_656 : i32 to index
        %get3A_777 = arith.constant 112 : index
        %get3A_778 = tpu.vector_load %arg18[%get3A_776, %get3A_777] {strides = array<i32>} : memref<56x128xf32, #tpu.memory_space<vmem>>, vector<1x16xf32>,
        %get3A_779 = vector.shape_cast %get3A_778 : vector<1x16xf32> to vector<16xf32>
        %get3A_780 = arith.index_cast %add3A_656 : i32 to index
        %get3A_781 = arith.constant 112 : index
        %get3A_782 = tpu.vector_load %arg19[%get3A_780, %get3A_781] {strides = array<i32>} : memref<56x128xf32, #tpu.memory_space<vmem>>, vector<1x16xf32>,
        %get3A_783 = vector.shape_cast %get3A_782 : vector<1x16xf32> to vector<16xf32>
        %add3A_784 = arith.addf %get3A_779, %get3A_783 : vector<16xf32>
        %max3A_785 = arith.constant 0.000000e+00 : f32
        %max3A_786 = vector.broadcast %max3A_785 : f32 to vector<16xf32>
        %max3A_787 = arith.maximumf %add3A_784, %max3A_786 : vector<16xf32>
        %swap3A_788 = arith.index_cast %add3A_656 : i32 to index
        %swap3A_789 = arith.constant 112 : index
        %swap3A_790 = tpu.vector_load %arg18[%swap3A_788, %swap3A_789] {strides = array<i32>} : memref<56x128xf32, #tpu.memory_space<vmem>>, vector<1x16xf32>,
        %swap3A_791 = vector.shape_cast %swap3A_790 : vector<1x16xf32> to vector<16xf32>
        %swap3A_792 = vector.shape_cast %max3A_787 : vector<16xf32> to vector<1x16xf32>
        tpu.vector_store %arg18[%swap3A_788, %swap3A_789], %swap3A_792 {strides = array<i32>} : memref<56x128xf32, #tpu.memory_space<vmem>>, vector<1x16xf32>,
        %mul3A_793 = arith.constant 4 : i32
        %mul3A_794 = arith.muli %scan3A_373, %mul3A_793 : i32
        %add3A_795 = arith.constant 3 : i32
        %add3A_796 = arith.addi %mul3A_794, %add3A_795 : i32
        %get3A_797 = arith.index_cast %add3A_796 : i32 to index
        %get3A_798 = arith.constant 0 : index
        %get3A_799 = tpu.vector_load %arg18[%get3A_797, %get3A_798] {strides = array<i32>} : memref<56x128xf32, #tpu.memory_space<vmem>>, vector<1x16xf32>,
        %get3A_800 = vector.shape_cast %get3A_799 : vector<1x16xf32> to vector<16xf32>
        %get3A_801 = arith.index_cast %add3A_796 : i32 to index
        %get3A_802 = arith.constant 0 : index
        %get3A_803 = tpu.vector_load %arg19[%get3A_801, %get3A_802] {strides = array<i32>} : memref<56x128xf32, #tpu.memory_space<vmem>>, vector<1x16xf32>,
        %get3A_804 = vector.shape_cast %get3A_803 : vector<1x16xf32> to vector<16xf32>
        %add3A_805 = arith.addf %get3A_800, %get3A_804 : vector<16xf32>
        %max3A_806 = arith.constant 0.000000e+00 : f32
        %max3A_807 = vector.broadcast %max3A_806 : f32 to vector<16xf32>
        %max3A_808 = arith.maximumf %add3A_805, %max3A_807 : vector<16xf32>
        %swap3A_809 = arith.index_cast %add3A_796 : i32 to index
        %swap3A_810 = arith.constant 0 : index
        %swap3A_811 = tpu.vector_load %arg18[%swap3A_809, %swap3A_810] {strides = array<i32>} : memref<56x128xf32, #tpu.memory_space<vmem>>, vector<1x16xf32>,
        %swap3A_812 = vector.shape_cast %swap3A_811 : vector<1x16xf32> to vector<16xf32>
        %swap3A_813 = vector.shape_cast %max3A_808 : vector<16xf32> to vector<1x16xf32>
        tpu.vector_store %arg18[%swap3A_809, %swap3A_810], %swap3A_813 {strides = array<i32>} : memref<56x128xf32, #tpu.memory_space<vmem>>, vector<1x16xf32>,
        %get3A_814 = arith.index_cast %add3A_796 : i32 to index
        %get3A_815 = arith.constant 16 : index
        %get3A_816 = tpu.vector_load %arg18[%get3A_814, %get3A_815] {strides = array<i32>} : memref<56x128xf32, #tpu.memory_space<vmem>>, vector<1x16xf32>,
        %get3A_817 = vector.shape_cast %get3A_816 : vector<1x16xf32> to vector<16xf32>
        %get3A_818 = arith.index_cast %add3A_796 : i32 to index
        %get3A_819 = arith.constant 16 : index
        %get3A_820 = tpu.vector_load %arg19[%get3A_818, %get3A_819] {strides = array<i32>} : memref<56x128xf32, #tpu.memory_space<vmem>>, vector<1x16xf32>,
        %get3A_821 = vector.shape_cast %get3A_820 : vector<1x16xf32> to vector<16xf32>
        %add3A_822 = arith.addf %get3A_817, %get3A_821 : vector<16xf32>
        %max3A_823 = arith.constant 0.000000e+00 : f32
        %max3A_824 = vector.broadcast %max3A_823 : f32 to vector<16xf32>
        %max3A_825 = arith.maximumf %add3A_822, %max3A_824 : vector<16xf32>
        %swap3A_826 = arith.index_cast %add3A_796 : i32 to index
        %swap3A_827 = arith.constant 16 : index
        %swap3A_828 = tpu.vector_load %arg18[%swap3A_826, %swap3A_827] {strides = array<i32>} : memref<56x128xf32, #tpu.memory_space<vmem>>, vector<1x16xf32>,
        %swap3A_829 = vector.shape_cast %swap3A_828 : vector<1x16xf32> to vector<16xf32>
        %swap3A_830 = vector.shape_cast %max3A_825 : vector<16xf32> to vector<1x16xf32>
        tpu.vector_store %arg18[%swap3A_826, %swap3A_827], %swap3A_830 {strides = array<i32>} : memref<56x128xf32, #tpu.memory_space<vmem>>, vector<1x16xf32>,
        %get3A_831 = arith.index_cast %add3A_796 : i32 to index
        %get3A_832 = arith.constant 32 : index
        %get3A_833 = tpu.vector_load %arg18[%get3A_831, %get3A_832] {strides = array<i32>} : memref<56x128xf32, #tpu.memory_space<vmem>>, vector<1x16xf32>,
        %get3A_834 = vector.shape_cast %get3A_833 : vector<1x16xf32> to vector<16xf32>
        %get3A_835 = arith.index_cast %add3A_796 : i32 to index
        %get3A_836 = arith.constant 32 : index
        %get3A_837 = tpu.vector_load %arg19[%get3A_835, %get3A_836] {strides = array<i32>} : memref<56x128xf32, #tpu.memory_space<vmem>>, vector<1x16xf32>,
        %get3A_838 = vector.shape_cast %get3A_837 : vector<1x16xf32> to vector<16xf32>
        %add3A_839 = arith.addf %get3A_834, %get3A_838 : vector<16xf32>
        %max3A_840 = arith.constant 0.000000e+00 : f32
        %max3A_841 = vector.broadcast %max3A_840 : f32 to vector<16xf32>
        %max3A_842 = arith.maximumf %add3A_839, %max3A_841 : vector<16xf32>
        %swap3A_843 = arith.index_cast %add3A_796 : i32 to index
        %swap3A_844 = arith.constant 32 : index
        %swap3A_845 = tpu.vector_load %arg18[%swap3A_843, %swap3A_844] {strides = array<i32>} : memref<56x128xf32, #tpu.memory_space<vmem>>, vector<1x16xf32>,
        %swap3A_846 = vector.shape_cast %swap3A_845 : vector<1x16xf32> to vector<16xf32>
        %swap3A_847 = vector.shape_cast %max3A_842 : vector<16xf32> to vector<1x16xf32>
        tpu.vector_store %arg18[%swap3A_843, %swap3A_844], %swap3A_847 {strides = array<i32>} : memref<56x128xf32, #tpu.memory_space<vmem>>, vector<1x16xf32>,
        %get3A_848 = arith.index_cast %add3A_796 : i32 to index
        %get3A_849 = arith.constant 48 : index
        %get3A_850 = tpu.vector_load %arg18[%get3A_848, %get3A_849] {strides = array<i32>} : memref<56x128xf32, #tpu.memory_space<vmem>>, vector<1x16xf32>,
        %get3A_851 = vector.shape_cast %get3A_850 : vector<1x16xf32> to vector<16xf32>
        %get3A_852 = arith.index_cast %add3A_796 : i32 to index
        %get3A_853 = arith.constant 48 : index
        %get3A_854 = tpu.vector_load %arg19[%get3A_852, %get3A_853] {strides = array<i32>} : memref<56x128xf32, #tpu.memory_space<vmem>>, vector<1x16xf32>,
        %get3A_855 = vector.shape_cast %get3A_854 : vector<1x16xf32> to vector<16xf32>
        %add3A_856 = arith.addf %get3A_851, %get3A_855 : vector<16xf32>
        %max3A_857 = arith.constant 0.000000e+00 : f32
        %max3A_858 = vector.broadcast %max3A_857 : f32 to vector<16xf32>
        %max3A_859 = arith.maximumf %add3A_856, %max3A_858 : vector<16xf32>
        %swap3A_860 = arith.index_cast %add3A_796 : i32 to index
        %swap3A_861 = arith.constant 48 : index
        %swap3A_862 = tpu.vector_load %arg18[%swap3A_860, %swap3A_861] {strides = array<i32>} : memref<56x128xf32, #tpu.memory_space<vmem>>, vector<1x16xf32>,
        %swap3A_863 = vector.shape_cast %swap3A_862 : vector<1x16xf32> to vector<16xf32>
        %swap3A_864 = vector.shape_cast %max3A_859 : vector<16xf32> to vector<1x16xf32>
        tpu.vector_store %arg18[%swap3A_860, %swap3A_861], %swap3A_864 {strides = array<i32>} : memref<56x128xf32, #tpu.memory_space<vmem>>, vector<1x16xf32>,
        %get3A_865 = arith.index_cast %add3A_796 : i32 to index
        %get3A_866 = arith.constant 64 : index
        %get3A_867 = tpu.vector_load %arg18[%get3A_865, %get3A_866] {strides = array<i32>} : memref<56x128xf32, #tpu.memory_space<vmem>>, vector<1x16xf32>,
        %get3A_868 = vector.shape_cast %get3A_867 : vector<1x16xf32> to vector<16xf32>
        %get3A_869 = arith.index_cast %add3A_796 : i32 to index
        %get3A_870 = arith.constant 64 : index
        %get3A_871 = tpu.vector_load %arg19[%get3A_869, %get3A_870] {strides = array<i32>} : memref<56x128xf32, #tpu.memory_space<vmem>>, vector<1x16xf32>,
        %get3A_872 = vector.shape_cast %get3A_871 : vector<1x16xf32> to vector<16xf32>
        %add3A_873 = arith.addf %get3A_868, %get3A_872 : vector<16xf32>
        %max3A_874 = arith.constant 0.000000e+00 : f32
        %max3A_875 = vector.broadcast %max3A_874 : f32 to vector<16xf32>
        %max3A_876 = arith.maximumf %add3A_873, %max3A_875 : vector<16xf32>
        %swap3A_877 = arith.index_cast %add3A_796 : i32 to index
        %swap3A_878 = arith.constant 64 : index
        %swap3A_879 = tpu.vector_load %arg18[%swap3A_877, %swap3A_878] {strides = array<i32>} : memref<56x128xf32, #tpu.memory_space<vmem>>, vector<1x16xf32>,
        %swap3A_880 = vector.shape_cast %swap3A_879 : vector<1x16xf32> to vector<16xf32>
        %swap3A_881 = vector.shape_cast %max3A_876 : vector<16xf32> to vector<1x16xf32>
        tpu.vector_store %arg18[%swap3A_877, %swap3A_878], %swap3A_881 {strides = array<i32>} : memref<56x128xf32, #tpu.memory_space<vmem>>, vector<1x16xf32>,
        %get3A_882 = arith.index_cast %add3A_796 : i32 to index
        %get3A_883 = arith.constant 80 : index
        %get3A_884 = tpu.vector_load %arg18[%get3A_882, %get3A_883] {strides = array<i32>} : memref<56x128xf32, #tpu.memory_space<vmem>>, vector<1x16xf32>,
        %get3A_885 = vector.shape_cast %get3A_884 : vector<1x16xf32> to vector<16xf32>
        %get3A_886 = arith.index_cast %add3A_796 : i32 to index
        %get3A_887 = arith.constant 80 : index
        %get3A_888 = tpu.vector_load %arg19[%get3A_886, %get3A_887] {strides = array<i32>} : memref<56x128xf32, #tpu.memory_space<vmem>>, vector<1x16xf32>,
        %get3A_889 = vector.shape_cast %get3A_888 : vector<1x16xf32> to vector<16xf32>
        %add3A_890 = arith.addf %get3A_885, %get3A_889 : vector<16xf32>
        %max3A_891 = arith.constant 0.000000e+00 : f32
        %max3A_892 = vector.broadcast %max3A_891 : f32 to vector<16xf32>
        %max3A_893 = arith.maximumf %add3A_890, %max3A_892 : vector<16xf32>
        %swap3A_894 = arith.index_cast %add3A_796 : i32 to index
        %swap3A_895 = arith.constant 80 : index
        %swap3A_896 = tpu.vector_load %arg18[%swap3A_894, %swap3A_895] {strides = array<i32>} : memref<56x128xf32, #tpu.memory_space<vmem>>, vector<1x16xf32>,
        %swap3A_897 = vector.shape_cast %swap3A_896 : vector<1x16xf32> to vector<16xf32>
        %swap3A_898 = vector.shape_cast %max3A_893 : vector<16xf32> to vector<1x16xf32>
        tpu.vector_store %arg18[%swap3A_894, %swap3A_895], %swap3A_898 {strides = array<i32>} : memref<56x128xf32, #tpu.memory_space<vmem>>, vector<1x16xf32>,
        %get3A_899 = arith.index_cast %add3A_796 : i32 to index
        %get3A_900 = arith.constant 96 : index
        %get3A_901 = tpu.vector_load %arg18[%get3A_899, %get3A_900] {strides = array<i32>} : memref<56x128xf32, #tpu.memory_space<vmem>>, vector<1x16xf32>,
        %get3A_902 = vector.shape_cast %get3A_901 : vector<1x16xf32> to vector<16xf32>
        %get3A_903 = arith.index_cast %add3A_796 : i32 to index
        %get3A_904 = arith.constant 96 : index
        %get3A_905 = tpu.vector_load %arg19[%get3A_903, %get3A_904] {strides = array<i32>} : memref<56x128xf32, #tpu.memory_space<vmem>>, vector<1x16xf32>,
        %get3A_906 = vector.shape_cast %get3A_905 : vector<1x16xf32> to vector<16xf32>
        %add3A_907 = arith.addf %get3A_902, %get3A_906 : vector<16xf32>
        %max3A_908 = arith.constant 0.000000e+00 : f32
        %max3A_909 = vector.broadcast %max3A_908 : f32 to vector<16xf32>
        %max3A_910 = arith.maximumf %add3A_907, %max3A_909 : vector<16xf32>
        %swap3A_911 = arith.index_cast %add3A_796 : i32 to index
        %swap3A_912 = arith.constant 96 : index
        %swap3A_913 = tpu.vector_load %arg18[%swap3A_911, %swap3A_912] {strides = array<i32>} : memref<56x128xf32, #tpu.memory_space<vmem>>, vector<1x16xf32>,
        %swap3A_914 = vector.shape_cast %swap3A_913 : vector<1x16xf32> to vector<16xf32>
        %swap3A_915 = vector.shape_cast %max3A_910 : vector<16xf32> to vector<1x16xf32>
        tpu.vector_store %arg18[%swap3A_911, %swap3A_912], %swap3A_915 {strides = array<i32>} : memref<56x128xf32, #tpu.memory_space<vmem>>, vector<1x16xf32>,
        %get3A_916 = arith.index_cast %add3A_796 : i32 to index
        %get3A_917 = arith.constant 112 : index
        %get3A_918 = tpu.vector_load %arg18[%get3A_916, %get3A_917] {strides = array<i32>} : memref<56x128xf32, #tpu.memory_space<vmem>>, vector<1x16xf32>,
        %get3A_919 = vector.shape_cast %get3A_918 : vector<1x16xf32> to vector<16xf32>
        %get3A_920 = arith.index_cast %add3A_796 : i32 to index
        %get3A_921 = arith.constant 112 : index
        %get3A_922 = tpu.vector_load %arg19[%get3A_920, %get3A_921] {strides = array<i32>} : memref<56x128xf32, #tpu.memory_space<vmem>>, vector<1x16xf32>,
        %get3A_923 = vector.shape_cast %get3A_922 : vector<1x16xf32> to vector<16xf32>
        %add3A_924 = arith.addf %get3A_919, %get3A_923 : vector<16xf32>
        %max3A_925 = arith.constant 0.000000e+00 : f32
        %max3A_926 = vector.broadcast %max3A_925 : f32 to vector<16xf32>
        %max3A_927 = arith.maximumf %add3A_924, %max3A_926 : vector<16xf32>
        %swap3A_928 = arith.index_cast %add3A_796 : i32 to index
        %swap3A_929 = arith.constant 112 : index
        %swap3A_930 = tpu.vector_load %arg18[%swap3A_928, %swap3A_929] {strides = array<i32>} : memref<56x128xf32, #tpu.memory_space<vmem>>, vector<1x16xf32>,
        %swap3A_931 = vector.shape_cast %swap3A_930 : vector<1x16xf32> to vector<16xf32>
        %swap3A_932 = vector.shape_cast %max3A_927 : vector<16xf32> to vector<1x16xf32>
        tpu.vector_store %arg18[%swap3A_928, %swap3A_929], %swap3A_932 {strides = array<i32>} : memref<56x128xf32, #tpu.memory_space<vmem>>, vector<1x16xf32>,
      }
      %scan3A_365 = arith.constant 14 : i32
      %dma_start3A_366 = arith.constant 0 : i32
      %dma_start3A_367 = arith.constant 0 : i32
      %dma_start3A_368 = tpu.memref_slice %arg13[%dma_start3A_366, %dma_start3A_367] : memref<1x56xi32, #tpu.memory_space<vmem>> -> memref<1x56xi32, #tpu.memory_space<vmem>>
      %dma_start3A_369 = tpu.memref_squeeze %dma_start3A_368 : memref<1x56xi32, #tpu.memory_space<vmem>> -> memref<56xi32, #tpu.memory_space<vmem>>
      %dma_start3A_370 = arith.constant 0 : i32
      %dma_start3A_371 = arith.constant 0 : i32
      %dma_start3A_372 = tpu.memref_slice %arg20[%dma_start3A_370, %dma_start3A_371] : memref<10112x128xf32, #tpu.memory_space<vmem_shared>> -> memref<10112x128xf32, #tpu.memory_space<vmem_shared>>
      tpu.enqueue_indirect_dma source(%arg18 : memref<56x128xf32, #tpu.memory_space<vmem>>) target(%dma_start3A_372 : memref<10112x128xf32, #tpu.memory_space<vmem_shared>>) offsets(%dma_start3A_369 : memref<56xi32, #tpu.memory_space<vmem>>) semaphore(%arg29 : memref<!tpu.dma_semaphore, #tpu.memory_space<semaphore_mem>>) {add = true}
    }
    %scan3A_78 = arith.constant 60 : i32
    %dma_wait3A_79 = arith.constant 0 : i32
    %dma_wait3A_80 = arith.constant 0 : i32
    %dma_wait3A_81 = tpu.memref_slice %arg11[%dma_wait3A_79, %dma_wait3A_80] : memref<1x56xi32, #tpu.memory_space<vmem>> -> memref<1x56xi32, #tpu.memory_space<vmem>>
    %dma_wait3A_82 = tpu.memref_squeeze %dma_wait3A_81 : memref<1x56xi32, #tpu.memory_space<vmem>> -> memref<56xi32, #tpu.memory_space<vmem>>
    %dma_wait3A_83 = arith.constant 0 : i32
    %dma_wait3A_84 = arith.constant 0 : i32
    %dma_wait3A_85 = tpu.memref_slice %arg20[%dma_wait3A_83, %dma_wait3A_84] : memref<10112x128xf32, #tpu.memory_space<vmem_shared>> -> memref<10112x128xf32, #tpu.memory_space<vmem_shared>>
    tpu.wait_indirect_dma semaphore(%arg27 : memref<!tpu.dma_semaphore, #tpu.memory_space<semaphore_mem>>) src(%arg14 : memref<56x128xf32, #tpu.memory_space<vmem>>) dst(%dma_wait3A_85 : memref<10112x128xf32, #tpu.memory_space<vmem_shared>>)
    %dma_wait3A_86 = arith.constant 0 : i32
    %dma_wait3A_87 = arith.constant 0 : i32
    %dma_wait3A_88 = tpu.memref_slice %arg12[%dma_wait3A_86, %dma_wait3A_87] : memref<1x56xi32, #tpu.memory_space<vmem>> -> memref<1x56xi32, #tpu.memory_space<vmem>>
    %dma_wait3A_89 = tpu.memref_squeeze %dma_wait3A_88 : memref<1x56xi32, #tpu.memory_space<vmem>> -> memref<56xi32, #tpu.memory_space<vmem>>
    %dma_wait3A_90 = arith.constant 0 : i32
    %dma_wait3A_91 = arith.constant 0 : i32
    %dma_wait3A_92 = tpu.memref_slice %arg20[%dma_wait3A_90, %dma_wait3A_91] : memref<10112x128xf32, #tpu.memory_space<vmem_shared>> -> memref<10112x128xf32, #tpu.memory_space<vmem_shared>>
    tpu.wait_indirect_dma semaphore(%arg28 : memref<!tpu.dma_semaphore, #tpu.memory_space<semaphore_mem>>) src(%arg16 : memref<56x128xf32, #tpu.memory_space<vmem>>) dst(%dma_wait3A_92 : memref<10112x128xf32, #tpu.memory_space<vmem_shared>>)
    %dma_wait3A_93 = arith.constant 0 : i32
    %dma_wait3A_94 = arith.constant 0 : i32
    %dma_wait3A_95 = tpu.memref_slice %arg13[%dma_wait3A_93, %dma_wait3A_94] : memref<1x56xi32, #tpu.memory_space<vmem>> -> memref<1x56xi32, #tpu.memory_space<vmem>>
    %dma_wait3A_96 = tpu.memref_squeeze %dma_wait3A_95 : memref<1x56xi32, #tpu.memory_space<vmem>> -> memref<56xi32, #tpu.memory_space<vmem>>
    %dma_wait3A_97 = arith.constant 0 : i32
    %dma_wait3A_98 = arith.constant 0 : i32
    %dma_wait3A_99 = tpu.memref_slice %arg20[%dma_wait3A_97, %dma_wait3A_98] : memref<10112x128xf32, #tpu.memory_space<vmem_shared>> -> memref<10112x128xf32, #tpu.memory_space<vmem_shared>>
    tpu.wait_indirect_dma semaphore(%arg29 : memref<!tpu.dma_semaphore, #tpu.memory_space<semaphore_mem>>) src(%arg18 : memref<56x128xf32, #tpu.memory_space<vmem>>) dst(%dma_wait3A_99 : memref<10112x128xf32, #tpu.memory_space<vmem_shared>>)
    %barrier3A_100 = arith.constant 0 : index
    tpu.barrier barrier_id(%barrier3A_100)
    %eq3A = arith.constant 0 : i32
    %eq3A_101 = arith.cmpi eq, %arg0, %eq3A : i32
    %convert_element_type3A = arith.extui %eq3A_101 : i1 to i32
    %cond3A = arith.constant 0 : i32
    %cond3A_102 = arith.cmpi ne, %convert_element_type3A, %cond3A : i32
    scf.if %cond3A_102 {
      "tpu.region"() ({
        %run_scoped3A = tpu.sem_alloc : memref<!tpu.dma_semaphore, #tpu.memory_space<semaphore_mem>>
        %dma_start3A_108 = arith.constant 0 : i32
        %dma_start3A_109 = tpu.memref_slice %arg6[%mul3A_2, %dma_start3A_108] : memref<10112x128xf32, #tpu.memory_space<hbm>> -> memref<632x128xf32, #tpu.memory_space<hbm>>
        %dma_start3A_110 = arith.constant 0 : i32
        %dma_start3A_111 = tpu.memref_slice %arg20[%mul3A_2, %dma_start3A_110] : memref<10112x128xf32, #tpu.memory_space<vmem_shared>> -> memref<632x128xf32, #tpu.memory_space<vmem_shared>>
        tpu.enqueue_dma source(%dma_start3A_111 : memref<632x128xf32, #tpu.memory_space<vmem_shared>>) target(%dma_start3A_109 : memref<632x128xf32, #tpu.memory_space<hbm>>) target_semaphore(%run_scoped3A : memref<!tpu.dma_semaphore, #tpu.memory_space<semaphore_mem>>)
        %dma_wait3A_112 = arith.constant 0 : i32
        %dma_wait3A_113 = tpu.memref_slice %arg6[%mul3A_2, %dma_wait3A_112] : memref<10112x128xf32, #tpu.memory_space<hbm>> -> memref<632x128xf32, #tpu.memory_space<hbm>>
        %dma_wait3A_114 = arith.constant 0 : i32
        %dma_wait3A_115 = tpu.memref_slice %arg20[%mul3A_2, %dma_wait3A_114] : memref<10112x128xf32, #tpu.memory_space<vmem_shared>> -> memref<632x128xf32, #tpu.memory_space<vmem_shared>>
        tpu.wait_dma2 semaphore(%run_scoped3A : memref<!tpu.dma_semaphore, #tpu.memory_space<semaphore_mem>>) src(%dma_wait3A_115 : memref<632x128xf32, #tpu.memory_space<vmem_shared>>) dst(%dma_wait3A_113 : memref<632x128xf32, #tpu.memory_space<hbm>>)
        tpu.yield
      }) : () -> ()
    } else {
    }
    %eq3A_103 = arith.constant 1 : i32
    %eq3A_104 = arith.cmpi eq, %arg0, %eq3A_103 : i32
    %convert_element_type3A_105 = arith.extui %eq3A_104 : i1 to i32
    %cond3A_106 = arith.constant 0 : i32
    %cond3A_107 = arith.cmpi ne, %convert_element_type3A_105, %cond3A_106 : i32
    scf.if %cond3A_107 {
      "tpu.region"() ({
        %run_scoped3A = tpu.sem_alloc : memref<!tpu.dma_semaphore, #tpu.memory_space<semaphore_mem>>
        %dma_start3A_108 = arith.constant 0 : i32
        %dma_start3A_109 = tpu.memref_slice %arg7[%mul3A_2, %dma_start3A_108] : memref<10112x128xf32, #tpu.memory_space<hbm>> -> memref<632x128xf32, #tpu.memory_space<hbm>>
        %dma_start3A_110 = arith.constant 0 : i32
        %dma_start3A_111 = tpu.memref_slice %arg20[%mul3A_2, %dma_start3A_110] : memref<10112x128xf32, #tpu.memory_space<vmem_shared>> -> memref<632x128xf32, #tpu.memory_space<vmem_shared>>
        tpu.enqueue_dma source(%dma_start3A_111 : memref<632x128xf32, #tpu.memory_space<vmem_shared>>) target(%dma_start3A_109 : memref<632x128xf32, #tpu.memory_space<hbm>>) target_semaphore(%run_scoped3A : memref<!tpu.dma_semaphore, #tpu.memory_space<semaphore_mem>>)
        %dma_wait3A_112 = arith.constant 0 : i32
        %dma_wait3A_113 = tpu.memref_slice %arg7[%mul3A_2, %dma_wait3A_112] : memref<10112x128xf32, #tpu.memory_space<hbm>> -> memref<632x128xf32, #tpu.memory_space<hbm>>
        %dma_wait3A_114 = arith.constant 0 : i32
        %dma_wait3A_115 = tpu.memref_slice %arg20[%mul3A_2, %dma_wait3A_114] : memref<10112x128xf32, #tpu.memory_space<vmem_shared>> -> memref<632x128xf32, #tpu.memory_space<vmem_shared>>
        tpu.wait_dma2 semaphore(%run_scoped3A : memref<!tpu.dma_semaphore, #tpu.memory_space<semaphore_mem>>) src(%dma_wait3A_115 : memref<632x128xf32, #tpu.memory_space<vmem_shared>>) dst(%dma_wait3A_113 : memref<632x128xf32, #tpu.memory_space<hbm>>)
        tpu.yield
      }) : () -> ()
    } else {
    }
    return
  }
}

module attributes {stable_mosaic.version = 14 : i64} {
  func.func @_pre_body(%arg0: i32, %arg1: memref<1264x64xf32, #tpu.memory_space<vmem>>, %arg2: memref<1264x64xf32, #tpu.memory_space<vmem>>, %arg3: memref<128x128xf32, #tpu.memory_space<vmem>>, %arg4: memref<128x128xf32, #tpu.memory_space<vmem>>, %arg5: memref<1x128xf32, #tpu.memory_space<vmem>>, %arg6: memref<1264x128xf32, #tpu.memory_space<vmem>>, %arg7: memref<1264x128xf32, #tpu.memory_space<vmem>>) attributes {dimension_semantics = [#tpu.dimension_semantics<arbitrary>], iteration_bounds = array<i64: 8>, scalar_prefetch = 0 : i64, scratch_operands = 0 : i64, tpu.core_type = #tpu.core_type<tc>, window_params = [{transform_indices = @transform_0, window_bounds = array<i64: 1264, 64>}, {transform_indices = @transform_1, window_bounds = array<i64: 1264, 64>}, {pipeline_mode = #tpu.pipeline_mode<synchronous>, transform_indices = @transform_2, window_bounds = array<i64: 128, 128>}, {pipeline_mode = #tpu.pipeline_mode<synchronous>, transform_indices = @transform_3, window_bounds = array<i64: 128, 128>}, {pipeline_mode = #tpu.pipeline_mode<synchronous>, transform_indices = @transform_4, window_bounds = array<i64: 1, 128>}, {transform_indices = @transform_5, window_bounds = array<i64: 1264, 128>}, {transform_indices = @transform_6, window_bounds = array<i64: 1264, 128>}]} {
    %get3A = arith.constant 0 : index
    %get3A_0 = arith.constant 0 : index
    %get3A_1 = vector.load %arg1[%get3A, %get3A_0] : memref<1264x64xf32, #tpu.memory_space<vmem>>, vector<1264x64xf32>
    %get3A_2 = arith.constant 0 : index
    %get3A_3 = arith.constant 0 : index
    %get3A_4 = vector.load %arg2[%get3A_2, %get3A_3] : memref<1264x64xf32, #tpu.memory_space<vmem>>, vector<1264x64xf32>
    %concatenate3A = tpu.concatenate %get3A_1, %get3A_4 in 1 : vector<1264x64xf32>, vector<1264x64xf32> -> vector<1264x128xf32>
    %get3A_5 = arith.constant 0 : index
    %get3A_6 = arith.constant 0 : index
    %get3A_7 = vector.load %arg3[%get3A_5, %get3A_6] : memref<128x128xf32, #tpu.memory_space<vmem>>, vector<128x128xf32>
    %dot_general3A = arith.constant dense<0.000000e+00> : vector<1264x128xf32>
    %dot_general3A_8 = tpu.matmul %concatenate3A, %get3A_7, %dot_general3A {dimension_numbers = #tpu.dot_dimension_numbers<[1], [0], [0], [1], [0, 0, 1, 1], [], []>, transpose_lhs_hint = false} : vector<1264x128xf32>, vector<128x128xf32>, vector<1264x128xf32> -> vector<1264x128xf32>
    %get3A_9 = arith.constant 0 : index
    %get3A_10 = arith.constant 0 : index
    %get3A_11 = vector.load %arg5[%get3A_9, %get3A_10] : memref<1x128xf32, #tpu.memory_space<vmem>>, vector<1x128xf32>
    %add3A = vector.broadcast %get3A_11 : vector<1x128xf32> to vector<1264x128xf32>
    %add3A_12 = arith.addf %dot_general3A_8, %add3A : vector<1264x128xf32>
    %swap3A = arith.constant 0 : index
    %swap3A_13 = arith.constant 0 : index
    %swap3A_14 = vector.load %arg6[%swap3A, %swap3A_13] : memref<1264x128xf32, #tpu.memory_space<vmem>>, vector<1264x128xf32>
    tpu.vector_store %arg6[%swap3A, %swap3A_13], %add3A_12 {strides = array<i32>} : memref<1264x128xf32, #tpu.memory_space<vmem>>, vector<1264x128xf32>,
    %get3A_15 = arith.constant 0 : index
    %get3A_16 = arith.constant 0 : index
    %get3A_17 = vector.load %arg4[%get3A_15, %get3A_16] : memref<128x128xf32, #tpu.memory_space<vmem>>, vector<128x128xf32>
    %dot_general3A_18 = arith.constant dense<0.000000e+00> : vector<1264x128xf32>
    %dot_general3A_19 = tpu.matmul %concatenate3A, %get3A_17, %dot_general3A_18 {dimension_numbers = #tpu.dot_dimension_numbers<[1], [0], [0], [1], [0, 0, 1, 1], [], []>, transpose_lhs_hint = false} : vector<1264x128xf32>, vector<128x128xf32>, vector<1264x128xf32> -> vector<1264x128xf32>
    %swap3A_20 = arith.constant 0 : index
    %swap3A_21 = arith.constant 0 : index
    %swap3A_22 = vector.load %arg7[%swap3A_20, %swap3A_21] : memref<1264x128xf32, #tpu.memory_space<vmem>>, vector<1264x128xf32>
    tpu.vector_store %arg7[%swap3A_20, %swap3A_21], %dot_general3A_19 {strides = array<i32>} : memref<1264x128xf32, #tpu.memory_space<vmem>>, vector<1264x128xf32>,
    return
  }
  func.func @transform_0(%arg0: i32) -> (i32, i32) {
    %c0_i32 = arith.constant 0 : i32
    %c0_i32_0 = arith.constant 0 : i32
    return %arg0, %c0_i32 : i32, i32
  }
  func.func @transform_1(%arg0: i32) -> (i32, i32) {
    %c0_i32 = arith.constant 0 : i32
    %c0_i32_0 = arith.constant 0 : i32
    return %arg0, %c0_i32 : i32, i32
  }
  func.func @transform_2(%arg0: i32) -> (i32, i32) {
    %c0_i32 = arith.constant 0 : i32
    %c0_i32_0 = arith.constant 0 : i32
    %c0_i32_1 = arith.constant 0 : i32
    return %c0_i32, %c0_i32_0 : i32, i32
  }
  func.func @transform_3(%arg0: i32) -> (i32, i32) {
    %c0_i32 = arith.constant 0 : i32
    %c0_i32_0 = arith.constant 0 : i32
    %c0_i32_1 = arith.constant 0 : i32
    return %c0_i32, %c0_i32_0 : i32, i32
  }
  func.func @transform_4(%arg0: i32) -> (i32, i32) {
    %c0_i32 = arith.constant 0 : i32
    %c0_i32_0 = arith.constant 0 : i32
    %c0_i32_1 = arith.constant 0 : i32
    return %c0_i32, %c0_i32_0 : i32, i32
  }
  func.func @transform_5(%arg0: i32) -> (i32, i32) {
    %c0_i32 = arith.constant 0 : i32
    %c0_i32_0 = arith.constant 0 : i32
    return %arg0, %c0_i32 : i32, i32
  }
  func.func @transform_6(%arg0: i32) -> (i32, i32) {
    %c0_i32 = arith.constant 0 : i32
    %c0_i32_0 = arith.constant 0 : i32
    return %arg0, %c0_i32 : i32, i32
  }
}

module attributes {stable_mosaic.version = 14 : i64} {
  func.func @_post_body(%arg0: i32, %arg1: memref<1264x128xf32, #tpu.memory_space<vmem>>, %arg2: memref<1264x128xf32, #tpu.memory_space<vmem>>, %arg3: memref<1264x64xf32, #tpu.memory_space<vmem>>, %arg4: memref<1264x64xf32, #tpu.memory_space<vmem>>, %arg5: memref<128x128xf32, #tpu.memory_space<vmem>>, %arg6: memref<128x128xf32, #tpu.memory_space<vmem>>, %arg7: memref<128x128xf32, #tpu.memory_space<vmem>>, %arg8: memref<1x128xf32, #tpu.memory_space<vmem>>, %arg9: memref<128x64xf32, #tpu.memory_space<vmem>>, %arg10: memref<1x64xf32, #tpu.memory_space<vmem>>, %arg11: memref<1264x64xf32, #tpu.memory_space<vmem>>) attributes {dimension_semantics = [#tpu.dimension_semantics<arbitrary>], iteration_bounds = array<i64: 8>, scalar_prefetch = 0 : i64, scratch_operands = 0 : i64, tpu.core_type = #tpu.core_type<tc>, window_params = [{transform_indices = @transform_0, window_bounds = array<i64: 1264, 128>}, {transform_indices = @transform_1, window_bounds = array<i64: 1264, 128>}, {transform_indices = @transform_2, window_bounds = array<i64: 1264, 64>}, {transform_indices = @transform_3, window_bounds = array<i64: 1264, 64>}, {pipeline_mode = #tpu.pipeline_mode<synchronous>, transform_indices = @transform_4, window_bounds = array<i64: 128, 128>}, {pipeline_mode = #tpu.pipeline_mode<synchronous>, transform_indices = @transform_5, window_bounds = array<i64: 128, 128>}, {pipeline_mode = #tpu.pipeline_mode<synchronous>, transform_indices = @transform_6, window_bounds = array<i64: 128, 128>}, {pipeline_mode = #tpu.pipeline_mode<synchronous>, transform_indices = @transform_7, window_bounds = array<i64: 1, 128>}, {pipeline_mode = #tpu.pipeline_mode<synchronous>, transform_indices = @transform_8, window_bounds = array<i64: 128, 64>}, {pipeline_mode = #tpu.pipeline_mode<synchronous>, transform_indices = @transform_9, window_bounds = array<i64: 1, 64>}, {transform_indices = @transform_10, window_bounds = array<i64: 1264, 64>}]} {
    %get3A = arith.constant 0 : index
    %get3A_0 = arith.constant 0 : index
    %get3A_1 = vector.load %arg1[%get3A, %get3A_0] : memref<1264x128xf32, #tpu.memory_space<vmem>>, vector<1264x128xf32>
    %get3A_2 = arith.constant 0 : index
    %get3A_3 = arith.constant 0 : index
    %get3A_4 = vector.load %arg2[%get3A_2, %get3A_3] : memref<1264x128xf32, #tpu.memory_space<vmem>>, vector<1264x128xf32>
    %add3A = arith.addf %get3A_1, %get3A_4 : vector<1264x128xf32>
    %get3A_5 = arith.constant 0 : index
    %get3A_6 = arith.constant 0 : index
    %get3A_7 = vector.load %arg5[%get3A_5, %get3A_6] : memref<128x128xf32, #tpu.memory_space<vmem>>, vector<128x128xf32>
    %dot_general3A = arith.constant dense<0.000000e+00> : vector<1264x128xf32>
    %dot_general3A_8 = tpu.matmul %add3A, %get3A_7, %dot_general3A {dimension_numbers = #tpu.dot_dimension_numbers<[1], [0], [0], [1], [0, 0, 1, 1], [], []>, transpose_lhs_hint = false} : vector<1264x128xf32>, vector<128x128xf32>, vector<1264x128xf32> -> vector<1264x128xf32>
    %get3A_9 = arith.constant 0 : index
    %get3A_10 = arith.constant 0 : index
    %get3A_11 = vector.load %arg3[%get3A_9, %get3A_10] : memref<1264x64xf32, #tpu.memory_space<vmem>>, vector<1264x64xf32>
    %get3A_12 = arith.constant 0 : index
    %get3A_13 = arith.constant 0 : index
    %get3A_14 = vector.load %arg4[%get3A_12, %get3A_13] : memref<1264x64xf32, #tpu.memory_space<vmem>>, vector<1264x64xf32>
    %concatenate3A = tpu.concatenate %get3A_11, %get3A_14 in 1 : vector<1264x64xf32>, vector<1264x64xf32> -> vector<1264x128xf32>
    %get3A_15 = arith.constant 0 : index
    %get3A_16 = arith.constant 0 : index
    %get3A_17 = vector.load %arg6[%get3A_15, %get3A_16] : memref<128x128xf32, #tpu.memory_space<vmem>>, vector<128x128xf32>
    %dot_general3A_18 = arith.constant dense<0.000000e+00> : vector<1264x128xf32>
    %dot_general3A_19 = tpu.matmul %concatenate3A, %get3A_17, %dot_general3A_18 {dimension_numbers = #tpu.dot_dimension_numbers<[1], [0], [0], [1], [0, 0, 1, 1], [], []>, transpose_lhs_hint = false} : vector<1264x128xf32>, vector<128x128xf32>, vector<1264x128xf32> -> vector<1264x128xf32>
    %get3A_20 = arith.constant 0 : index
    %get3A_21 = arith.constant 0 : index
    %get3A_22 = vector.load %arg7[%get3A_20, %get3A_21] : memref<128x128xf32, #tpu.memory_space<vmem>>, vector<128x128xf32>
    %dot_general3A_23 = arith.constant dense<0.000000e+00> : vector<1264x128xf32>
    %dot_general3A_24 = tpu.matmul %dot_general3A_8, %get3A_22, %dot_general3A_23 {dimension_numbers = #tpu.dot_dimension_numbers<[1], [0], [0], [1], [0, 0, 1, 1], [], []>, transpose_lhs_hint = false} : vector<1264x128xf32>, vector<128x128xf32>, vector<1264x128xf32> -> vector<1264x128xf32>
    %add3A_25 = arith.addf %dot_general3A_19, %dot_general3A_24 : vector<1264x128xf32>
    %get3A_26 = arith.constant 0 : index
    %get3A_27 = arith.constant 0 : index
    %get3A_28 = vector.load %arg8[%get3A_26, %get3A_27] : memref<1x128xf32, #tpu.memory_space<vmem>>, vector<1x128xf32>
    %add3A_29 = vector.broadcast %get3A_28 : vector<1x128xf32> to vector<1264x128xf32>
    %add3A_30 = arith.addf %add3A_25, %add3A_29 : vector<1264x128xf32>
    %max3A = arith.constant 0.000000e+00 : f32
    %max3A_31 = vector.broadcast %max3A : f32 to vector<1264x128xf32>
    %max3A_32 = arith.maximumf %add3A_30, %max3A_31 : vector<1264x128xf32>
    %get3A_33 = arith.constant 0 : index
    %get3A_34 = arith.constant 0 : index
    %get3A_35 = vector.load %arg9[%get3A_33, %get3A_34] : memref<128x64xf32, #tpu.memory_space<vmem>>, vector<128x64xf32>
    %dot_general3A_36 = arith.constant dense<0.000000e+00> : vector<1264x64xf32>
    %dot_general3A_37 = tpu.matmul %max3A_32, %get3A_35, %dot_general3A_36 {dimension_numbers = #tpu.dot_dimension_numbers<[1], [0], [0], [1], [0, 0, 1, 1], [], []>, transpose_lhs_hint = false} : vector<1264x128xf32>, vector<128x64xf32>, vector<1264x64xf32> -> vector<1264x64xf32>
    %get3A_38 = arith.constant 0 : index
    %get3A_39 = arith.constant 0 : index
    %get3A_40 = vector.load %arg10[%get3A_38, %get3A_39] : memref<1x64xf32, #tpu.memory_space<vmem>>, vector<1x64xf32>
    %add3A_41 = vector.broadcast %get3A_40 : vector<1x64xf32> to vector<1264x64xf32>
    %add3A_42 = arith.addf %dot_general3A_37, %add3A_41 : vector<1264x64xf32>
    %swap3A = arith.constant 0 : index
    %swap3A_43 = arith.constant 0 : index
    %swap3A_44 = vector.load %arg11[%swap3A, %swap3A_43] : memref<1264x64xf32, #tpu.memory_space<vmem>>, vector<1264x64xf32>
    tpu.vector_store %arg11[%swap3A, %swap3A_43], %add3A_42 {strides = array<i32>} : memref<1264x64xf32, #tpu.memory_space<vmem>>, vector<1264x64xf32>,
    return
  }
  func.func @transform_0(%arg0: i32) -> (i32, i32) {
    %c0_i32 = arith.constant 0 : i32
    %c0_i32_0 = arith.constant 0 : i32
    return %arg0, %c0_i32 : i32, i32
  }
  func.func @transform_1(%arg0: i32) -> (i32, i32) {
    %c0_i32 = arith.constant 0 : i32
    %c0_i32_0 = arith.constant 0 : i32
    return %arg0, %c0_i32 : i32, i32
  }
  func.func @transform_2(%arg0: i32) -> (i32, i32) {
    %c0_i32 = arith.constant 0 : i32
    %c0_i32_0 = arith.constant 0 : i32
    return %arg0, %c0_i32 : i32, i32
  }
  func.func @transform_3(%arg0: i32) -> (i32, i32) {
    %c0_i32 = arith.constant 0 : i32
    %c0_i32_0 = arith.constant 0 : i32
    return %arg0, %c0_i32 : i32, i32
  }
  func.func @transform_4(%arg0: i32) -> (i32, i32) {
    %c0_i32 = arith.constant 0 : i32
    %c0_i32_0 = arith.constant 0 : i32
    %c0_i32_1 = arith.constant 0 : i32
    return %c0_i32, %c0_i32_0 : i32, i32
  }
  func.func @transform_5(%arg0: i32) -> (i32, i32) {
    %c0_i32 = arith.constant 0 : i32
    %c0_i32_0 = arith.constant 0 : i32
    %c0_i32_1 = arith.constant 0 : i32
    return %c0_i32, %c0_i32_0 : i32, i32
  }
  func.func @transform_6(%arg0: i32) -> (i32, i32) {
    %c0_i32 = arith.constant 0 : i32
    %c0_i32_0 = arith.constant 0 : i32
    %c0_i32_1 = arith.constant 0 : i32
    return %c0_i32, %c0_i32_0 : i32, i32
  }
  func.func @transform_7(%arg0: i32) -> (i32, i32) {
    %c0_i32 = arith.constant 0 : i32
    %c0_i32_0 = arith.constant 0 : i32
    %c0_i32_1 = arith.constant 0 : i32
    return %c0_i32, %c0_i32_0 : i32, i32
  }
  func.func @transform_8(%arg0: i32) -> (i32, i32) {
    %c0_i32 = arith.constant 0 : i32
    %c0_i32_0 = arith.constant 0 : i32
    %c0_i32_1 = arith.constant 0 : i32
    return %c0_i32, %c0_i32_0 : i32, i32
  }
  func.func @transform_9(%arg0: i32) -> (i32, i32) {
    %c0_i32 = arith.constant 0 : i32
    %c0_i32_0 = arith.constant 0 : i32
    %c0_i32_1 = arith.constant 0 : i32
    return %c0_i32, %c0_i32_0 : i32, i32
  }
  func.func @transform_10(%arg0: i32) -> (i32, i32) {
    %c0_i32 = arith.constant 0 : i32
    %c0_i32_0 = arith.constant 0 : i32
    return %arg0, %c0_i32 : i32, i32
  }
}

</mosaic_0001>

<sc_bundles>
// kernel: kernel.5.cloned.1.call-start
scs
__scs_entry_jumppad:
0x0: {  	(pc) =	sbr.rel $0x88, $3  }
0x1: {  	(tag) =	ssettag $0x0;
	lr =	simm.s32 $0x1  }
0x2: {  	[smem:$0x3F97] =	sst lr;
	_ =	strace $0xD0000000  }
0x3: {  	_ = 	snop  }
0x4: {  	_ = 	snop  }
0x5: {  	_ = 	snop  }
0x6: {  	_ = 	snop  }
0x7: {  	_ = 	snop  }
__scs_overlays_trampoline_lowered:
0x8: {  	[smem:$0x3FA6] =	sst s0  }
0x9: {  	[smem:$0x3FA7] =	sst s1  }
0xa: {  	[smem:$0x3FA8] =	sst s2  }
0xb: {  	[smem:$0x3FA9] =	sst s3  }
0xc: {  	[smem:$0x3FAA] =	sst s4  }
0xd: {  	[smem:$0x3FAB] =	sst s5  }
0xe: {  	[smem:$0x3FAC] =	sst s6  }
0xf: {  	[smem:$0x3FAD] =	sst s7  }
0x10: {  	[smem:$0x3FAE] =	sst s8  }
0x11: {  	[smem:$0x3FAF] =	sst s9;
	s0 =	simm.s32 @!p0 $0x0  }
0x12: {  	s1 =	sld [smem:$0x3F95];
	s0 =	simm.s32 @p0 $0x1  }
0x13: {  	[smem:$0x3FB0] =	sst s0;
	s0 =	simm.s32 @!p1 $0x0  }
0x14: {  	s2 =	sld [smem:$0x3F94];
	s0 =	simm.s32 @p1 $0x1  }
0x15: {  	[smem:$0x3FB1] =	sst s0;
	s0 =	simm.s32 @!p2 $0x0  }
0x16: {  	s3 =	sld [smem:$0x3FDB];
	s0 =	simm.s32 @p2 $0x1  }
0x17: {  	s4 =	simm.s32 $0x1BF5;
	[smem:$0x3FB3] =	sst s0  }
0x18: {  	s0 =	sld [smem:$0x3F96];
	_ =	swait.ge [sflag:s4], $0x0  }
0x19: {  	s7 =	sld [smem:$0x3F97]  }
0x1a: {  	s8 =	sadd.s32 $0xFFFFE003, lr  }
0x1b: {  	s9 =	sadd.s32 $0xFFFFFEF7, lr;
	s5 =	simm.s32 $0xFFFFFFFF;
	p2 =	slt.u32 s8, $0xFFFFF086  }
0x1c: {  	p1 =	slt.u32 s9, $0xF7A;
	s5 =	simm.s32 @!p2 $0x0  }
0x1d: {  	s5 =	simm.s32 @p1 $0x1;
	p0 =	seq.s32 s7, s2  }
0x1e: {  	s7 =	smul.u32 @!p0 $0xF7A, s2;
	p2 =	seq.s32 @!p0 s5, $0x0  }
0x1f: {  	s9 =	smul.u32 $0xF7A, s1;
	s8 =	simm.s32 @!p0 $0x1BF5;
	p2 =	por !p2, p0  }
0x20: {  	[sflag:s8] =	ssyncset.s32 @!p0 $0xFFFFF086;
	s6 =	sadd.s32 @!p0 s3, s7;
	s7 =	simm.s32 @!p0 $0x108  }
0x21: {  	s3 =	sadd.s32 s3, s9;
	s6 =	sadd.s32 @!p0 $0x88, s6;
	s7 =	simm.s32 @p2 $0x1082  }
0x22: {  	[simem:s7], [sflag:s8] =	dma.local @!p0 [hbm:s6], $0xF7A  }
0x23: {  	s9 =	sor.u32 $0xD0000000, s2;
	s6 =	simm.s32 $0x108;
	_ =	swait.ge @!p0 [sflag:s8], $0x0  }
0x24: {  	s3 =	sadd.s32 $0x88, s3;
	s6 =	simm.s32 @!p1 $0x1082;
	[sflag:s4] =	ssyncset.s32 $0xFFFFF086  }
0x25: {  	[simem:s6], [sflag:s4] =	dma.local [hbm:s3], $0xF7A  }
0x26: {  	[smem:$0x3F97] =	sst s1;
	(tag) =	ssettag s2;
	_ =	strace s9  }
0x27: {  	s1 =	sld [smem:$0x3FA7]  }
0x28: {  	s2 =	sld [smem:$0x3FA8]  }
0x29: {  	s4 =	sld [smem:$0x3FAA]  }
0x2a: {  	p0 =	seq.s32 s5, $0x0;
	s5 =	sld [smem:$0x3FAB]  }
0x2b: {  	s6 =	sld [smem:$0x3FAC]  }
0x2c: {  	s7 =	sld [smem:$0x3FAD]  }
0x2d: {  	s3 =	simm.s32 $0x108;
	s8 =	sld [smem:$0x3FAE]  }
0x2e: {  	s3 =	simm.s32 @!p0 $0x1082;
	s9 =	sld [smem:$0x3FAF]  }
0x2f: {  	lr =	sadd.s32 s0, s3;
	s0 =	sld [smem:$0x3FA6]  }
0x30: {  	s3 =	sld [smem:$0x3FA9]  }
0x31: {  	[smem:$0x3FB2] =	sst s10  }
0x32: {  	s10 =	sld [smem:$0x3FB0];
	_ =	sdelay $0x3  }
0x33: {  	p0 =	seq.s32 s10, $0x1;
	s10 =	sld [smem:$0x3FB2];
	_ =	sdelay $0x3  }
0x34: {  	[smem:$0x3FB2] =	sst s10  }
0x35: {  	s10 =	sld [smem:$0x3FB1];
	_ =	sdelay $0x3  }
0x36: {  	p1 =	seq.s32 s10, $0x1;
	s10 =	sld [smem:$0x3FB2];
	_ =	sdelay $0x3  }
0x37: {  	[smem:$0x3FB2] =	sst s10  }
0x38: {  	s10 =	sld [smem:$0x3FB3]  }
0x39: {  	_ = 	snop;
	(pc) =	sbr.ind lr, $3  }
0x3a: {  	_ = 	snop  }
0x3b: {  	_ = 	snop  }
0x3c: {  	p2 =	seq.s32 s10, $0x1;
	s10 =	sld [smem:$0x3FB2]  }
0x3d: {  	_ =	shalt  }
0x3e: {  	_ =	shalt  }
0x3f: {  	_ =	shalt  }
0x40: {  	_ =	shalt  }
0x41: {  	_ =	shalt  }
0x42: {  	_ =	shalt  }
0x43: {  	_ =	shalt  }
0x44: {  	_ =	shalt  }
0x45: {  	_ =	shalt  }
0x46: {  	_ =	shalt  }
0x47: {  	_ =	shalt  }
0x48: {  	_ =	shalt  }
0x49: {  	_ =	shalt  }
0x4a: {  	_ =	shalt  }
0x4b: {  	_ =	shalt  }
0x4c: {  	_ =	shalt  }
0x4d: {  	_ =	shalt  }
0x4e: {  	_ =	shalt  }
0x4f: {  	_ =	shalt  }
0x50: {  	_ =	shalt  }
0x51: {  	_ =	shalt  }
0x52: {  	_ =	shalt  }
0x53: {  	_ =	shalt  }
0x54: {  	_ =	shalt  }
0x55: {  	_ =	shalt  }
0x56: {  	_ =	shalt  }
0x57: {  	_ =	shalt  }
0x58: {  	_ =	shalt  }
0x59: {  	_ =	shalt  }
0x5a: {  	_ =	shalt  }
0x5b: {  	_ =	shalt  }
0x5c: {  	_ =	shalt  }
0x5d: {  	_ =	shalt  }
0x5e: {  	_ =	shalt  }
0x5f: {  	_ =	shalt  }
0x60: {  	_ =	shalt  }
0x61: {  	_ =	shalt  }
0x62: {  	_ =	shalt  }
0x63: {  	_ =	shalt  }
0x64: {  	_ =	shalt  }
0x65: {  	_ =	shalt  }
0x66: {  	_ =	shalt  }
0x67: {  	_ =	shalt  }
0x68: {  	_ =	shalt  }
0x69: {  	_ =	shalt  }
0x6a: {  	_ =	shalt  }
0x6b: {  	_ =	shalt  }
0x6c: {  	_ =	shalt  }
0x6d: {  	_ =	shalt  }
0x6e: {  	_ =	shalt  }
0x6f: {  	_ =	shalt  }
0x70: {  	_ =	shalt  }
0x71: {  	_ =	shalt  }
0x72: {  	_ =	shalt  }
0x73: {  	_ =	shalt  }
0x74: {  	_ =	shalt  }
0x75: {  	_ =	shalt  }
0x76: {  	_ =	shalt  }
0x77: {  	_ =	shalt  }
0x78: {  	_ =	shalt  }
0x79: {  	_ =	shalt  }
0x7a: {  	_ =	shalt  }
0x7b: {  	_ =	shalt  }
0x7c: {  	_ =	shalt  }
0x7d: {  	_ =	shalt  }
0x7e: {  	_ =	shalt  }
0x7f: {  	_ =	shalt  }
0x80: {  	_ =	shalt  }
0x81: {  	_ =	shalt  }
0x82: {  	_ =	shalt  }
0x83: {  	_ =	shalt  }
0x84: {  	_ =	shalt  }
0x85: {  	_ =	shalt  }
0x86: {  	_ =	shalt  }
0x87: {  	_ =	shalt  }
.Lfunc_end0:
.L_simem_size_0:
called_computation_lowered:
.L_overlay_start_0:
0x88: {  	s2 =	sld [smem:$0x3FD9]  }
0x89: {  	s3 =	sld [smem:$0x3FFE];
	_ =	sdelay $0x1  }
0x8a: {  	s1 =	srdreg.scid  }
0x8b: {  	s0 =	sand.u32 $0x1, s1  }
0x8c: {  	s16 =	sshll.u32 s0, $0xA;
	s2 =	sadd.s32 s3, s2  }
0x8d: {  	s2 =	sadd.s32 s2, s16  }
0x8e: {  	[smem:$0x3FBE] =	sst s2  }
0x8f: {  	_ = 	snop  }
0x90: {  	(tm) =	ssettm $0x1  }
0x91: {  	s17 =	sld [smem:$0x3FFB];
	_ =	sdelay $0x3  }
0x92: {  	_ =	strace s17  }
0x93: {  	s2 =	sld [smem:$0x3FFC];
	_ =	sdelay $0x3  }
0x94: {  	_ =	strace s2  }
0x95: {  	s2 =	sld [smem:$0x3FFD];
	_ =	sdelay $0x3  }
0x96: {  	_ =	strace s2  }
0x97: {  	_ =	strace $0x8FFFFFFF  }
0x98: {  	s18 =	sld [smem:$0x3FDB];
	_ =	sdelay $0x1  }
0x99: {  	s19 =	simm.s32 $_scs_section_size  }
0x9a: {  	s4 =	simm.s32 $_size__tile_overlayer_lowered;
	s5 =	simm.s32 $_tile_overlayer_lowered  }
0x9b: {  	s22 =	simm.s32 $0x1BFF;
	s21 =	sshll.u32 s5, $0x1;
	s2 =	sadd.s32 s19, s18  }
0x9c: {  	s6 =	simm.s32 $0x0;
	s20 =	sshll.u32 s4, $0x1;
	s4 =	sadd.s32 s21, s2  }
0x9d: {  	[timem:s6], [sflag:s22] =	dma.local [hbm:s4], s20  }
0x9e: {  	_ =	swait.ge [sflag:s22], s20  }
0x9f: {  	s3 =	ssub.s32 $0x0, s20;
	[sflag:s22] =	ssyncset.done $0x0  }
0xa0: {  	[sflag:s22] =	ssyncadd.s32 s3;
	_ =	sdelay $0x1  }
0xa1: {  	s23 =	simm.s32 $0x1B8B  }
0xa2: {  	_ =	swait.ge [sflag:s23], $0x1  }
0xa3: {  	[sflag:s23] =	ssyncset.done $0x0  }
0xa4: {  	s25 =	simm.s32 $0x1B8E;
	s24 =	sld [smem:$0x3FFE];
	[sflag:s23] =	ssyncadd.s32 $0xFFFFFFFF  }
0xa5: {  	s26 =	simm.s32 $execute0_lowered;
	[smem:$0x3FD2] =	sst s25  }
0xa6: {  	s4 =	sshll.u32 s26, $0x1;
	_ =	strace $0x80000046;
	[dreg:$0x1] =	wrdreg $0xFFFFFFFF  }
0xa7: {  	s28 =	simm.s32 $_size_execute0_lowered;
	s2 =	sadd.s32 s2, s4;
	[dreg:$0x0] =	wrdreg $0x0  }
0xa8: {  	s4 =	sshll.u32 s28, $0x1;
	[dreg:$0x2] =	wrdreg s2  }
0xa9: {  	[dreg:$0x3] =	wrdreg s4  }
0xaa: {  	[dreg:$0x4] =	wrdreg $0xC0  }
0xab: {  	_ =	task [dreg:s6], $0x5FFFF  }
0xac: {  	[dreg:$0x1] =	wrdreg $0xFFFFFFFF  }
0xad: {  	[dreg:$0x0] =	wrdreg $0x60  }
0xae: {  	[dreg:$0x2] =	wrdreg s24  }
0xaf: {  	[dreg:$0x3] =	wrdreg $0xAC800  }
0xb0: {  	[dreg:$0x4] =	wrdreg $0x9  }
0xb1: {  	_ =	task.clear_ibuf [dreg:s6], $0x5FFFF;
	_ =	strace $0x90000046  }
0xb2: {  	s29 =	simm.s32 $0x9;
	_ =	strace $0x80000048  }
0xb3: {  	_ =	swait.ge [sflag:s29], $0x1  }
0xb4: {  	[sflag:s29] =	ssyncadd.s32 $0xFFFFFFFF  }
0xb5: {  	_ =	strace $0x90000048  }
0xb6: {  	_ =	sfence  }
0xb7: {  	s30 =	sld [smem:$0x0];
	_ =	sdelay $0x2  }
0xb8: {  	s31 =	sshll.u32 s1, $0xD;
	s1 =	sshrl.u32 s1, $0x2  }
0xb9: {  	s3 =	sand.u32 $0x4000, s31;
	s1 =	sadd.s32 s1, s30  }
0xba: {  	s0 =	sor.u32 s3, s0;
	s1 =	sshll.u32 s1, $0x11  }
0xbb: {  	s0 =	sor.u32 s1, s0  }
0xbc: {  	s0 =	sadd.s32 $0x8F2B, s0  }
0xbd: {  	[sflag:s0] =	ssyncadd.remote.s32 $0x1  }
0xbe: {  	_ =	sfence.sel $0xFFFF  }
0xbf: {  	[dreg:$0x0] =	wrdreg $0xFFFFFFFF;
	(pc) =	sbr.abs _section_cstart, $3  }
0xc0: {  	[dreg:$0x1] =	wrdreg $0xFFFFFFFF  }
0xc1: {  	_ =	task.clear_ibuf [dreg:s6], $0x2FFFF;
	_ =	strace $0x9FFFFFFF  }
0xc2: {  	(tm) =	ssettm $0x7FFFFFFF  }
0xc3: {  	_ =	shalt  }
tec
execute0_lowered:
.L_overlay_start_1:
0x0: {  	(tag) =	ssettag $0x1  }
0x1: {  	s0 =	rddreg [dreg:$0x0]  }
0x2: {  	s1 =	rddreg [dreg:$0x1];
	s3 =	simm.s32 $0x0  }
0x3: {  	s11 =	stileid.u32;
	s2 =	srdreg.scid;
	s18 =	simm.s32 $0xA  }
0x4: {  	s20 =	simm.s32 $0x200;
	s28 =	simm.s32 $0x3C80;
	s31 =	simm.s32 $0x4  }
0x5: {  	s29 =	simm.s32 $0x300;
	s30 =	simm.s32 $0x5;
	s19 =	simm.s32 $0x380  }
0x6: {  	[smem:$0x7FF] =	sst s3;
	s7 =	smul.u32 $0x2780, s11;
	s2 =	sand.u32 $0x1, s2  }
0x7: {  	s5 =	sshll.u32 s11, $0x1;
	s4 =	sadd.s32 $0x7E400, s0;
	s8 =	smul.u32 $0x4F000, s11  }
0x8: {  	s11 =	sshll.u32 s11, $0x6;
	_ =	strace $0x80000047;
	s6 =	sor.u32 s2, s5  }
0x9: {  	s5 =	sadd.s32 $0x56C00, s0;
	s9 =	ssub.s32 $0x2, s2;
	p0 =	seq.s32 s2, $0x1  }
0xa: {  	s2 =	simm.s32 $0xF4C00;
	s10 =	smul.u32 $0xB400, s6;
	s6 =	sadd.s32 $0x29C00, s0  }
0xb: {  	s0 =	sadd.s32 s7, s0;
	s22 =	sshrl.u32 s9, $0x1;
	s8 =	sshrl.u32 s8, $0x2  }
0xc: {  	s2 =	simm.s32 @!p0 $0xCD400;
	s7 =	ssub.s32 s9, s22;
	s8 =	sadd.s32 s8, s1  }
0xd: {  	s24 =	sadd.s32 $0xA5C00, s0;
	s9 =	sor.u32 $0x1C0A, s11;
	s0 =	sadd.s32 s2, s0  }
0xe: {  	s22 =	simm.s32 $0x38;
	s2 =	simm.s32 $0x7480;
	s23 =	sshrl.u32 s10, $0x3  }
0xf: {  	[dreg:$0x4] =	wrdreg s24;
	s13 =	sadd.s32 $0x400, s10;
	s14 =	sadd.s32 $0x500, s10  }
0x10: {  	s7 =	smax.u32 s7, $0x1;
	[dreg:$0x8] =	wrdreg s0;
	s17 =	sshrl.u32 s8, $0x3  }
0x11: {  	s0 =	simm.s32 $0x3;
	s24 =	simm.s32 $0x280;
	s8 =	simm.s32 $0x6  }
0x12: {  	s12 =	sadd.s32 s6, s23;
	[dreg:$0x7] =	wrdreg s7;
	s23 =	simm.s32 $0x480  }
0x13: {  	s7 =	simm.s32 $0x0;
	s25 =	sadd.s32 $0x20, s12;
	[dreg:$0x3] =	wrdreg s12  }
0x14: {  	s26 =	sadd.s32 $0x40, s12;
	s12 =	sor.u32 $0x300, s10;
	[dreg:$0x5] =	wrdreg s25  }
0x15: {  	s10 =	simm.s32 $0x400;
	[dreg:$0x6] =	wrdreg s26;
	s25 =	simm.s32 $0x9080  }
.LBB2_1:
0x16: {  	s11 =	rddreg [dreg:$0x4]  }
0x17: {  	[spmem:s17], [sflag:s9] =	dma.local [hbm:s11], $0x2780  }
0x18: {  	_ =	swait.ge [sflag:s18], $0x2780  }
0x19: {  	[sflag:s18] =	ssyncset.done $0x0  }
0x1a: {  	[sflag:s18] =	ssyncadd.s32 $0xFFFFD880  }
0x1b: {  	[bflag:$0x0] =	sbarrier.arrive $0xFFFF  }
0x1c: {  	s21 =	rddreg [dreg:$0x3]  }
0x1d: {  	[tilespmem:s3], [sflag:$0x1] =	stream.linear.gather [hbm4b:s21+s3], $0x100, $0x38;
	[tilespmem:$0x1E880] =	vst v63  }
0x1e: {  	s15 =	simm.s32 $0x100;
	s26 =	rddreg [dreg:$0x5]  }
0x1f: {  	[tilespmem:s15], [sflag:$0x2] =	stream.linear.gather [hbm4b:s26+s3], $0x100, $0x38;
	[tilespmem:$0x1E880] =	vst v63  }
0x20: {  	s16 =	rddreg [dreg:$0x6];
	s21 =	simm.s32 $0x1  }
0x21: {  	[tilespmem:s20], [sflag:$0x3] =	stream.linear.gather [hbm4b:s16+s3], $0x100, $0x38;
	[tilespmem:$0x1E880] =	vst v63  }
0x22: {  	_ =	swait.ge [sflag:s21], $0x100  }
0x23: {  	[sflag:s21] =	ssyncset.done $0x0  }
0x24: {  	[sflag:s21] =	ssyncadd.s32 $0xFFFFFF00  }
0x25: {  	[tilespmem:s23], [sflag:$0x4] =	stream.indirect.gather [hbm4b:s4+s22], $0x80, s3, s22, $0xb8;
	[tilespmem:$0x1E880] =	vst v63  }
0x26: {  	s26 =	simm.s32 $0x80;
	s16 =	simm.s32 $0x2080  }
0x27: {  	[tilespmem:s16], [sflag:$0x4] =	stream.indirect.gather [hbm4b:s5+s22], $0x80, s26, s22, $0xb8;
	[tilespmem:$0x1E880] =	vst v63  }
0x28: {  	s16 =	simm.s32 $0x2  }
0x29: {  	_ =	swait.ge [sflag:s16], $0x100  }
0x2a: {  	[sflag:s16] =	ssyncset.done $0x0  }
0x2b: {  	[sflag:s16] =	ssyncadd.s32 $0xFFFFFF00  }
0x2c: {  	[tilespmem:s28], [sflag:$0x5] =	stream.indirect.gather [hbm4b:s4+s22], $0x80, s15, s22, $0xb8;
	[tilespmem:$0x1E880] =	vst v63  }
0x2d: {  	s21 =	simm.s32 $0x180;
	s26 =	simm.s32 $0x5880  }
0x2e: {  	[tilespmem:s26], [sflag:$0x5] =	stream.indirect.gather [hbm4b:s5+s22], $0x80, s21, s22, $0xb8;
	[tilespmem:$0x1E880] =	vst v63  }
0x2f: {  	s21 =	simm.s32 $0x0  }
.LBB2_2:
0x30: {  	_ =	swait.ge [sflag:s31], $0x1C00  }
0x31: {  	[sflag:s31] =	ssyncset.done $0x0  }
0x32: {  	[sflag:s31] =	ssyncadd.s32 $0xFFFFE400  }
0x33: {  	_ =	swait.ge [sflag:s31], $0x1C00  }
0x34: {  	[sflag:s31] =	ssyncset.done $0x0  }
0x35: {  	[sflag:s31] =	ssyncadd.s32 $0xFFFFE400  }
0x36: {  	v0 =	vld [tilespmem:$0x0]  }
0x37: {  	v1 =	vld [tilespmem:$0x10]  }
0x38: {  	v2 =	vld [tilespmem:$0x20]  }
0x39: {  	p0 =	seq.s32 s21, $0x3B;
	v3 =	vld [tilespmem:$0x28]  }
0x3a: {  	s26 =	smul.u32 @!p0 $0x300, s21  }
0x3b: {  	[tilespmem:$0x300] =	vst v0  }
0x3c: {  	s11 =	sadd.s32 @!p0 s26, s12;
	[tilespmem:$0x310] =	vst v1  }
0x3d: {  	s11 =	sshrl.u32 @!p0 s11, $0x3;
	[tilespmem:$0x320] =	vst v2  }
0x3e: {  	s15 =	simm.s32 @!p0 $0x0;
	s11 =	sadd.s32 @!p0 s6, s11;
	[tilespmem:$0x328] =	vst v3  }
0x3f: {  	[tilespmem:s15], [sflag:$0x1] =	stream.linear.gather @!p0 [hbm4b:s11+s15], $0x100, $0x38;
	[tilespmem:$0x1E880] =	vst v63  }
0x40: {  	_ =	swait.ge [sflag:s0], $0x100  }
0x41: {  	p1 =	seq.s32 s21, $0x0;
	[sflag:s0] =	ssyncset.done $0x0  }
0x42: {  	s11 =	simm.s32 @!p1 $0x9;
	[sflag:s0] =	ssyncadd.s32 $0xFFFFFF00  }
0x43: {  	_ =	swait.ge @!p1 [sflag:s11], $0x1C00  }
0x44: {  	[sflag:s11] =	ssyncset.done @!p1 $0x0  }
0x45: {  	[sflag:s11] =	ssyncadd.s32 @!p1 $0xFFFFE400  }
0x46: {  	[tilespmem:s2], [sflag:$0x6] =	stream.indirect.gather [hbm4b:s4+s22], $0x80, s20, s22, $0xb8;
	[tilespmem:$0x1E880] =	vst v63  }
0x47: {  	s11 =	simm.s32 $0x0  }
0x48: {  	[tilespmem:s25], [sflag:$0x6] =	stream.indirect.gather [hbm4b:s5+s22], $0x80, s24, s22, $0xb8;
	[tilespmem:$0x1E880] =	vst v63  }
0x49: {  	v6 =	vld [tilespmem:s11+$0x2080]  }
0x4a: {  	v7 =	vld [tilespmem:s11+$0x2090]  }
0x4b: {  	v8 =	vld [tilespmem:s11+$0x20A0]  }
0x4c: {  	v9 =	vld [tilespmem:s11+$0x20B0]  }
0x4d: {  	v10 =	vld [tilespmem:s11+$0x20C0]  }
0x4e: {  	v11 =	vld [tilespmem:s11+$0x20D0]  }
0x4f: {  	v12 =	vld [tilespmem:s11+$0x20E0]  }
0x50: {  	v13 =	vld [tilespmem:s11+$0x20F0]  }
0x51: {  	v14 =	vld [tilespmem:s11+$0x2100]  }
0x52: {  	v15 =	vld [tilespmem:s11+$0x2110]  }
0x53: {  	v16 =	vld [tilespmem:s11+$0x2120]  }
0x54: {  	v17 =	vld [tilespmem:s11+$0x2130]  }
0x55: {  	v18 =	vld [tilespmem:s11+$0x2140]  }
0x56: {  	v19 =	vld [tilespmem:s11+$0x2150]  }
0x57: {  	v20 =	vld [tilespmem:s11+$0x2160]  }
0x58: {  	v21 =	vld [tilespmem:s11+$0x2170]  }
0x59: {  	v22 =	vld [tilespmem:s11+$0x2180]  }
0x5a: {  	v23 =	vld [tilespmem:s11+$0x2190]  }
0x5b: {  	v24 =	vld [tilespmem:s11+$0x21A0]  }
0x5c: {  	v25 =	vld [tilespmem:s11+$0x21B0]  }
0x5d: {  	v26 =	vld [tilespmem:s11+$0x21C0]  }
0x5e: {  	v32 =	vld [tilespmem:s11+$0x480]  }
0x5f: {  	v27 =	vld [tilespmem:s11+$0x21D0]  }
0x60: {  	v33 =	vld [tilespmem:s11+$0x490]  }
0x61: {  	v34 =	vld [tilespmem:s11+$0x4A0]  }
0x62: {  	v28 =	vld [tilespmem:s11+$0x21E0]  }
0x63: {  	v35 =	vld [tilespmem:s11+$0x4B0];
	v6 =	vadd.f32 v6, v32  }
0x64: {  	v36 =	vld [tilespmem:s11+$0x4C0]  }
0x65: {  	v29 =	vld [tilespmem:s11+$0x21F0];
	v7 =	vadd.f32 v7, v33;
	v6 =	vmax.f32 v6, $0.0e+00  }
0x66: {  	v62 =	vld [tilespmem:s11+$0x4D0];
	[tilespmem:s11+$0x480] =	vst v6;
	v6 =	vadd.f32 v8, v34  }
0x67: {  	v37 =	vld [tilespmem:s11+$0x4E0];
	v7 =	vmax.f32 v7, $0.0e+00  }
0x68: {  	v30 =	vld [tilespmem:s11+$0x2200];
	[tilespmem:s11+$0x490] =	vst v7;
	v7 =	vadd.f32 v9, v35;
	v6 =	vmax.f32 v6, $0.0e+00  }
0x69: {  	v63 =	vld [tilespmem:s11+$0x4F0];
	[tilespmem:s11+$0x4A0] =	vst v6;
	v6 =	vadd.f32 v10, v36  }
0x6a: {  	v8 =	vld [tilespmem:s11+$0x500];
	v7 =	vmax.f32 v7, $0.0e+00  }
0x6b: {  	v31 =	vld [tilespmem:s11+$0x2210];
	[tilespmem:s11+$0x4B0] =	vst v7;
	v7 =	vadd.f32 v11, v62;
	v6 =	vmax.f32 v6, $0.0e+00  }
0x6c: {  	v9 =	vld [tilespmem:s11+$0x510];
	[tilespmem:s11+$0x4C0] =	vst v6;
	v6 =	vadd.f32 v12, v37  }
0x6d: {  	v10 =	vld [tilespmem:s11+$0x520];
	v7 =	vmax.f32 v7, $0.0e+00  }
0x6e: {  	v5 =	vld [tilespmem:s11+$0x2220];
	[tilespmem:s11+$0x4D0] =	vst v7;
	v7 =	vadd.f32 v13, v63;
	v6 =	vmax.f32 v6, $0.0e+00  }
0x6f: {  	v11 =	vld [tilespmem:s11+$0x530];
	[tilespmem:s11+$0x4E0] =	vst v6;
	v6 =	vadd.f32 v14, v8  }
0x70: {  	v12 =	vld [tilespmem:s11+$0x540];
	v7 =	vmax.f32 v7, $0.0e+00  }
0x71: {  	v4 =	vld [tilespmem:s11+$0x2230];
	[tilespmem:s11+$0x4F0] =	vst v7;
	v7 =	vadd.f32 v15, v9;
	v6 =	vmax.f32 v6, $0.0e+00  }
0x72: {  	v13 =	vld [tilespmem:s11+$0x550];
	[tilespmem:s11+$0x500] =	vst v6;
	v6 =	vadd.f32 v16, v10  }
0x73: {  	v8 =	vld [tilespmem:s11+$0x560];
	v7 =	vmax.f32 v7, $0.0e+00  }
0x74: {  	v3 =	vld [tilespmem:s11+$0x2240];
	[tilespmem:s11+$0x510] =	vst v7;
	v7 =	vadd.f32 v17, v11;
	v6 =	vmax.f32 v6, $0.0e+00  }
0x75: {  	v9 =	vld [tilespmem:s11+$0x570];
	[tilespmem:s11+$0x520] =	vst v6;
	v6 =	vadd.f32 v18, v12  }
0x76: {  	v10 =	vld [tilespmem:s11+$0x580];
	v7 =	vmax.f32 v7, $0.0e+00  }
0x77: {  	v2 =	vld [tilespmem:s11+$0x2250];
	[tilespmem:s11+$0x530] =	vst v7;
	v7 =	vadd.f32 v19, v13;
	v6 =	vmax.f32 v6, $0.0e+00  }
0x78: {  	v11 =	vld [tilespmem:s11+$0x590];
	[tilespmem:s11+$0x540] =	vst v6;
	v6 =	vadd.f32 v20, v8  }
0x79: {  	v12 =	vld [tilespmem:s11+$0x5A0];
	v7 =	vmax.f32 v7, $0.0e+00  }
0x7a: {  	v1 =	vld [tilespmem:s11+$0x2260];
	[tilespmem:s11+$0x550] =	vst v7;
	v7 =	vadd.f32 v21, v9;
	v6 =	vmax.f32 v6, $0.0e+00  }
0x7b: {  	v13 =	vld [tilespmem:s11+$0x5B0];
	[tilespmem:s11+$0x560] =	vst v6;
	v6 =	vadd.f32 v22, v10  }
0x7c: {  	v8 =	vld [tilespmem:s11+$0x5C0];
	v7 =	vmax.f32 v7, $0.0e+00  }
0x7d: {  	v0 =	vld [tilespmem:s11+$0x2270];
	[tilespmem:s11+$0x570] =	vst v7;
	v7 =	vadd.f32 v23, v11;
	v6 =	vmax.f32 v6, $0.0e+00  }
0x7e: {  	v9 =	vld [tilespmem:s11+$0x5D0];
	[tilespmem:s11+$0x580] =	vst v6;
	v6 =	vadd.f32 v24, v12  }
0x7f: {  	v14 =	vld [tilespmem:s11+$0x5E0];
	v7 =	vmax.f32 v7, $0.0e+00  }
0x80: {  	v11 =	vld [tilespmem:s11+$0x5F0];
	[tilespmem:s11+$0x590] =	vst v7;
	v7 =	vadd.f32 v25, v13;
	v6 =	vmax.f32 v6, $0.0e+00  }
0x81: {  	v12 =	vld [tilespmem:s11+$0x600];
	[tilespmem:s11+$0x5A0] =	vst v6;
	v6 =	vadd.f32 v26, v8  }
0x82: {  	v15 =	vld [tilespmem:s11+$0x610];
	v7 =	vmax.f32 v7, $0.0e+00  }
0x83: {  	v10 =	vld [tilespmem:s11+$0x620];
	[tilespmem:s11+$0x5B0] =	vst v7;
	v7 =	vadd.f32 v27, v9;
	v6 =	vmax.f32 v6, $0.0e+00  }
0x84: {  	v9 =	vld [tilespmem:s11+$0x630];
	[tilespmem:s11+$0x5C0] =	vst v6;
	v6 =	vadd.f32 v28, v14  }
0x85: {  	v11 =	vadd.f32 v29, v11;
	v8 =	vld [tilespmem:s11+$0x640];
	v7 =	vmax.f32 v7, $0.0e+00  }
0x86: {  	v12 =	vadd.f32 v30, v12;
	[tilespmem:s11+$0x5D0] =	vst v7;
	v7 =	vld [tilespmem:s11+$0x650];
	v6 =	vmax.f32 v6, $0.0e+00  }
0x87: {  	s15 =	simm.s32 $0x800;
	v13 =	vmax.f32 v11, $0.0e+00;
	v11 =	vadd.f32 v31, v15;
	[tilespmem:s11+$0x5E0] =	vst v6;
	v6 =	vld [tilespmem:s11+$0x660]  }
.LBB2_3:
0x88: {  	s16 =	sshra.s32 s15, $0x2;
	p1 =	sne.s32 s15, $0x6800;
	[tilespmem:s11+$0x5F0] =	vst v13;
	v12 =	vmax.f32 v12, $0.0e+00;
	v5 =	vadd.f32 v5, v10;
	v10 =	vld [tilespmem:s11+$0x670]  }
0x89: {  	v13 =	vld [tilespmem:s16+$0x2080];
	[tilespmem:s11+$0x600] =	vst v12;
	v11 =	vmax.f32 v11, $0.0e+00;
	v4 =	vadd.f32 v4, v9  }
0x8a: {  	v12 =	vld [tilespmem:s16+$0x2090];
	[tilespmem:s11+$0x610] =	vst v11;
	v5 =	vmax.f32 v5, $0.0e+00;
	v3 =	vadd.f32 v3, v8  }
0x8b: {  	v14 =	vld [tilespmem:s16+$0x20A0];
	[tilespmem:s11+$0x620] =	vst v5;
	v4 =	vmax.f32 v4, $0.0e+00;
	v2 =	vadd.f32 v2, v7  }
0x8c: {  	v15 =	vld [tilespmem:s16+$0x20B0];
	[tilespmem:s11+$0x630] =	vst v4;
	v3 =	vmax.f32 v3, $0.0e+00;
	v1 =	vadd.f32 v1, v6  }
0x8d: {  	v16 =	vld [tilespmem:s16+$0x20C0];
	[tilespmem:s11+$0x640] =	vst v3;
	v2 =	vmax.f32 v2, $0.0e+00;
	v0 =	vadd.f32 v0, v10  }
0x8e: {  	v17 =	vld [tilespmem:s16+$0x20D0];
	[tilespmem:s11+$0x650] =	vst v2;
	v1 =	vmax.f32 v1, $0.0e+00  }
0x8f: {  	v18 =	vld [tilespmem:s16+$0x20E0];
	[tilespmem:s11+$0x660] =	vst v1;
	v0 =	vmax.f32 v0, $0.0e+00  }
0x90: {  	v19 =	vld [tilespmem:s16+$0x20F0];
	[tilespmem:s11+$0x670] =	vst v0;
	s11 =	smov.u32 s16  }
0x91: {  	v20 =	vld [tilespmem:s11+$0x2100]  }
0x92: {  	v21 =	vld [tilespmem:s11+$0x2110]  }
0x93: {  	v22 =	vld [tilespmem:s11+$0x2120]  }
0x94: {  	v23 =	vld [tilespmem:s11+$0x2130]  }
0x95: {  	v24 =	vld [tilespmem:s11+$0x2140]  }
0x96: {  	v25 =	vld [tilespmem:s11+$0x2150]  }
0x97: {  	v26 =	vld [tilespmem:s11+$0x2160]  }
0x98: {  	v27 =	vld [tilespmem:s11+$0x2170]  }
0x99: {  	v28 =	vld [tilespmem:s11+$0x2180]  }
0x9a: {  	v29 =	vld [tilespmem:s11+$0x2190]  }
0x9b: {  	v30 =	vld [tilespmem:s11+$0x21A0]  }
0x9c: {  	v31 =	vld [tilespmem:s11+$0x21B0]  }
0x9d: {  	v11 =	vld [tilespmem:s11+$0x21C0]  }
0x9e: {  	v10 =	vld [tilespmem:s11+$0x21D0]  }
0x9f: {  	v9 =	vld [tilespmem:s11+$0x21E0]  }
0xa0: {  	v8 =	vld [tilespmem:s11+$0x21F0]  }
0xa1: {  	v7 =	vld [tilespmem:s11+$0x2200]  }
0xa2: {  	v6 =	vld [tilespmem:s11+$0x2210]  }
0xa3: {  	v5 =	vld [tilespmem:s11+$0x2220]  }
0xa4: {  	v4 =	vld [tilespmem:s11+$0x2230]  }
0xa5: {  	v3 =	vld [tilespmem:s11+$0x2240]  }
0xa6: {  	v2 =	vld [tilespmem:s11+$0x2250]  }
0xa7: {  	v1 =	vld [tilespmem:s11+$0x2260]  }
0xa8: {  	v0 =	vld [tilespmem:s11+$0x2270]  }
0xa9: {  	v32 =	vld [tilespmem:s11+$0x480]  }
0xaa: {  	v33 =	vld [tilespmem:s11+$0x490]  }
0xab: {  	v34 =	vld [tilespmem:s11+$0x4A0]  }
0xac: {  	v35 =	vld [tilespmem:s11+$0x4B0]  }
0xad: {  	v36 =	vld [tilespmem:s11+$0x4C0]  }
0xae: {  	v13 =	vadd.f32 v13, v32;
	v32 =	vld [tilespmem:s11+$0x4D0]  }
0xaf: {  	v12 =	vadd.f32 v12, v33;
	v33 =	vld [tilespmem:s11+$0x4E0]  }
0xb0: {  	v13 =	vmax.f32 v13, $0.0e+00;
	v14 =	vadd.f32 v14, v34;
	v34 =	vld [tilespmem:s11+$0x4F0]  }
0xb1: {  	[tilespmem:s11+$0x480] =	vst v13;
	v12 =	vmax.f32 v12, $0.0e+00;
	v13 =	vadd.f32 v15, v35;
	v15 =	vld [tilespmem:s11+$0x500]  }
0xb2: {  	[tilespmem:s11+$0x490] =	vst v12;
	v12 =	vmax.f32 v14, $0.0e+00;
	v14 =	vadd.f32 v16, v36;
	v16 =	vld [tilespmem:s11+$0x510]  }
0xb3: {  	[tilespmem:s11+$0x4A0] =	vst v12;
	v12 =	vmax.f32 v13, $0.0e+00;
	v13 =	vadd.f32 v17, v32;
	v17 =	vld [tilespmem:s11+$0x520]  }
0xb4: {  	[tilespmem:s11+$0x4B0] =	vst v12;
	v12 =	vmax.f32 v14, $0.0e+00;
	v14 =	vadd.f32 v18, v33;
	v18 =	vld [tilespmem:s11+$0x530]  }
0xb5: {  	[tilespmem:s11+$0x4C0] =	vst v12;
	v12 =	vmax.f32 v13, $0.0e+00;
	v13 =	vadd.f32 v19, v34;
	v19 =	vld [tilespmem:s11+$0x540]  }
0xb6: {  	[tilespmem:s11+$0x4D0] =	vst v12;
	v12 =	vmax.f32 v14, $0.0e+00;
	v14 =	vadd.f32 v20, v15;
	v15 =	vld [tilespmem:s11+$0x550]  }
0xb7: {  	[tilespmem:s11+$0x4E0] =	vst v12;
	v12 =	vmax.f32 v13, $0.0e+00;
	v13 =	vadd.f32 v21, v16;
	v16 =	vld [tilespmem:s11+$0x560]  }
0xb8: {  	[tilespmem:s11+$0x4F0] =	vst v12;
	v12 =	vmax.f32 v14, $0.0e+00;
	v14 =	vadd.f32 v22, v17;
	v17 =	vld [tilespmem:s11+$0x570]  }
0xb9: {  	[tilespmem:s11+$0x500] =	vst v12;
	v12 =	vmax.f32 v13, $0.0e+00;
	v13 =	vadd.f32 v23, v18;
	v18 =	vld [tilespmem:s11+$0x580]  }
0xba: {  	[tilespmem:s11+$0x510] =	vst v12;
	v12 =	vmax.f32 v14, $0.0e+00;
	v14 =	vadd.f32 v24, v19;
	v19 =	vld [tilespmem:s11+$0x590]  }
0xbb: {  	[tilespmem:s11+$0x520] =	vst v12;
	v12 =	vmax.f32 v13, $0.0e+00;
	v13 =	vadd.f32 v25, v15;
	v15 =	vld [tilespmem:s11+$0x5A0]  }
0xbc: {  	[tilespmem:s11+$0x530] =	vst v12;
	v12 =	vmax.f32 v14, $0.0e+00;
	v14 =	vadd.f32 v26, v16;
	v16 =	vld [tilespmem:s11+$0x5B0]  }
0xbd: {  	[tilespmem:s11+$0x540] =	vst v12;
	v12 =	vmax.f32 v13, $0.0e+00;
	v13 =	vadd.f32 v27, v17;
	v17 =	vld [tilespmem:s11+$0x5C0]  }
0xbe: {  	[tilespmem:s11+$0x550] =	vst v12;
	v12 =	vmax.f32 v14, $0.0e+00;
	v14 =	vadd.f32 v28, v18;
	v18 =	vld [tilespmem:s11+$0x5D0]  }
0xbf: {  	[tilespmem:s11+$0x560] =	vst v12;
	v12 =	vmax.f32 v13, $0.0e+00;
	v13 =	vadd.f32 v29, v19;
	v19 =	vld [tilespmem:s11+$0x5E0]  }
0xc0: {  	[tilespmem:s11+$0x570] =	vst v12;
	v12 =	vmax.f32 v14, $0.0e+00;
	v14 =	vadd.f32 v30, v15;
	v15 =	vld [tilespmem:s11+$0x5F0]  }
0xc1: {  	[tilespmem:s11+$0x580] =	vst v12;
	v12 =	vmax.f32 v13, $0.0e+00;
	v13 =	vadd.f32 v31, v16;
	v16 =	vld [tilespmem:s11+$0x600]  }
0xc2: {  	[tilespmem:s11+$0x590] =	vst v12;
	v12 =	vmax.f32 v14, $0.0e+00;
	v11 =	vadd.f32 v11, v17;
	v14 =	vld [tilespmem:s11+$0x610]  }
.Ltmp0:
0xc3: {  	[tilespmem:s11+$0x5A0] =	vst v12;
	v12 =	vmax.f32 v13, $0.0e+00;
	v13 =	vadd.f32 v10, v18;
	v10 =	vld [tilespmem:s11+$0x620];
	(pc) =	sbr.rel @p1 .LBB2_3-.Ltmp0, $4  }
0xc4: {  	[tilespmem:s11+$0x5B0] =	vst v12;
	v11 =	vmax.f32 v11, $0.0e+00;
	v12 =	vadd.f32 v9, v19;
	v9 =	vld [tilespmem:s11+$0x630]  }
0xc5: {  	[tilespmem:s11+$0x5C0] =	vst v11;
	v11 =	vmax.f32 v13, $0.0e+00;
	v13 =	vadd.f32 v8, v15;
	v8 =	vld [tilespmem:s11+$0x640]  }
0xc6: {  	[tilespmem:s11+$0x5D0] =	vst v11;
	v11 =	vmax.f32 v12, $0.0e+00;
	v12 =	vadd.f32 v7, v16;
	v7 =	vld [tilespmem:s11+$0x650]  }
0xc7: {  	s15 =	sadd.s32 $0x800, s15;
	[tilespmem:s11+$0x5E0] =	vst v11;
	v13 =	vmax.f32 v13, $0.0e+00;
	v11 =	vadd.f32 v6, v14;
	v6 =	vld [tilespmem:s11+$0x660]  }
0xc8: {  	[tilespmem:s11+$0x5F0] =	vst v13;
	v12 =	vmax.f32 v12, $0.0e+00;
	v5 =	vadd.f32 v5, v10;
	v10 =	vld [tilespmem:s11+$0x670]  }
0xc9: {  	[tilespmem:s11+$0x600] =	vst v12;
	v11 =	vmax.f32 v11, $0.0e+00;
	v4 =	vadd.f32 v4, v9  }
0xca: {  	[tilespmem:s11+$0x610] =	vst v11;
	v5 =	vmax.f32 v5, $0.0e+00;
	v3 =	vadd.f32 v3, v8  }
0xcb: {  	[tilespmem:s11+$0x620] =	vst v5;
	v4 =	vmax.f32 v4, $0.0e+00;
	v2 =	vadd.f32 v2, v7  }
0xcc: {  	[tilespmem:s11+$0x630] =	vst v4;
	v3 =	vmax.f32 v3, $0.0e+00;
	v1 =	vadd.f32 v1, v6  }
0xcd: {  	[tilespmem:s11+$0x640] =	vst v3;
	v2 =	vmax.f32 v2, $0.0e+00;
	v0 =	vadd.f32 v0, v10  }
0xce: {  	[tilespmem:s11+$0x650] =	vst v2;
	v1 =	vmax.f32 v1, $0.0e+00  }
0xcf: {  	[tilespmem:s11+$0x660] =	vst v1;
	v0 =	vmax.f32 v0, $0.0e+00  }
0xd0: {  	[tilespmem:s11+$0x670] =	vst v0  }
0xd1: {  	[spmem:s1] =	stream.indirect.scatter.add.f32 [tilespmem:s23], [sflag:$0x7], $0x80, s29, s22, $0xb8;
	[tilespmem:$0x1E880] =	vst v63  }
0xd2: {  	_ =	swait.ge [sflag:s30], $0x1C00  }
0xd3: {  	[sflag:s30] =	ssyncset.done $0x0  }
0xd4: {  	[sflag:s30] =	ssyncadd.s32 $0xFFFFE400  }
0xd5: {  	_ =	swait.ge [sflag:s30], $0x1C00  }
0xd6: {  	[sflag:s30] =	ssyncset.done $0x0  }
0xd7: {  	[sflag:s30] =	ssyncadd.s32 $0xFFFFE400  }
0xd8: {  	v0 =	vld [tilespmem:$0x100]  }
0xd9: {  	v1 =	vld [tilespmem:$0x110]  }
0xda: {  	v2 =	vld [tilespmem:$0x120]  }
0xdb: {  	v3 =	vld [tilespmem:$0x128];
	_ =	sdelay $0x1  }
0xdc: {  	[tilespmem:$0x380] =	vst v0  }
0xdd: {  	s11 =	sadd.s32 @!p0 s26, s13;
	[tilespmem:$0x390] =	vst v1  }
0xde: {  	s11 =	sshrl.u32 @!p0 s11, $0x3;
	[tilespmem:$0x3A0] =	vst v2  }
0xdf: {  	s15 =	simm.s32 @!p0 $0x0;
	s16 =	simm.s32 @!p0 $0x100;
	s11 =	sadd.s32 @!p0 s6, s11;
	[tilespmem:$0x3A8] =	vst v3  }
0xe0: {  	[tilespmem:s16], [sflag:$0x2] =	stream.linear.gather @!p0 [hbm4b:s11+s15], $0x100, $0x38;
	[tilespmem:$0x1E880] =	vst v63  }
0xe1: {  	s11 =	simm.s32 @!p0 $0x1  }
0xe2: {  	_ =	swait.ge @!p0 [sflag:s11], $0x100  }
0xe3: {  	[sflag:s11] =	ssyncset.done @!p0 $0x0  }
0xe4: {  	[sflag:s11] =	ssyncadd.s32 @!p0 $0xFFFFFF00;
	s11 =	simm.s32 @!p0 $0x7  }
0xe5: {  	_ =	swait.ge @!p0 [sflag:s11], $0x1C00  }
0xe6: {  	[sflag:s11] =	ssyncset.done @!p0 $0x0  }
0xe7: {  	s16 =	simm.s32 @!p0 $0x480;
	[sflag:s11] =	ssyncadd.s32 @!p0 $0xFFFFE400;
	s11 =	simm.s32 @!p0 $0x38  }
0xe8: {  	[tilespmem:s16], [sflag:$0x4] =	stream.indirect.gather @!p0 [hbm4b:s4+s11], $0x80, s15, s11, $0xb8;
	[tilespmem:$0x1E880] =	vst v63  }
0xe9: {  	s15 =	simm.s32 @!p0 $0x80;
	s16 =	simm.s32 @!p0 $0x2080  }
0xea: {  	[tilespmem:s16], [sflag:$0x4] =	stream.indirect.gather @!p0 [hbm4b:s5+s11], $0x80, s15, s11, $0xb8;
	[tilespmem:$0x1E880] =	vst v63  }
0xeb: {  	s11 =	simm.s32 $0x0  }
0xec: {  	v6 =	vld [tilespmem:s11+$0x5880]  }
0xed: {  	v7 =	vld [tilespmem:s11+$0x5890]  }
0xee: {  	v8 =	vld [tilespmem:s11+$0x58A0]  }
0xef: {  	v9 =	vld [tilespmem:s11+$0x58B0]  }
0xf0: {  	v10 =	vld [tilespmem:s11+$0x58C0]  }
0xf1: {  	v11 =	vld [tilespmem:s11+$0x58D0]  }
0xf2: {  	v12 =	vld [tilespmem:s11+$0x58E0]  }
0xf3: {  	v13 =	vld [tilespmem:s11+$0x58F0]  }
0xf4: {  	v14 =	vld [tilespmem:s11+$0x5900]  }
0xf5: {  	v15 =	vld [tilespmem:s11+$0x5910]  }
0xf6: {  	v16 =	vld [tilespmem:s11+$0x5920]  }
0xf7: {  	v17 =	vld [tilespmem:s11+$0x5930]  }
0xf8: {  	v18 =	vld [tilespmem:s11+$0x5940]  }
0xf9: {  	v19 =	vld [tilespmem:s11+$0x5950]  }
0xfa: {  	v20 =	vld [tilespmem:s11+$0x5960]  }
0xfb: {  	v21 =	vld [tilespmem:s11+$0x5970]  }
0xfc: {  	v22 =	vld [tilespmem:s11+$0x5980]  }
0xfd: {  	v23 =	vld [tilespmem:s11+$0x5990]  }
0xfe: {  	v24 =	vld [tilespmem:s11+$0x59A0]  }
0xff: {  	v25 =	vld [tilespmem:s11+$0x59B0]  }
0x100: {  	v26 =	vld [tilespmem:s11+$0x59C0]  }
0x101: {  	v32 =	vld [tilespmem:s11+$0x3C80]  }
0x102: {  	v27 =	vld [tilespmem:s11+$0x59D0]  }
0x103: {  	v33 =	vld [tilespmem:s11+$0x3C90]  }
0x104: {  	v34 =	vld [tilespmem:s11+$0x3CA0]  }
0x105: {  	v28 =	vld [tilespmem:s11+$0x59E0]  }
0x106: {  	v35 =	vld [tilespmem:s11+$0x3CB0];
	v6 =	vadd.f32 v6, v32  }
0x107: {  	v36 =	vld [tilespmem:s11+$0x3CC0]  }
0x108: {  	v29 =	vld [tilespmem:s11+$0x59F0];
	v7 =	vadd.f32 v7, v33;
	v6 =	vmax.f32 v6, $0.0e+00  }
0x109: {  	v62 =	vld [tilespmem:s11+$0x3CD0];
	[tilespmem:s11+$0x3C80] =	vst v6;
	v6 =	vadd.f32 v8, v34  }
0x10a: {  	v37 =	vld [tilespmem:s11+$0x3CE0];
	v7 =	vmax.f32 v7, $0.0e+00  }
0x10b: {  	v30 =	vld [tilespmem:s11+$0x5A00];
	[tilespmem:s11+$0x3C90] =	vst v7;
	v7 =	vadd.f32 v9, v35;
	v6 =	vmax.f32 v6, $0.0e+00  }
0x10c: {  	v63 =	vld [tilespmem:s11+$0x3CF0];
	[tilespmem:s11+$0x3CA0] =	vst v6;
	v6 =	vadd.f32 v10, v36  }
0x10d: {  	v8 =	vld [tilespmem:s11+$0x3D00];
	v7 =	vmax.f32 v7, $0.0e+00  }
0x10e: {  	v31 =	vld [tilespmem:s11+$0x5A10];
	[tilespmem:s11+$0x3CB0] =	vst v7;
	v7 =	vadd.f32 v11, v62;
	v6 =	vmax.f32 v6, $0.0e+00  }
0x10f: {  	v9 =	vld [tilespmem:s11+$0x3D10];
	[tilespmem:s11+$0x3CC0] =	vst v6;
	v6 =	vadd.f32 v12, v37  }
0x110: {  	v10 =	vld [tilespmem:s11+$0x3D20];
	v7 =	vmax.f32 v7, $0.0e+00  }
0x111: {  	v5 =	vld [tilespmem:s11+$0x5A20];
	[tilespmem:s11+$0x3CD0] =	vst v7;
	v7 =	vadd.f32 v13, v63;
	v6 =	vmax.f32 v6, $0.0e+00  }
0x112: {  	v11 =	vld [tilespmem:s11+$0x3D30];
	[tilespmem:s11+$0x3CE0] =	vst v6;
	v6 =	vadd.f32 v14, v8  }
0x113: {  	v12 =	vld [tilespmem:s11+$0x3D40];
	v7 =	vmax.f32 v7, $0.0e+00  }
0x114: {  	v4 =	vld [tilespmem:s11+$0x5A30];
	[tilespmem:s11+$0x3CF0] =	vst v7;
	v7 =	vadd.f32 v15, v9;
	v6 =	vmax.f32 v6, $0.0e+00  }
0x115: {  	v13 =	vld [tilespmem:s11+$0x3D50];
	[tilespmem:s11+$0x3D00] =	vst v6;
	v6 =	vadd.f32 v16, v10  }
0x116: {  	v8 =	vld [tilespmem:s11+$0x3D60];
	v7 =	vmax.f32 v7, $0.0e+00  }
0x117: {  	v3 =	vld [tilespmem:s11+$0x5A40];
	[tilespmem:s11+$0x3D10] =	vst v7;
	v7 =	vadd.f32 v17, v11;
	v6 =	vmax.f32 v6, $0.0e+00  }
0x118: {  	v9 =	vld [tilespmem:s11+$0x3D70];
	[tilespmem:s11+$0x3D20] =	vst v6;
	v6 =	vadd.f32 v18, v12  }
0x119: {  	v10 =	vld [tilespmem:s11+$0x3D80];
	v7 =	vmax.f32 v7, $0.0e+00  }
0x11a: {  	v2 =	vld [tilespmem:s11+$0x5A50];
	[tilespmem:s11+$0x3D30] =	vst v7;
	v7 =	vadd.f32 v19, v13;
	v6 =	vmax.f32 v6, $0.0e+00  }
0x11b: {  	v11 =	vld [tilespmem:s11+$0x3D90];
	[tilespmem:s11+$0x3D40] =	vst v6;
	v6 =	vadd.f32 v20, v8  }
0x11c: {  	v12 =	vld [tilespmem:s11+$0x3DA0];
	v7 =	vmax.f32 v7, $0.0e+00  }
0x11d: {  	v1 =	vld [tilespmem:s11+$0x5A60];
	[tilespmem:s11+$0x3D50] =	vst v7;
	v7 =	vadd.f32 v21, v9;
	v6 =	vmax.f32 v6, $0.0e+00  }
0x11e: {  	v13 =	vld [tilespmem:s11+$0x3DB0];
	[tilespmem:s11+$0x3D60] =	vst v6;
	v6 =	vadd.f32 v22, v10  }
0x11f: {  	v8 =	vld [tilespmem:s11+$0x3DC0];
	v7 =	vmax.f32 v7, $0.0e+00  }
0x120: {  	v0 =	vld [tilespmem:s11+$0x5A70];
	[tilespmem:s11+$0x3D70] =	vst v7;
	v7 =	vadd.f32 v23, v11;
	v6 =	vmax.f32 v6, $0.0e+00  }
0x121: {  	v9 =	vld [tilespmem:s11+$0x3DD0];
	[tilespmem:s11+$0x3D80] =	vst v6;
	v6 =	vadd.f32 v24, v12  }
0x122: {  	v14 =	vld [tilespmem:s11+$0x3DE0];
	v7 =	vmax.f32 v7, $0.0e+00  }
0x123: {  	v11 =	vld [tilespmem:s11+$0x3DF0];
	[tilespmem:s11+$0x3D90] =	vst v7;
	v7 =	vadd.f32 v25, v13;
	v6 =	vmax.f32 v6, $0.0e+00  }
0x124: {  	v12 =	vld [tilespmem:s11+$0x3E00];
	[tilespmem:s11+$0x3DA0] =	vst v6;
	v6 =	vadd.f32 v26, v8  }
0x125: {  	v15 =	vld [tilespmem:s11+$0x3E10];
	v7 =	vmax.f32 v7, $0.0e+00  }
0x126: {  	v10 =	vld [tilespmem:s11+$0x3E20];
	[tilespmem:s11+$0x3DB0] =	vst v7;
	v7 =	vadd.f32 v27, v9;
	v6 =	vmax.f32 v6, $0.0e+00  }
0x127: {  	v9 =	vld [tilespmem:s11+$0x3E30];
	[tilespmem:s11+$0x3DC0] =	vst v6;
	v6 =	vadd.f32 v28, v14  }
0x128: {  	v11 =	vadd.f32 v29, v11;
	v8 =	vld [tilespmem:s11+$0x3E40];
	v7 =	vmax.f32 v7, $0.0e+00  }
0x129: {  	v12 =	vadd.f32 v30, v12;
	[tilespmem:s11+$0x3DD0] =	vst v7;
	v7 =	vld [tilespmem:s11+$0x3E50];
	v6 =	vmax.f32 v6, $0.0e+00  }
0x12a: {  	s15 =	simm.s32 $0x800;
	v13 =	vmax.f32 v11, $0.0e+00;
	v11 =	vadd.f32 v31, v15;
	[tilespmem:s11+$0x3DE0] =	vst v6;
	v6 =	vld [tilespmem:s11+$0x3E60]  }
.LBB2_5:
0x12b: {  	s16 =	sshra.s32 s15, $0x2;
	p1 =	sne.s32 s15, $0x6800;
	[tilespmem:s11+$0x3DF0] =	vst v13;
	v12 =	vmax.f32 v12, $0.0e+00;
	v5 =	vadd.f32 v5, v10;
	v10 =	vld [tilespmem:s11+$0x3E70]  }
0x12c: {  	v13 =	vld [tilespmem:s16+$0x5880];
	[tilespmem:s11+$0x3E00] =	vst v12;
	v11 =	vmax.f32 v11, $0.0e+00;
	v4 =	vadd.f32 v4, v9  }
0x12d: {  	v12 =	vld [tilespmem:s16+$0x5890];
	[tilespmem:s11+$0x3E10] =	vst v11;
	v5 =	vmax.f32 v5, $0.0e+00;
	v3 =	vadd.f32 v3, v8  }
0x12e: {  	v14 =	vld [tilespmem:s16+$0x58A0];
	[tilespmem:s11+$0x3E20] =	vst v5;
	v4 =	vmax.f32 v4, $0.0e+00;
	v2 =	vadd.f32 v2, v7  }
0x12f: {  	v15 =	vld [tilespmem:s16+$0x58B0];
	[tilespmem:s11+$0x3E30] =	vst v4;
	v3 =	vmax.f32 v3, $0.0e+00;
	v1 =	vadd.f32 v1, v6  }
0x130: {  	v16 =	vld [tilespmem:s16+$0x58C0];
	[tilespmem:s11+$0x3E40] =	vst v3;
	v2 =	vmax.f32 v2, $0.0e+00;
	v0 =	vadd.f32 v0, v10  }
0x131: {  	v17 =	vld [tilespmem:s16+$0x58D0];
	[tilespmem:s11+$0x3E50] =	vst v2;
	v1 =	vmax.f32 v1, $0.0e+00  }
0x132: {  	v18 =	vld [tilespmem:s16+$0x58E0];
	[tilespmem:s11+$0x3E60] =	vst v1;
	v0 =	vmax.f32 v0, $0.0e+00  }
0x133: {  	v19 =	vld [tilespmem:s16+$0x58F0];
	[tilespmem:s11+$0x3E70] =	vst v0;
	s11 =	smov.u32 s16  }
0x134: {  	v20 =	vld [tilespmem:s11+$0x5900]  }
0x135: {  	v21 =	vld [tilespmem:s11+$0x5910]  }
0x136: {  	v22 =	vld [tilespmem:s11+$0x5920]  }
0x137: {  	v23 =	vld [tilespmem:s11+$0x5930]  }
0x138: {  	v24 =	vld [tilespmem:s11+$0x5940]  }
0x139: {  	v25 =	vld [tilespmem:s11+$0x5950]  }
0x13a: {  	v26 =	vld [tilespmem:s11+$0x5960]  }
0x13b: {  	v27 =	vld [tilespmem:s11+$0x5970]  }
0x13c: {  	v28 =	vld [tilespmem:s11+$0x5980]  }
0x13d: {  	v29 =	vld [tilespmem:s11+$0x5990]  }
0x13e: {  	v30 =	vld [tilespmem:s11+$0x59A0]  }
0x13f: {  	v31 =	vld [tilespmem:s11+$0x59B0]  }
0x140: {  	v11 =	vld [tilespmem:s11+$0x59C0]  }
0x141: {  	v10 =	vld [tilespmem:s11+$0x59D0]  }
0x142: {  	v9 =	vld [tilespmem:s11+$0x59E0]  }
0x143: {  	v8 =	vld [tilespmem:s11+$0x59F0]  }
0x144: {  	v7 =	vld [tilespmem:s11+$0x5A00]  }
0x145: {  	v6 =	vld [tilespmem:s11+$0x5A10]  }
0x146: {  	v5 =	vld [tilespmem:s11+$0x5A20]  }
0x147: {  	v4 =	vld [tilespmem:s11+$0x5A30]  }
0x148: {  	v3 =	vld [tilespmem:s11+$0x5A40]  }
0x149: {  	v2 =	vld [tilespmem:s11+$0x5A50]  }
0x14a: {  	v1 =	vld [tilespmem:s11+$0x5A60]  }
0x14b: {  	v0 =	vld [tilespmem:s11+$0x5A70]  }
0x14c: {  	v32 =	vld [tilespmem:s11+$0x3C80]  }
0x14d: {  	v33 =	vld [tilespmem:s11+$0x3C90]  }
0x14e: {  	v34 =	vld [tilespmem:s11+$0x3CA0]  }
0x14f: {  	v35 =	vld [tilespmem:s11+$0x3CB0]  }
0x150: {  	v36 =	vld [tilespmem:s11+$0x3CC0]  }
0x151: {  	v13 =	vadd.f32 v13, v32;
	v32 =	vld [tilespmem:s11+$0x3CD0]  }
0x152: {  	v12 =	vadd.f32 v12, v33;
	v33 =	vld [tilespmem:s11+$0x3CE0]  }
0x153: {  	v13 =	vmax.f32 v13, $0.0e+00;
	v14 =	vadd.f32 v14, v34;
	v34 =	vld [tilespmem:s11+$0x3CF0]  }
0x154: {  	[tilespmem:s11+$0x3C80] =	vst v13;
	v12 =	vmax.f32 v12, $0.0e+00;
	v13 =	vadd.f32 v15, v35;
	v15 =	vld [tilespmem:s11+$0x3D00]  }
0x155: {  	[tilespmem:s11+$0x3C90] =	vst v12;
	v12 =	vmax.f32 v14, $0.0e+00;
	v14 =	vadd.f32 v16, v36;
	v16 =	vld [tilespmem:s11+$0x3D10]  }
0x156: {  	[tilespmem:s11+$0x3CA0] =	vst v12;
	v12 =	vmax.f32 v13, $0.0e+00;
	v13 =	vadd.f32 v17, v32;
	v17 =	vld [tilespmem:s11+$0x3D20]  }
0x157: {  	[tilespmem:s11+$0x3CB0] =	vst v12;
	v12 =	vmax.f32 v14, $0.0e+00;
	v14 =	vadd.f32 v18, v33;
	v18 =	vld [tilespmem:s11+$0x3D30]  }
0x158: {  	[tilespmem:s11+$0x3CC0] =	vst v12;
	v12 =	vmax.f32 v13, $0.0e+00;
	v13 =	vadd.f32 v19, v34;
	v19 =	vld [tilespmem:s11+$0x3D40]  }
0x159: {  	[tilespmem:s11+$0x3CD0] =	vst v12;
	v12 =	vmax.f32 v14, $0.0e+00;
	v14 =	vadd.f32 v20, v15;
	v15 =	vld [tilespmem:s11+$0x3D50]  }
0x15a: {  	[tilespmem:s11+$0x3CE0] =	vst v12;
	v12 =	vmax.f32 v13, $0.0e+00;
	v13 =	vadd.f32 v21, v16;
	v16 =	vld [tilespmem:s11+$0x3D60]  }
0x15b: {  	[tilespmem:s11+$0x3CF0] =	vst v12;
	v12 =	vmax.f32 v14, $0.0e+00;
	v14 =	vadd.f32 v22, v17;
	v17 =	vld [tilespmem:s11+$0x3D70]  }
0x15c: {  	[tilespmem:s11+$0x3D00] =	vst v12;
	v12 =	vmax.f32 v13, $0.0e+00;
	v13 =	vadd.f32 v23, v18;
	v18 =	vld [tilespmem:s11+$0x3D80]  }
0x15d: {  	[tilespmem:s11+$0x3D10] =	vst v12;
	v12 =	vmax.f32 v14, $0.0e+00;
	v14 =	vadd.f32 v24, v19;
	v19 =	vld [tilespmem:s11+$0x3D90]  }
0x15e: {  	[tilespmem:s11+$0x3D20] =	vst v12;
	v12 =	vmax.f32 v13, $0.0e+00;
	v13 =	vadd.f32 v25, v15;
	v15 =	vld [tilespmem:s11+$0x3DA0]  }
0x15f: {  	[tilespmem:s11+$0x3D30] =	vst v12;
	v12 =	vmax.f32 v14, $0.0e+00;
	v14 =	vadd.f32 v26, v16;
	v16 =	vld [tilespmem:s11+$0x3DB0]  }
0x160: {  	[tilespmem:s11+$0x3D40] =	vst v12;
	v12 =	vmax.f32 v13, $0.0e+00;
	v13 =	vadd.f32 v27, v17;
	v17 =	vld [tilespmem:s11+$0x3DC0]  }
0x161: {  	[tilespmem:s11+$0x3D50] =	vst v12;
	v12 =	vmax.f32 v14, $0.0e+00;
	v14 =	vadd.f32 v28, v18;
	v18 =	vld [tilespmem:s11+$0x3DD0]  }
0x162: {  	[tilespmem:s11+$0x3D60] =	vst v12;
	v12 =	vmax.f32 v13, $0.0e+00;
	v13 =	vadd.f32 v29, v19;
	v19 =	vld [tilespmem:s11+$0x3DE0]  }
0x163: {  	[tilespmem:s11+$0x3D70] =	vst v12;
	v12 =	vmax.f32 v14, $0.0e+00;
	v14 =	vadd.f32 v30, v15;
	v15 =	vld [tilespmem:s11+$0x3DF0]  }
0x164: {  	[tilespmem:s11+$0x3D80] =	vst v12;
	v12 =	vmax.f32 v13, $0.0e+00;
	v13 =	vadd.f32 v31, v16;
	v16 =	vld [tilespmem:s11+$0x3E00]  }
0x165: {  	[tilespmem:s11+$0x3D90] =	vst v12;
	v12 =	vmax.f32 v14, $0.0e+00;
	v11 =	vadd.f32 v11, v17;
	v14 =	vld [tilespmem:s11+$0x3E10]  }
.Ltmp1:
0x166: {  	[tilespmem:s11+$0x3DA0] =	vst v12;
	v12 =	vmax.f32 v13, $0.0e+00;
	v13 =	vadd.f32 v10, v18;
	v10 =	vld [tilespmem:s11+$0x3E20];
	(pc) =	sbr.rel @p1 .LBB2_5-.Ltmp1, $4  }
0x167: {  	[tilespmem:s11+$0x3DB0] =	vst v12;
	v11 =	vmax.f32 v11, $0.0e+00;
	v12 =	vadd.f32 v9, v19;
	v9 =	vld [tilespmem:s11+$0x3E30]  }
0x168: {  	[tilespmem:s11+$0x3DC0] =	vst v11;
	v11 =	vmax.f32 v13, $0.0e+00;
	v13 =	vadd.f32 v8, v15;
	v8 =	vld [tilespmem:s11+$0x3E40]  }
0x169: {  	[tilespmem:s11+$0x3DD0] =	vst v11;
	v11 =	vmax.f32 v12, $0.0e+00;
	v12 =	vadd.f32 v7, v16;
	v7 =	vld [tilespmem:s11+$0x3E50]  }
0x16a: {  	s15 =	sadd.s32 $0x800, s15;
	[tilespmem:s11+$0x3DE0] =	vst v11;
	v13 =	vmax.f32 v13, $0.0e+00;
	v11 =	vadd.f32 v6, v14;
	v6 =	vld [tilespmem:s11+$0x3E60]  }
0x16b: {  	[tilespmem:s11+$0x3DF0] =	vst v13;
	v12 =	vmax.f32 v12, $0.0e+00;
	v5 =	vadd.f32 v5, v10;
	v10 =	vld [tilespmem:s11+$0x3E70]  }
0x16c: {  	[tilespmem:s11+$0x3E00] =	vst v12;
	v11 =	vmax.f32 v11, $0.0e+00;
	v4 =	vadd.f32 v4, v9  }
0x16d: {  	[tilespmem:s11+$0x3E10] =	vst v11;
	v5 =	vmax.f32 v5, $0.0e+00;
	v3 =	vadd.f32 v3, v8  }
0x16e: {  	[tilespmem:s11+$0x3E20] =	vst v5;
	v4 =	vmax.f32 v4, $0.0e+00;
	v2 =	vadd.f32 v2, v7  }
0x16f: {  	[tilespmem:s11+$0x3E30] =	vst v4;
	v3 =	vmax.f32 v3, $0.0e+00;
	v1 =	vadd.f32 v1, v6  }
0x170: {  	[tilespmem:s11+$0x3E40] =	vst v3;
	v2 =	vmax.f32 v2, $0.0e+00;
	v0 =	vadd.f32 v0, v10  }
0x171: {  	[tilespmem:s11+$0x3E50] =	vst v2;
	v1 =	vmax.f32 v1, $0.0e+00  }
0x172: {  	[tilespmem:s11+$0x3E60] =	vst v1;
	v0 =	vmax.f32 v0, $0.0e+00  }
0x173: {  	[tilespmem:s11+$0x3E70] =	vst v0  }
0x174: {  	[spmem:s1] =	stream.indirect.scatter.add.f32 [tilespmem:s28], [sflag:$0x8], $0x80, s19, s22, $0xb8;
	[tilespmem:$0x1E880] =	vst v63  }
0x175: {  	_ =	swait.ge [sflag:s8], $0x1C00  }
0x176: {  	[sflag:s8] =	ssyncset.done $0x0  }
0x177: {  	[sflag:s8] =	ssyncadd.s32 $0xFFFFE400  }
0x178: {  	_ =	swait.ge [sflag:s8], $0x1C00  }
0x179: {  	[sflag:s8] =	ssyncset.done $0x0  }
0x17a: {  	[sflag:s8] =	ssyncadd.s32 $0xFFFFE400  }
0x17b: {  	v0 =	vld [tilespmem:$0x200]  }
0x17c: {  	v1 =	vld [tilespmem:$0x210]  }
0x17d: {  	v2 =	vld [tilespmem:$0x220]  }
0x17e: {  	v3 =	vld [tilespmem:$0x228];
	_ =	sdelay $0x1  }
0x17f: {  	[tilespmem:$0x400] =	vst v0  }
0x180: {  	s11 =	sadd.s32 @!p0 s26, s14;
	[tilespmem:$0x410] =	vst v1  }
0x181: {  	s11 =	sshrl.u32 @!p0 s11, $0x3;
	[tilespmem:$0x420] =	vst v2  }
0x182: {  	s15 =	simm.s32 @!p0 $0x0;
	s16 =	simm.s32 @!p0 $0x200;
	s11 =	sadd.s32 @!p0 s6, s11;
	[tilespmem:$0x428] =	vst v3  }
0x183: {  	[tilespmem:s16], [sflag:$0x3] =	stream.linear.gather @!p0 [hbm4b:s11+s15], $0x100, $0x38;
	[tilespmem:$0x1E880] =	vst v63  }
0x184: {  	s11 =	simm.s32 @!p0 $0x2  }
0x185: {  	_ =	swait.ge @!p0 [sflag:s11], $0x100  }
0x186: {  	[sflag:s11] =	ssyncset.done @!p0 $0x0  }
0x187: {  	[sflag:s11] =	ssyncadd.s32 @!p0 $0xFFFFFF00;
	s11 =	simm.s32 @!p0 $0x8  }
0x188: {  	_ =	swait.ge @!p0 [sflag:s11], $0x1C00  }
0x189: {  	s15 =	simm.s32 @!p0 $0x100;
	[sflag:s11] =	ssyncset.done @!p0 $0x0  }
0x18a: {  	s16 =	simm.s32 @!p0 $0x3C80;
	[sflag:s11] =	ssyncadd.s32 @!p0 $0xFFFFE400;
	s11 =	simm.s32 @!p0 $0x38  }
0x18b: {  	[tilespmem:s16], [sflag:$0x5] =	stream.indirect.gather @!p0 [hbm4b:s4+s11], $0x80, s15, s11, $0xb8;
	[tilespmem:$0x1E880] =	vst v63  }
0x18c: {  	s15 =	simm.s32 @!p0 $0x180;
	s16 =	simm.s32 @!p0 $0x5880  }
0x18d: {  	[tilespmem:s16], [sflag:$0x5] =	stream.indirect.gather @!p0 [hbm4b:s5+s11], $0x80, s15, s11, $0xb8;
	[tilespmem:$0x1E880] =	vst v63  }
0x18e: {  	s11 =	simm.s32 $0x0  }
0x18f: {  	v6 =	vld [tilespmem:s11+$0x9080]  }
0x190: {  	v7 =	vld [tilespmem:s11+$0x9090]  }
0x191: {  	v8 =	vld [tilespmem:s11+$0x90A0]  }
0x192: {  	v9 =	vld [tilespmem:s11+$0x90B0]  }
0x193: {  	v10 =	vld [tilespmem:s11+$0x90C0]  }
0x194: {  	v11 =	vld [tilespmem:s11+$0x90D0]  }
0x195: {  	v12 =	vld [tilespmem:s11+$0x90E0]  }
0x196: {  	v13 =	vld [tilespmem:s11+$0x90F0]  }
0x197: {  	v14 =	vld [tilespmem:s11+$0x9100]  }
0x198: {  	v15 =	vld [tilespmem:s11+$0x9110]  }
0x199: {  	v16 =	vld [tilespmem:s11+$0x9120]  }
0x19a: {  	v17 =	vld [tilespmem:s11+$0x9130]  }
0x19b: {  	v18 =	vld [tilespmem:s11+$0x9140]  }
0x19c: {  	v19 =	vld [tilespmem:s11+$0x9150]  }
0x19d: {  	v20 =	vld [tilespmem:s11+$0x9160]  }
0x19e: {  	v21 =	vld [tilespmem:s11+$0x9170]  }
0x19f: {  	v22 =	vld [tilespmem:s11+$0x9180]  }
0x1a0: {  	v23 =	vld [tilespmem:s11+$0x9190]  }
0x1a1: {  	v24 =	vld [tilespmem:s11+$0x91A0]  }
0x1a2: {  	v25 =	vld [tilespmem:s11+$0x91B0]  }
0x1a3: {  	v26 =	vld [tilespmem:s11+$0x91C0]  }
0x1a4: {  	v32 =	vld [tilespmem:s11+$0x7480]  }
0x1a5: {  	v27 =	vld [tilespmem:s11+$0x91D0]  }
0x1a6: {  	v33 =	vld [tilespmem:s11+$0x7490]  }
0x1a7: {  	v34 =	vld [tilespmem:s11+$0x74A0]  }
0x1a8: {  	v28 =	vld [tilespmem:s11+$0x91E0]  }
0x1a9: {  	v35 =	vld [tilespmem:s11+$0x74B0];
	v6 =	vadd.f32 v6, v32  }
0x1aa: {  	v36 =	vld [tilespmem:s11+$0x74C0]  }
0x1ab: {  	v29 =	vld [tilespmem:s11+$0x91F0];
	v7 =	vadd.f32 v7, v33;
	v6 =	vmax.f32 v6, $0.0e+00  }
0x1ac: {  	v62 =	vld [tilespmem:s11+$0x74D0];
	[tilespmem:s11+$0x7480] =	vst v6;
	v6 =	vadd.f32 v8, v34  }
0x1ad: {  	v37 =	vld [tilespmem:s11+$0x74E0];
	v7 =	vmax.f32 v7, $0.0e+00  }
0x1ae: {  	v30 =	vld [tilespmem:s11+$0x9200];
	[tilespmem:s11+$0x7490] =	vst v7;
	v7 =	vadd.f32 v9, v35;
	v6 =	vmax.f32 v6, $0.0e+00  }
0x1af: {  	v63 =	vld [tilespmem:s11+$0x74F0];
	[tilespmem:s11+$0x74A0] =	vst v6;
	v6 =	vadd.f32 v10, v36  }
0x1b0: {  	v8 =	vld [tilespmem:s11+$0x7500];
	v7 =	vmax.f32 v7, $0.0e+00  }
0x1b1: {  	v31 =	vld [tilespmem:s11+$0x9210];
	[tilespmem:s11+$0x74B0] =	vst v7;
	v7 =	vadd.f32 v11, v62;
	v6 =	vmax.f32 v6, $0.0e+00  }
0x1b2: {  	v9 =	vld [tilespmem:s11+$0x7510];
	[tilespmem:s11+$0x74C0] =	vst v6;
	v6 =	vadd.f32 v12, v37  }
0x1b3: {  	v10 =	vld [tilespmem:s11+$0x7520];
	v7 =	vmax.f32 v7, $0.0e+00  }
0x1b4: {  	v5 =	vld [tilespmem:s11+$0x9220];
	[tilespmem:s11+$0x74D0] =	vst v7;
	v7 =	vadd.f32 v13, v63;
	v6 =	vmax.f32 v6, $0.0e+00  }
0x1b5: {  	v11 =	vld [tilespmem:s11+$0x7530];
	[tilespmem:s11+$0x74E0] =	vst v6;
	v6 =	vadd.f32 v14, v8  }
0x1b6: {  	v12 =	vld [tilespmem:s11+$0x7540];
	v7 =	vmax.f32 v7, $0.0e+00  }
0x1b7: {  	v4 =	vld [tilespmem:s11+$0x9230];
	[tilespmem:s11+$0x74F0] =	vst v7;
	v7 =	vadd.f32 v15, v9;
	v6 =	vmax.f32 v6, $0.0e+00  }
0x1b8: {  	v13 =	vld [tilespmem:s11+$0x7550];
	[tilespmem:s11+$0x7500] =	vst v6;
	v6 =	vadd.f32 v16, v10  }
0x1b9: {  	v8 =	vld [tilespmem:s11+$0x7560];
	v7 =	vmax.f32 v7, $0.0e+00  }
0x1ba: {  	v3 =	vld [tilespmem:s11+$0x9240];
	[tilespmem:s11+$0x7510] =	vst v7;
	v7 =	vadd.f32 v17, v11;
	v6 =	vmax.f32 v6, $0.0e+00  }
0x1bb: {  	v9 =	vld [tilespmem:s11+$0x7570];
	[tilespmem:s11+$0x7520] =	vst v6;
	v6 =	vadd.f32 v18, v12  }
0x1bc: {  	v10 =	vld [tilespmem:s11+$0x7580];
	v7 =	vmax.f32 v7, $0.0e+00  }
0x1bd: {  	v2 =	vld [tilespmem:s11+$0x9250];
	[tilespmem:s11+$0x7530] =	vst v7;
	v7 =	vadd.f32 v19, v13;
	v6 =	vmax.f32 v6, $0.0e+00  }
0x1be: {  	v11 =	vld [tilespmem:s11+$0x7590];
	[tilespmem:s11+$0x7540] =	vst v6;
	v6 =	vadd.f32 v20, v8  }
0x1bf: {  	v12 =	vld [tilespmem:s11+$0x75A0];
	v7 =	vmax.f32 v7, $0.0e+00  }
0x1c0: {  	v1 =	vld [tilespmem:s11+$0x9260];
	[tilespmem:s11+$0x7550] =	vst v7;
	v7 =	vadd.f32 v21, v9;
	v6 =	vmax.f32 v6, $0.0e+00  }
0x1c1: {  	v13 =	vld [tilespmem:s11+$0x75B0];
	[tilespmem:s11+$0x7560] =	vst v6;
	v6 =	vadd.f32 v22, v10  }
0x1c2: {  	v8 =	vld [tilespmem:s11+$0x75C0];
	v7 =	vmax.f32 v7, $0.0e+00  }
0x1c3: {  	v0 =	vld [tilespmem:s11+$0x9270];
	[tilespmem:s11+$0x7570] =	vst v7;
	v7 =	vadd.f32 v23, v11;
	v6 =	vmax.f32 v6, $0.0e+00  }
0x1c4: {  	v9 =	vld [tilespmem:s11+$0x75D0];
	[tilespmem:s11+$0x7580] =	vst v6;
	v6 =	vadd.f32 v24, v12  }
0x1c5: {  	v14 =	vld [tilespmem:s11+$0x75E0];
	v7 =	vmax.f32 v7, $0.0e+00  }
0x1c6: {  	v11 =	vld [tilespmem:s11+$0x75F0];
	[tilespmem:s11+$0x7590] =	vst v7;
	v7 =	vadd.f32 v25, v13;
	v6 =	vmax.f32 v6, $0.0e+00  }
0x1c7: {  	v12 =	vld [tilespmem:s11+$0x7600];
	[tilespmem:s11+$0x75A0] =	vst v6;
	v6 =	vadd.f32 v26, v8  }
0x1c8: {  	v15 =	vld [tilespmem:s11+$0x7610];
	v7 =	vmax.f32 v7, $0.0e+00  }
0x1c9: {  	v10 =	vld [tilespmem:s11+$0x7620];
	[tilespmem:s11+$0x75B0] =	vst v7;
	v7 =	vadd.f32 v27, v9;
	v6 =	vmax.f32 v6, $0.0e+00  }
0x1ca: {  	v9 =	vld [tilespmem:s11+$0x7630];
	[tilespmem:s11+$0x75C0] =	vst v6;
	v6 =	vadd.f32 v28, v14  }
0x1cb: {  	v11 =	vadd.f32 v29, v11;
	v8 =	vld [tilespmem:s11+$0x7640];
	v7 =	vmax.f32 v7, $0.0e+00  }
0x1cc: {  	v12 =	vadd.f32 v30, v12;
	[tilespmem:s11+$0x75D0] =	vst v7;
	v7 =	vld [tilespmem:s11+$0x7650];
	v6 =	vmax.f32 v6, $0.0e+00  }
0x1cd: {  	s15 =	simm.s32 $0x800;
	v13 =	vmax.f32 v11, $0.0e+00;
	v11 =	vadd.f32 v31, v15;
	[tilespmem:s11+$0x75E0] =	vst v6;
	v6 =	vld [tilespmem:s11+$0x7660]  }
.LBB2_7:
0x1ce: {  	s16 =	sshra.s32 s15, $0x2;
	p0 =	sne.s32 s15, $0x6800;
	[tilespmem:s11+$0x75F0] =	vst v13;
	v12 =	vmax.f32 v12, $0.0e+00;
	v5 =	vadd.f32 v5, v10;
	v10 =	vld [tilespmem:s11+$0x7670]  }
0x1cf: {  	v13 =	vld [tilespmem:s16+$0x9080];
	[tilespmem:s11+$0x7600] =	vst v12;
	v11 =	vmax.f32 v11, $0.0e+00;
	v4 =	vadd.f32 v4, v9  }
0x1d0: {  	v12 =	vld [tilespmem:s16+$0x9090];
	[tilespmem:s11+$0x7610] =	vst v11;
	v5 =	vmax.f32 v5, $0.0e+00;
	v3 =	vadd.f32 v3, v8  }
0x1d1: {  	v14 =	vld [tilespmem:s16+$0x90A0];
	[tilespmem:s11+$0x7620] =	vst v5;
	v4 =	vmax.f32 v4, $0.0e+00;
	v2 =	vadd.f32 v2, v7  }
0x1d2: {  	v15 =	vld [tilespmem:s16+$0x90B0];
	[tilespmem:s11+$0x7630] =	vst v4;
	v3 =	vmax.f32 v3, $0.0e+00;
	v1 =	vadd.f32 v1, v6  }
0x1d3: {  	v16 =	vld [tilespmem:s16+$0x90C0];
	[tilespmem:s11+$0x7640] =	vst v3;
	v2 =	vmax.f32 v2, $0.0e+00;
	v0 =	vadd.f32 v0, v10  }
0x1d4: {  	v17 =	vld [tilespmem:s16+$0x90D0];
	[tilespmem:s11+$0x7650] =	vst v2;
	v1 =	vmax.f32 v1, $0.0e+00  }
0x1d5: {  	v18 =	vld [tilespmem:s16+$0x90E0];
	[tilespmem:s11+$0x7660] =	vst v1;
	v0 =	vmax.f32 v0, $0.0e+00  }
0x1d6: {  	v19 =	vld [tilespmem:s16+$0x90F0];
	[tilespmem:s11+$0x7670] =	vst v0;
	s11 =	smov.u32 s16  }
0x1d7: {  	v20 =	vld [tilespmem:s11+$0x9100]  }
0x1d8: {  	v21 =	vld [tilespmem:s11+$0x9110]  }
0x1d9: {  	v22 =	vld [tilespmem:s11+$0x9120]  }
0x1da: {  	v23 =	vld [tilespmem:s11+$0x9130]  }
0x1db: {  	v24 =	vld [tilespmem:s11+$0x9140]  }
0x1dc: {  	v25 =	vld [tilespmem:s11+$0x9150]  }
0x1dd: {  	v26 =	vld [tilespmem:s11+$0x9160]  }
0x1de: {  	v27 =	vld [tilespmem:s11+$0x9170]  }
0x1df: {  	v28 =	vld [tilespmem:s11+$0x9180]  }
0x1e0: {  	v29 =	vld [tilespmem:s11+$0x9190]  }
0x1e1: {  	v30 =	vld [tilespmem:s11+$0x91A0]  }
0x1e2: {  	v31 =	vld [tilespmem:s11+$0x91B0]  }
0x1e3: {  	v11 =	vld [tilespmem:s11+$0x91C0]  }
0x1e4: {  	v10 =	vld [tilespmem:s11+$0x91D0]  }
0x1e5: {  	v9 =	vld [tilespmem:s11+$0x91E0]  }
0x1e6: {  	v8 =	vld [tilespmem:s11+$0x91F0]  }
0x1e7: {  	v7 =	vld [tilespmem:s11+$0x9200]  }
0x1e8: {  	v6 =	vld [tilespmem:s11+$0x9210]  }
0x1e9: {  	v5 =	vld [tilespmem:s11+$0x9220]  }
0x1ea: {  	v4 =	vld [tilespmem:s11+$0x9230]  }
0x1eb: {  	v3 =	vld [tilespmem:s11+$0x9240]  }
0x1ec: {  	v2 =	vld [tilespmem:s11+$0x9250]  }
0x1ed: {  	v1 =	vld [tilespmem:s11+$0x9260]  }
0x1ee: {  	v0 =	vld [tilespmem:s11+$0x9270]  }
0x1ef: {  	v32 =	vld [tilespmem:s11+$0x7480]  }
0x1f0: {  	v33 =	vld [tilespmem:s11+$0x7490]  }
0x1f1: {  	v34 =	vld [tilespmem:s11+$0x74A0]  }
0x1f2: {  	v35 =	vld [tilespmem:s11+$0x74B0]  }
0x1f3: {  	v36 =	vld [tilespmem:s11+$0x74C0]  }
0x1f4: {  	v13 =	vadd.f32 v13, v32;
	v32 =	vld [tilespmem:s11+$0x74D0]  }
0x1f5: {  	v12 =	vadd.f32 v12, v33;
	v33 =	vld [tilespmem:s11+$0x74E0]  }
0x1f6: {  	v13 =	vmax.f32 v13, $0.0e+00;
	v14 =	vadd.f32 v14, v34;
	v34 =	vld [tilespmem:s11+$0x74F0]  }
0x1f7: {  	[tilespmem:s11+$0x7480] =	vst v13;
	v12 =	vmax.f32 v12, $0.0e+00;
	v13 =	vadd.f32 v15, v35;
	v15 =	vld [tilespmem:s11+$0x7500]  }
0x1f8: {  	[tilespmem:s11+$0x7490] =	vst v12;
	v12 =	vmax.f32 v14, $0.0e+00;
	v14 =	vadd.f32 v16, v36;
	v16 =	vld [tilespmem:s11+$0x7510]  }
0x1f9: {  	[tilespmem:s11+$0x74A0] =	vst v12;
	v12 =	vmax.f32 v13, $0.0e+00;
	v13 =	vadd.f32 v17, v32;
	v17 =	vld [tilespmem:s11+$0x7520]  }
0x1fa: {  	[tilespmem:s11+$0x74B0] =	vst v12;
	v12 =	vmax.f32 v14, $0.0e+00;
	v14 =	vadd.f32 v18, v33;
	v18 =	vld [tilespmem:s11+$0x7530]  }
0x1fb: {  	[tilespmem:s11+$0x74C0] =	vst v12;
	v12 =	vmax.f32 v13, $0.0e+00;
	v13 =	vadd.f32 v19, v34;
	v19 =	vld [tilespmem:s11+$0x7540]  }
0x1fc: {  	[tilespmem:s11+$0x74D0] =	vst v12;
	v12 =	vmax.f32 v14, $0.0e+00;
	v14 =	vadd.f32 v20, v15;
	v15 =	vld [tilespmem:s11+$0x7550]  }
0x1fd: {  	[tilespmem:s11+$0x74E0] =	vst v12;
	v12 =	vmax.f32 v13, $0.0e+00;
	v13 =	vadd.f32 v21, v16;
	v16 =	vld [tilespmem:s11+$0x7560]  }
0x1fe: {  	[tilespmem:s11+$0x74F0] =	vst v12;
	v12 =	vmax.f32 v14, $0.0e+00;
	v14 =	vadd.f32 v22, v17;
	v17 =	vld [tilespmem:s11+$0x7570]  }
0x1ff: {  	[tilespmem:s11+$0x7500] =	vst v12;
	v12 =	vmax.f32 v13, $0.0e+00;
	v13 =	vadd.f32 v23, v18;
	v18 =	vld [tilespmem:s11+$0x7580]  }
0x200: {  	[tilespmem:s11+$0x7510] =	vst v12;
	v12 =	vmax.f32 v14, $0.0e+00;
	v14 =	vadd.f32 v24, v19;
	v19 =	vld [tilespmem:s11+$0x7590]  }
0x201: {  	[tilespmem:s11+$0x7520] =	vst v12;
	v12 =	vmax.f32 v13, $0.0e+00;
	v13 =	vadd.f32 v25, v15;
	v15 =	vld [tilespmem:s11+$0x75A0]  }
0x202: {  	[tilespmem:s11+$0x7530] =	vst v12;
	v12 =	vmax.f32 v14, $0.0e+00;
	v14 =	vadd.f32 v26, v16;
	v16 =	vld [tilespmem:s11+$0x75B0]  }
0x203: {  	[tilespmem:s11+$0x7540] =	vst v12;
	v12 =	vmax.f32 v13, $0.0e+00;
	v13 =	vadd.f32 v27, v17;
	v17 =	vld [tilespmem:s11+$0x75C0]  }
0x204: {  	[tilespmem:s11+$0x7550] =	vst v12;
	v12 =	vmax.f32 v14, $0.0e+00;
	v14 =	vadd.f32 v28, v18;
	v18 =	vld [tilespmem:s11+$0x75D0]  }
0x205: {  	[tilespmem:s11+$0x7560] =	vst v12;
	v12 =	vmax.f32 v13, $0.0e+00;
	v13 =	vadd.f32 v29, v19;
	v19 =	vld [tilespmem:s11+$0x75E0]  }
0x206: {  	[tilespmem:s11+$0x7570] =	vst v12;
	v12 =	vmax.f32 v14, $0.0e+00;
	v14 =	vadd.f32 v30, v15;
	v15 =	vld [tilespmem:s11+$0x75F0]  }
0x207: {  	[tilespmem:s11+$0x7580] =	vst v12;
	v12 =	vmax.f32 v13, $0.0e+00;
	v13 =	vadd.f32 v31, v16;
	v16 =	vld [tilespmem:s11+$0x7600]  }
0x208: {  	[tilespmem:s11+$0x7590] =	vst v12;
	v12 =	vmax.f32 v14, $0.0e+00;
	v11 =	vadd.f32 v11, v17;
	v14 =	vld [tilespmem:s11+$0x7610]  }
.Ltmp2:
0x209: {  	[tilespmem:s11+$0x75A0] =	vst v12;
	v12 =	vmax.f32 v13, $0.0e+00;
	v13 =	vadd.f32 v10, v18;
	v10 =	vld [tilespmem:s11+$0x7620];
	(pc) =	sbr.rel @p0 .LBB2_7-.Ltmp2, $4  }
0x20a: {  	[tilespmem:s11+$0x75B0] =	vst v12;
	v11 =	vmax.f32 v11, $0.0e+00;
	v12 =	vadd.f32 v9, v19;
	v9 =	vld [tilespmem:s11+$0x7630]  }
0x20b: {  	[tilespmem:s11+$0x75C0] =	vst v11;
	v11 =	vmax.f32 v13, $0.0e+00;
	v13 =	vadd.f32 v8, v15;
	v8 =	vld [tilespmem:s11+$0x7640]  }
0x20c: {  	[tilespmem:s11+$0x75D0] =	vst v11;
	v11 =	vmax.f32 v12, $0.0e+00;
	v12 =	vadd.f32 v7, v16;
	v7 =	vld [tilespmem:s11+$0x7650]  }
0x20d: {  	s15 =	sadd.s32 $0x800, s15;
	[tilespmem:s11+$0x75E0] =	vst v11;
	v13 =	vmax.f32 v13, $0.0e+00;
	v11 =	vadd.f32 v6, v14;
	v6 =	vld [tilespmem:s11+$0x7660]  }
0x20e: {  	[tilespmem:s11+$0x75F0] =	vst v13;
	v12 =	vmax.f32 v12, $0.0e+00;
	v5 =	vadd.f32 v5, v10;
	v63 =	vld [tilespmem:s11+$0x7670]  }
0x20f: {  	[tilespmem:s11+$0x7600] =	vst v12;
	v11 =	vmax.f32 v11, $0.0e+00;
	v4 =	vadd.f32 v4, v9  }
0x210: {  	[tilespmem:s11+$0x7610] =	vst v11;
	v5 =	vmax.f32 v5, $0.0e+00;
	v3 =	vadd.f32 v3, v8  }
0x211: {  	s21 =	sadd.s32 $0x1, s21;
	[tilespmem:s11+$0x7620] =	vst v5;
	v4 =	vmax.f32 v4, $0.0e+00;
	v2 =	vadd.f32 v2, v7  }
0x212: {  	p0 =	sne.s32 s21, $0x3C;
	[tilespmem:s11+$0x7630] =	vst v4;
	v3 =	vmax.f32 v3, $0.0e+00;
	v1 =	vadd.f32 v1, v6  }
.Ltmp3:
0x213: {  	[tilespmem:s11+$0x7640] =	vst v3;
	v2 =	vmax.f32 v2, $0.0e+00;
	v0 =	vadd.f32 v0, v63;
	(pc) =	sbr.rel @p0 .LBB2_2-.Ltmp3, $4  }
0x214: {  	[tilespmem:s11+$0x7650] =	vst v2;
	v1 =	vmax.f32 v1, $0.0e+00  }
0x215: {  	[tilespmem:s11+$0x7660] =	vst v1;
	v0 =	vmax.f32 v0, $0.0e+00  }
0x216: {  	[tilespmem:s11+$0x7670] =	vst v0  }
0x217: {  	[spmem:s1] =	stream.indirect.scatter.add.f32 [tilespmem:s2], [sflag:$0x9], $0x80, s10, s22, $0xb8;
	[tilespmem:$0x1E880] =	vst v63  }
0x218: {  	s11 =	simm.s32 $0x7  }
0x219: {  	_ =	swait.ge [sflag:s11], $0x1C00  }
0x21a: {  	[sflag:s11] =	ssyncset.done $0x0  }
0x21b: {  	s15 =	simm.s32 $0x8;
	[sflag:s11] =	ssyncadd.s32 $0xFFFFE400  }
0x21c: {  	_ =	swait.ge [sflag:s15], $0x1C00  }
0x21d: {  	[sflag:s15] =	ssyncset.done $0x0  }
0x21e: {  	s16 =	simm.s32 $0x9;
	[sflag:s15] =	ssyncadd.s32 $0xFFFFE400  }
0x21f: {  	_ =	swait.ge [sflag:s16], $0x1C00  }
0x220: {  	[sflag:s16] =	ssyncset.done $0x0  }
0x221: {  	[sflag:s16] =	ssyncadd.s32 $0xFFFFE400  }
0x222: {  	[bflag:$0x0] =	sbarrier.arrive $0xFFFF  }
0x223: {  	s21 =	rddreg [dreg:$0x8]  }
0x224: {  	[hbm:s21], [sflag:s9] =	dma.local [spmem:s17], $0x2780  }
0x225: {  	_ =	swait.ge [sflag:s18], $0x2780  }
0x226: {  	s7 =	sadd.s32 $0x1, s7;
	s26 =	rddreg [dreg:$0x7]  }
0x227: {  	p0 =	sne.s32 s7, s26  }
.Ltmp4:
0x228: {  	_ = 	snop;
	(pc) =	sbr.rel @p0 .LBB2_1-.Ltmp4, $3  }
0x229: {  	_ =	sdelay $0x1  }
0x22a: {  	[sflag:s18] =	ssyncset.done $0x0  }
0x22b: {  	[sflag:s18] =	ssyncadd.s32 $0xFFFFD880  }
0x22c: {  	_ =	sfence.sel $0x180000  }
0x22d: {  	[bflag:$0x0] =	sbarrier.arrive $0xFFFF  }
0x22e: {  	_ =	strace $0x90000047  }
0x22f: {  	s0 =	stileid.u32;
	[bflag:$0x2] =	sbarrier.arrive $0xFFFF  }
0x230: {  	p0 =	sne.s32 s0, $0x0;
	s0 =	rddreg [dreg:$0x2]  }
0x231: {  	s0 =	sadd.s32 @!p0 $0x100000, s0  }
0x232: {  	[sflag:s0] =	ssyncadd.tile.s32 @!p0 $0x1;
	_ =	shalt  }
.Lfunc_end2:
_tile_overlayer_lowered:
.L_overlay_start_2:
0x233: {  	(tag) =	ssettag $0x2  }
0x234: {  	s0 =	rddreg [dreg:$0x0];
	s2 =	stileid.u32  }
0x235: {  	s1 =	rddreg [dreg:$0x1];
	p0 =	sne.s32 s2, $0x0  }
0x236: {  	s3 =	rddreg [dreg:$0x2];
	[bflag:$0x3] =	sbarrier.arrive $0xFFFF;
	s2 =	simm.s32 @!p0 $0x1C0A  }
0x237: {  	[timem:s3], [sflag:s2] =	dma.local @!p0 [hbm:s0], s1  }
0x238: {  	s0 =	simm.s32 @!p0 $0xA  }
0x239: {  	_ =	swait.ge @!p0 [sflag:s0], s1  }
0x23a: {  	s1 =	ssub.s32 @!p0 $0x0, s1;
	[sflag:s0] =	ssyncset.done @!p0 $0x0  }
0x23b: {  	[sflag:s0] =	ssyncadd.s32 @!p0 s1  }
0x23c: {  	[bflag:$0x3] =	sbarrier.arrive $0xFFFF  }
0x23d: {  	_ =	shalt  }

</sc_bundles>
